<compile_context>
chip_gen: v7x
topology: tpu7x:2x2x1
jax: 0.10.2.dev20260603
libtpu: 0.0.44.dev20260713+nightly
codegen_flags: <defaults>
</compile_context>

<pallas_src>
import functools

import jax
import jax.numpy as jnp
from jax import lax
from jax.experimental import pallas as pl
from jax.experimental.pallas import tpu as pltpu
from jax.experimental.pallas import tpu_sc as plsc

N = 10000
NPAD = 10240
E = 320000
EPS = 1e-5
NC = 2
NS = 16
K = 128
ROWS_PER_TILE = NPAD // NS

_MESH = plsc.VectorSubcoreMesh(core_axis_name="c", subcore_axis_name="s",
                               num_cores=NC, num_subcores=NS)
_PREC = jax.lax.Precision.HIGHEST


def _zero_fill_gbuf(gbuf):
    cols = gbuf.shape[1] // 16

    def row(i, _):
        def col(k, _):
            gbuf[i, pl.ds(k * 16, 16)] = jnp.zeros((16,), jnp.float32)
            return ()
        lax.fori_loop(0, cols, col, ())
        return ()
    lax.fori_loop(0, 128, row, ())


def _zero_acc_slice(gbuf, acc, sid):
    zbase = sid * ROWS_PER_TILE

    def zloop(m, _):
        pltpu.sync_copy(gbuf, acc.at[pl.ds(zbase + m * 128, 128)])
        return ()
    lax.fori_loop(0, ROWS_PER_TILE // 128, zloop, ())


def _agg_edges(src_hbm, dst_hbm, table, acc, s0, d0, g0, s1, d1, g1,
               sidx_r, didx_r, gbuf_r, sem0, sem1, ebase, n_full, rem):
    assert n_full % 2 == 0 and n_full >= 2
    pairs = n_full // 2

    def load(off, s, d):
        pltpu.sync_copy(src_hbm.at[pl.ds(off, K)], s)
        pltpu.sync_copy(dst_hbm.at[pl.ds(off, K)], d)

    load(ebase, s0, d0)
    pltpu.async_copy(table.at[s0], g0, sem0)

    def pair(p, _):
        load(ebase + (2 * p + 1) * K, s1, d1)
        pltpu.async_copy(table.at[s1], g1, sem1)
        pltpu.make_async_copy(table.at[s0], g0, sem0).wait()
        pltpu.sync_copy(g0, acc.at[d0], add=True)
        load(ebase + (2 * p + 2) * K, s0, d0)
        pltpu.async_copy(table.at[s0], g0, sem0)
        pltpu.make_async_copy(table.at[s1], g1, sem1).wait()
        pltpu.sync_copy(g1, acc.at[d1], add=True)
        return ()
    lax.fori_loop(0, pairs - 1, pair, ())

    load(ebase + (n_full - 1) * K, s1, d1)
    pltpu.async_copy(table.at[s1], g1, sem1)
    pltpu.make_async_copy(table.at[s0], g0, sem0).wait()
    pltpu.sync_copy(g0, acc.at[d0], add=True)
    pltpu.make_async_copy(table.at[s1], g1, sem1).wait()
    pltpu.sync_copy(g1, acc.at[d1], add=True)

    off = ebase + n_full * K
    pltpu.sync_copy(src_hbm.at[pl.ds(off, rem)], sidx_r)
    pltpu.sync_copy(dst_hbm.at[pl.ds(off, rem)], didx_r)
    pltpu.async_copy(table.at[sidx_r], gbuf_r, sem0).wait()
    pltpu.sync_copy(gbuf_r, acc.at[didx_r], add=True)



@functools.partial(
    pl.kernel,
    out_type=jax.ShapeDtypeStruct((NC, NPAD, 128), jnp.float32),
    mesh=_MESH,
    scratch_types=[
        pltpu.VMEM((K,), jnp.int32),
        pltpu.VMEM((16,), jnp.int32),
        pltpu.VMEM((K, 128), jnp.float32),
        pltpu.VMEM((K, 128), jnp.float32),
        pltpu.VMEM_SHARED((NPAD, 128), jnp.float32),
    ],
)
def _deg_kernel(dst_hbm, out_hbm, didx, didx_r, ones, zbuf, acc):
    cid = lax.axis_index("c")
    sid = lax.axis_index("s")
    wid = cid * NS + sid

    def fill(i, _):
        def fc(j, _):
            ones[i, pl.ds(j * 16, 16)] = jnp.ones((16,), jnp.float32)
            zbuf[i, pl.ds(j * 16, 16)] = jnp.zeros((16,), jnp.float32)
            return ()
        lax.fori_loop(0, 8, fc, ())
        return ()
    lax.fori_loop(0, K, fill, ())
    _zero_acc_slice(zbuf, acc, sid)
    plsc.subcore_barrier()

    e_per = E // (NC * NS)
    n_full, rem = e_per // K, e_per % K
    ebase = wid * e_per

    def chunk(j, _):
        pltpu.sync_copy(dst_hbm.at[pl.ds(ebase + j * K, K)], didx)
        pltpu.sync_copy(ones, acc.at[didx], add=True)
        return ()
    lax.fori_loop(0, n_full, chunk, ())
    pltpu.sync_copy(dst_hbm.at[pl.ds(ebase + n_full * K, rem)], didx_r)
    pltpu.sync_copy(ones.at[pl.ds(0, rem)], acc.at[didx_r], add=True)

    plsc.subcore_barrier()
    rbase = sid * ROWS_PER_TILE

    @pl.when(cid == 0)
    def _():
        pltpu.sync_copy(acc.at[pl.ds(rbase, ROWS_PER_TILE)],
                        out_hbm.at[0, pl.ds(rbase, ROWS_PER_TILE)])

    @pl.when(cid == 1)
    def _():
        pltpu.sync_copy(acc.at[pl.ds(rbase, ROWS_PER_TILE)],
                        out_hbm.at[1, pl.ds(rbase, ROWS_PER_TILE)])



@functools.partial(
    pl.kernel,
    out_type=jax.ShapeDtypeStruct((NC, NPAD, 128), jnp.float32),
    mesh=_MESH,
    scratch_types=[
        pltpu.VMEM((K,), jnp.int32),
        pltpu.VMEM((K,), jnp.int32),
        pltpu.VMEM((K, 128), jnp.float32),
        pltpu.VMEM((K,), jnp.int32),
        pltpu.VMEM((K,), jnp.int32),
        pltpu.VMEM((K, 128), jnp.float32),
        pltpu.VMEM((16,), jnp.int32),
        pltpu.VMEM((16,), jnp.int32),
        pltpu.VMEM((16, 128), jnp.float32),
        pltpu.SemaphoreType.DMA,
        pltpu.SemaphoreType.DMA,
        pltpu.VMEM_SHARED((NPAD, 128), jnp.float32),
    ],
)
def _agg_a_kernel(src_hbm, dst_hbm, table_hbm, out_hbm,
                  s0, d0, g0, s1, d1, g1, sidx_r, didx_r, gbuf_r,
                  sem0, sem1, acc):
    cid = lax.axis_index("c")
    sid = lax.axis_index("s")

    _zero_fill_gbuf(g0)
    _zero_acc_slice(g0, acc, sid)
    plsc.subcore_barrier()

    e_per = E // (NC * NS)
    ebase = cid * (E // NC) + sid * e_per
    _agg_edges(src_hbm, dst_hbm, table_hbm, acc, s0, d0, g0, s1, d1, g1,
               sidx_r, didx_r, gbuf_r, sem0, sem1, ebase, e_per // K, e_per % K)

    plsc.subcore_barrier()
    rbase = sid * ROWS_PER_TILE

    @pl.when(cid == 0)
    def _():
        pltpu.sync_copy(acc.at[pl.ds(rbase, ROWS_PER_TILE)],
                        out_hbm.at[0, pl.ds(rbase, ROWS_PER_TILE)])

    @pl.when(cid == 1)
    def _():
        pltpu.sync_copy(acc.at[pl.ds(rbase, ROWS_PER_TILE)],
                        out_hbm.at[1, pl.ds(rbase, ROWS_PER_TILE)])



@functools.partial(
    pl.kernel,
    out_type=(jax.ShapeDtypeStruct((NPAD, 128), jnp.float32),
              jax.ShapeDtypeStruct((NPAD, 128), jnp.float32)),
    mesh=_MESH,
    scratch_types=[
        pltpu.VMEM((K,), jnp.int32),
        pltpu.VMEM((K,), jnp.int32),
        pltpu.VMEM((K, 128), jnp.float32),
        pltpu.VMEM((K,), jnp.int32),
        pltpu.VMEM((K,), jnp.int32),
        pltpu.VMEM((K, 128), jnp.float32),
        pltpu.VMEM((32,), jnp.int32),
        pltpu.VMEM((32,), jnp.int32),
        pltpu.VMEM((32, 128), jnp.float32),
        pltpu.SemaphoreType.DMA,
        pltpu.SemaphoreType.DMA,
        pltpu.VMEM_SHARED((NPAD, 128), jnp.float32),
    ],
)
def _agg_b_kernel(src_hbm, dst_hbm, ta_hbm, tb_hbm, outa_hbm, outb_hbm,
                  s0, d0, g0, s1, d1, g1, sidx_r, didx_r, gbuf_r,
                  sem0, sem1, acc):
    cid = lax.axis_index("c")
    sid = lax.axis_index("s")

    _zero_fill_gbuf(g0)
    _zero_acc_slice(g0, acc, sid)
    plsc.subcore_barrier()

    e_per = E // NS
    ebase = sid * e_per
    n_full, rem = e_per // K, e_per % K

    @pl.when(cid == 0)
    def _():
        _agg_edges(src_hbm, dst_hbm, ta_hbm, acc, s0, d0, g0, s1, d1, g1,
                   sidx_r, didx_r, gbuf_r, sem0, sem1, ebase, n_full, rem)

    @pl.when(cid == 1)
    def _():
        _agg_edges(src_hbm, dst_hbm, tb_hbm, acc, s0, d0, g0, s1, d1, g1,
                   sidx_r, didx_r, gbuf_r, sem0, sem1, ebase, n_full, rem)

    plsc.subcore_barrier()
    rbase = sid * ROWS_PER_TILE

    @pl.when(cid == 0)
    def _():
        pltpu.sync_copy(acc.at[pl.ds(rbase, ROWS_PER_TILE)],
                        outa_hbm.at[pl.ds(rbase, ROWS_PER_TILE)])

    @pl.when(cid == 1)
    def _():
        pltpu.sync_copy(acc.at[pl.ds(rbase, ROWS_PER_TILE)],
                        outb_hbm.at[pl.ds(rbase, ROWS_PER_TILE)])



def _dot(a, b):
    return jnp.dot(a, b, precision=_PREC, preferred_element_type=jnp.float32)


def _row_mask():
    return (lax.broadcasted_iota(jnp.int32, (NPAD, 1), 0) < N).astype(jnp.float32)


def _bn_relu(h, g, be, relu):
    mask = _row_mask()
    h = h * mask
    mean = jnp.sum(h, axis=0, keepdims=True) * (1.0 / N)
    d = (h - mean) * mask
    var = jnp.sum(d * d, axis=0, keepdims=True) * (1.0 / N)
    hn = (h - mean) * lax.rsqrt(var + EPS) * g + be
    if relu:
        hn = jnp.maximum(hn, 0.0)
    return hn * mask


def _tc1_body(x_ref, w_ref, degp_ref, xws_ref, dinv_ref):
    deg = degp_ref[0] + degp_ref[1] + 1.0
    dinv = lax.rsqrt(deg)[:, 0:1]
    xw = _dot(x_ref[...], w_ref[...])
    xws_ref[...] = xw * dinv
    dinv_ref[...] = dinv


def _tc_post_final_body(agg_ref, xws_ref, dinv_ref, b_ref, g_ref, be_ref,
                        out_ref):
    h = (dinv_ref[...] * (agg_ref[0] + agg_ref[1] + xws_ref[...])
         + b_ref[...])
    hn = _bn_relu(h, g_ref[...], be_ref[...], relu=False)
    out_ref[...] = hn[0:N, :]


def _tc_post_body(agg_ref, xws_ref, dinv_ref, b_ref, g_ref, be_ref, out_ref,
                  *, relu):
    h = (dinv_ref[...] * (agg_ref[0] + agg_ref[1] + xws_ref[...])
         + b_ref[...])
    out_ref[...] = _bn_relu(h, g_ref[...], be_ref[...], relu=relu)


def _tc_pre256_body(hn_ref, w_ref, dinv_ref, outa_ref, outb_ref):
    xw = _dot(hn_ref[...], w_ref[...]) * dinv_ref[...]
    outa_ref[...] = xw[:, 0:128]
    outb_ref[...] = xw[:, 128:256]


def _tc_post_half_body(agg_ref, xws_ref, dinv_ref, b_ref, g_ref, be_ref,
                       out_ref):
    h = dinv_ref[...] * (agg_ref[...] + xws_ref[...]) + b_ref[...]
    out_ref[...] = _bn_relu(h, g_ref[...], be_ref[...], relu=True)


def _tc_pre_cat_body(hna_ref, hnb_ref, w_ref, dinv_ref, out_ref):
    xw = (_dot(hna_ref[...], w_ref[0:128, :])
          + _dot(hnb_ref[...], w_ref[128:256, :]))
    out_ref[...] = xw * dinv_ref[...]


_F32 = jnp.float32
_P128 = jax.ShapeDtypeStruct((NPAD, 128), _F32)
_CP = pltpu.CompilerParams(vmem_limit_bytes=128 * 1024 * 1024)
_tc1 = pl.pallas_call(
    _tc1_body, compiler_params=_CP,
    out_shape=(_P128, jax.ShapeDtypeStruct((NPAD, 1), _F32)))
_tc_post_final = pl.pallas_call(
    _tc_post_final_body, compiler_params=_CP,
    out_shape=jax.ShapeDtypeStruct((N, 128), _F32))
_tc_post = pl.pallas_call(
    functools.partial(_tc_post_body, relu=True), compiler_params=_CP,
    out_shape=_P128)
_tc_pre256 = pl.pallas_call(_tc_pre256_body, compiler_params=_CP,
                            out_shape=(_P128, _P128))
_tc_post_half = pl.pallas_call(_tc_post_half_body, compiler_params=_CP,
                               out_shape=_P128)
_tc_pre_cat = pl.pallas_call(_tc_pre_cat_body, compiler_params=_CP,
                             out_shape=_P128)



def kernel(x, edge_index, W1, b1, g1, be1, W2, b2, g2, be2, W5, b5, g5, be5):
    src = edge_index[0]
    dst = edge_index[1]
    xp = jnp.zeros((NPAD, x.shape[1]), jnp.float32).at[:N].set(x)
    r = lambda v: v.reshape(1, -1)

    degp = _deg_kernel(dst)
    xws1, dinv = _tc1(xp, W1, degp)
    agg1 = _agg_a_kernel(src, dst, xws1)
    hn1 = _tc_post(agg1, xws1, dinv, r(b1), r(g1), r(be1))
    xws2a, xws2b = _tc_pre256(hn1, W2, dinv)
    agg2a, agg2b = _agg_b_kernel(src, dst, xws2a, xws2b)
    hn2a = _tc_post_half(agg2a, xws2a, dinv,
                         r(b2[0:128]), r(g2[0:128]), r(be2[0:128]))
    hn2b = _tc_post_half(agg2b, xws2b, dinv,
                         r(b2[128:256]), r(g2[128:256]), r(be2[128:256]))
    xws5 = _tc_pre_cat(hn2a, hn2b, W5, dinv)
    agg3 = _agg_a_kernel(src, dst, xws5)
    out = _tc_post_final(agg3, xws5, dinv, r(b5), r(g5), r(be5))
    return out

# --- scband reference (transcript-rebuilt; emitter-appended) ---
"""Pipeline reference for scband-gcn-79499844649691 (READ-ONLY COPY).

The authoritative reference and input builder live on the scoring server;
editing this copy changes nothing except your own understanding.
"""

import jax, jax.numpy as jnp
import numpy as np

N_NODES = 10000
N_EDGES = 320000
IN_CH = 128
HID = 128
OUT_CH = 128
EPS = 1e-5


def _glorot(key, shape):
    fan_in, fan_out = shape[0], shape[1]
    scale = jnp.sqrt(6.0 / (fan_in + fan_out))
    return jax.random.uniform(key, shape, jnp.float32, -scale, scale)


def setup_inputs(seed: int = 0) -> dict:
    key = jax.random.key(seed)
    ks = jax.random.split(key, 8)
    x = jax.random.normal(ks[0], (N_NODES, IN_CH), dtype=jnp.float32)
    edge_index = jax.random.randint(ks[1], (2, N_EDGES), 0, N_NODES, dtype=jnp.int64 if jax.config.jax_enable_x64 else jnp.int32).astype(jnp.int32)
    W1 = _glorot(ks[2], (IN_CH, HID))
    b1 = jnp.zeros((HID,), jnp.float32)
    g1 = jnp.ones((HID,), jnp.float32)
    be1 = jnp.zeros((HID,), jnp.float32)
    W2 = _glorot(ks[3], (HID, HID * 2))
    b2 = jnp.zeros((HID * 2,), jnp.float32)
    g2 = jnp.ones((HID * 2,), jnp.float32)
    be2 = jnp.zeros((HID * 2,), jnp.float32)
    W5 = _glorot(ks[4], (HID * 2, OUT_CH))
    b5 = jnp.zeros((OUT_CH,), jnp.float32)
    g5 = jnp.ones((OUT_CH,), jnp.float32)
    be5 = jnp.zeros((OUT_CH,), jnp.float32)
    return {"x": x, "edge_index": edge_index,
            "W1": W1, "b1": b1, "g1": g1, "be1": be1,
            "W2": W2, "b2": b2, "g2": g2, "be2": be2,
            "W5": W5, "b5": b5, "g5": g5, "be5": be5}


def _gcn_conv(x, edge_index, W, b):
    n = x.shape[0]
    loop = jnp.arange(n, dtype=edge_index.dtype)
    src = jnp.concatenate([edge_index[0], loop])
    dst = jnp.concatenate([edge_index[1], loop])
    ones = jnp.ones(src.shape[0], jnp.float32)
    deg = jnp.zeros((n,), jnp.float32).at[dst].add(ones)
    dinv = jnp.where(deg > 0, 1.0 / jnp.sqrt(deg), 0.0)
    norm = dinv[src] * dinv[dst]
    xw = x @ W
    msg = xw[src] * norm[:, None]
    out = jnp.zeros((n, W.shape[1]), jnp.float32).at[dst].add(msg)
    return out + b


def _batch_norm(x, gamma, beta):
    mean = jnp.mean(x, axis=0)
    var = jnp.mean((x - mean) ** 2, axis=0)
    return (x - mean) / jnp.sqrt(var + EPS) * gamma + beta


def reference(x, edge_index, W1, b1, g1, be1, W2, b2, g2, be2, W5, b5, g5, be5):
    h = _gcn_conv(x, edge_index, W1, b1)
    h = _batch_norm(h, g1, be1)
    h = jax.nn.relu(h)
    h = _gcn_conv(h, edge_index, W2, b2)
    h = _batch_norm(h, g2, be2)
    h = jax.nn.relu(h)
    h = _gcn_conv(h, edge_index, W5, b5)
    h = _batch_norm(h, g5, be5)
    return h


if False:  # reference __main__ guard neutralized (emitter)
    out = reference(**setup_inputs())
    print(out.shape)

if __name__ == "__main__":
    import jax
    _d = setup_inputs()
    print(jax.jit(kernel)(*tuple(_d.values())))

</pallas_src>

<mosaic_0001>
#map = affine_map<(d0, d1) -> (0)>
#map1 = affine_map<(d0, d1) -> (0, 0)>
#map2 = affine_map<(d0, d1) -> (0, 0, 0)>
module attributes {stable_mosaic.version = 14 : i64} {
  func.func @_agg_a_kernel(%arg0: i32, %arg1: i32, %arg2: memref<320000xi32, #tpu.memory_space<hbm>>, %arg3: memref<320000xi32, #tpu.memory_space<hbm>>, %arg4: memref<10240x128xf32, #tpu.memory_space<hbm>>, %arg5: memref<2x10240x128xf32, #tpu.memory_space<hbm>>, %arg6: memref<128xi32, #tpu.memory_space<vmem>>, %arg7: memref<128xi32, #tpu.memory_space<vmem>>, %arg8: memref<128x128xf32, #tpu.memory_space<vmem>>, %arg9: memref<128xi32, #tpu.memory_space<vmem>>, %arg10: memref<128xi32, #tpu.memory_space<vmem>>, %arg11: memref<128x128xf32, #tpu.memory_space<vmem>>, %arg12: memref<16xi32, #tpu.memory_space<vmem>>, %arg13: memref<16xi32, #tpu.memory_space<vmem>>, %arg14: memref<16x128xf32, #tpu.memory_space<vmem>>, %arg15: memref<!tpu.dma_semaphore, #tpu.memory_space<semaphore_mem>>, %arg16: memref<!tpu.dma_semaphore, #tpu.memory_space<semaphore_mem>>, %arg17: memref<10240x128xf32, #tpu.memory_space<vmem_shared>>) attributes {dimension_semantics = [#tpu.dimension_semantics<core_parallel>, #tpu.dimension_semantics<subcore_parallel>], iteration_bounds = array<i64: 2, 16>, scalar_prefetch = 0 : i64, scratch_operands = 12 : i64, tpu.core_type = #tpu.core_type<sc_vector_subcore>, window_params = [{transform_indices = #map}, {transform_indices = #map}, {transform_indices = #map1}, {transform_indices = #map2}]} {
    %scan3A = arith.constant 0 : i32
    %scan3A_0 = arith.constant 128 : i32
    %scan3A_1 = arith.addi %scan3A, %scan3A_0 : i32
    %scan3A_2 = arith.constant 1 : i32
    scf.for %scan3A_49 = %scan3A to %scan3A_1 step %scan3A_2  : i32 {
      %scan3A_50 = arith.constant 0 : i32
      %scan3A_51 = arith.constant 8 : i32
      %scan3A_52 = arith.addi %scan3A_50, %scan3A_51 : i32
      %scan3A_53 = arith.constant 1 : i32
      scf.for %scan3A_55 = %scan3A_50 to %scan3A_52 step %scan3A_53  : i32 {
        %broadcast_in_dim3A = arith.constant 0.000000e+00 : f32
        %broadcast_in_dim3A_56 = vector.broadcast %broadcast_in_dim3A : f32 to vector<16xf32>
        %mul3A_57 = arith.constant 16 : i32
        %mul3A_58 = arith.muli %scan3A_55, %mul3A_57 : i32
        %swap3A = arith.index_cast %scan3A_49 : i32 to index
        %swap3A_59 = arith.index_cast %mul3A_58 : i32 to index
        %swap3A_60 = tpu.vector_load %arg8[%swap3A, %swap3A_59] {strides = array<i32>} : memref<128x128xf32, #tpu.memory_space<vmem>>, vector<1x16xf32>,
        %swap3A_61 = vector.shape_cast %swap3A_60 : vector<1x16xf32> to vector<16xf32>
        %swap3A_62 = vector.shape_cast %broadcast_in_dim3A_56 : vector<16xf32> to vector<1x16xf32>
        tpu.vector_store %arg8[%swap3A, %swap3A_59], %swap3A_62 {strides = array<i32>} : memref<128x128xf32, #tpu.memory_space<vmem>>, vector<1x16xf32>,
      }
      %scan3A_54 = arith.constant 8 : i32
    }
    %scan3A_3 = arith.constant 128 : i32
    %mul3A = arith.constant 640 : i32
    %mul3A_4 = arith.muli %arg1, %mul3A : i32
    %scan3A_5 = arith.constant 0 : i32
    %scan3A_6 = arith.constant 5 : i32
    %scan3A_7 = arith.addi %scan3A_5, %scan3A_6 : i32
    %scan3A_8 = arith.constant 1 : i32
    scf.for %scan3A_49 = %scan3A_5 to %scan3A_7 step %scan3A_8  : i32 {
      %mul3A_50 = arith.constant 128 : i32
      %mul3A_51 = arith.muli %scan3A_49, %mul3A_50 : i32
      %add3A_52 = arith.addi %mul3A_4, %mul3A_51 : i32
      "tpu.region"() ({
        %run_scoped3A = tpu.sem_alloc : memref<!tpu.dma_semaphore, #tpu.memory_space<semaphore_mem>>
        %dma_start3A_53 = arith.constant 0 : i32
        %dma_start3A_54 = tpu.memref_slice %arg17[%add3A_52, %dma_start3A_53] : memref<10240x128xf32, #tpu.memory_space<vmem_shared>> -> memref<128x128xf32, #tpu.memory_space<vmem_shared>>
        %dma_start3A_55 = arith.constant 0 : i32
        %dma_start3A_56 = tpu.memref_slice %arg17[%add3A_52, %dma_start3A_55] : memref<10240x128xf32, #tpu.memory_space<vmem_shared>> -> memref<128x128xf32, #tpu.memory_space<vmem_shared>>
        tpu.enqueue_dma source(%arg8 : memref<128x128xf32, #tpu.memory_space<vmem>>) target(%dma_start3A_56 : memref<128x128xf32, #tpu.memory_space<vmem_shared>>) target_semaphore(%run_scoped3A : memref<!tpu.dma_semaphore, #tpu.memory_space<semaphore_mem>>)
        %dma_wait3A_57 = arith.constant 0 : i32
        %dma_wait3A_58 = tpu.memref_slice %arg17[%add3A_52, %dma_wait3A_57] : memref<10240x128xf32, #tpu.memory_space<vmem_shared>> -> memref<128x128xf32, #tpu.memory_space<vmem_shared>>
        %dma_wait3A_59 = arith.constant 0 : i32
        %dma_wait3A_60 = tpu.memref_slice %arg17[%add3A_52, %dma_wait3A_59] : memref<10240x128xf32, #tpu.memory_space<vmem_shared>> -> memref<128x128xf32, #tpu.memory_space<vmem_shared>>
        tpu.wait_dma2 semaphore(%run_scoped3A : memref<!tpu.dma_semaphore, #tpu.memory_space<semaphore_mem>>) src(%arg8 : memref<128x128xf32, #tpu.memory_space<vmem>>) dst(%dma_wait3A_60 : memref<128x128xf32, #tpu.memory_space<vmem_shared>>)
        tpu.yield
      }) : () -> ()
    }
    %scan3A_9 = arith.constant 5 : i32
    %barrier3A = arith.constant 0 : index
    tpu.barrier barrier_id(%barrier3A)
    %mul3A_10 = arith.constant 160000 : i32
    %mul3A_11 = arith.muli %arg0, %mul3A_10 : i32
    %mul3A_12 = arith.constant 10000 : i32
    %mul3A_13 = arith.muli %arg1, %mul3A_12 : i32
    %add3A = arith.addi %mul3A_11, %mul3A_13 : i32
    "tpu.region"() ({
      %run_scoped3A = tpu.sem_alloc : memref<!tpu.dma_semaphore, #tpu.memory_space<semaphore_mem>>
      %dma_start3A_49 = tpu.memref_slice %arg2[%add3A] : memref<320000xi32, #tpu.memory_space<hbm>> -> memref<128xi32, #tpu.memory_space<hbm>>
      %dma_start3A_50 = tpu.memref_slice %arg2[%add3A] : memref<320000xi32, #tpu.memory_space<hbm>> -> memref<128xi32, #tpu.memory_space<hbm>>
      tpu.enqueue_dma source(%dma_start3A_50 : memref<128xi32, #tpu.memory_space<hbm>>) target(%arg6 : memref<128xi32, #tpu.memory_space<vmem>>) target_semaphore(%run_scoped3A : memref<!tpu.dma_semaphore, #tpu.memory_space<semaphore_mem>>)
      %dma_wait3A_51 = tpu.memref_slice %arg2[%add3A] : memref<320000xi32, #tpu.memory_space<hbm>> -> memref<128xi32, #tpu.memory_space<hbm>>
      %dma_wait3A_52 = tpu.memref_slice %arg2[%add3A] : memref<320000xi32, #tpu.memory_space<hbm>> -> memref<128xi32, #tpu.memory_space<hbm>>
      tpu.wait_dma2 semaphore(%run_scoped3A : memref<!tpu.dma_semaphore, #tpu.memory_space<semaphore_mem>>) src(%dma_wait3A_52 : memref<128xi32, #tpu.memory_space<hbm>>) dst(%arg6 : memref<128xi32, #tpu.memory_space<vmem>>)
      tpu.yield
    }) : () -> ()
    "tpu.region"() ({
      %run_scoped3A = tpu.sem_alloc : memref<!tpu.dma_semaphore, #tpu.memory_space<semaphore_mem>>
      %dma_start3A_49 = tpu.memref_slice %arg3[%add3A] : memref<320000xi32, #tpu.memory_space<hbm>> -> memref<128xi32, #tpu.memory_space<hbm>>
      %dma_start3A_50 = tpu.memref_slice %arg3[%add3A] : memref<320000xi32, #tpu.memory_space<hbm>> -> memref<128xi32, #tpu.memory_space<hbm>>
      tpu.enqueue_dma source(%dma_start3A_50 : memref<128xi32, #tpu.memory_space<hbm>>) target(%arg7 : memref<128xi32, #tpu.memory_space<vmem>>) target_semaphore(%run_scoped3A : memref<!tpu.dma_semaphore, #tpu.memory_space<semaphore_mem>>)
      %dma_wait3A_51 = tpu.memref_slice %arg3[%add3A] : memref<320000xi32, #tpu.memory_space<hbm>> -> memref<128xi32, #tpu.memory_space<hbm>>
      %dma_wait3A_52 = tpu.memref_slice %arg3[%add3A] : memref<320000xi32, #tpu.memory_space<hbm>> -> memref<128xi32, #tpu.memory_space<hbm>>
      tpu.wait_dma2 semaphore(%run_scoped3A : memref<!tpu.dma_semaphore, #tpu.memory_space<semaphore_mem>>) src(%dma_wait3A_52 : memref<128xi32, #tpu.memory_space<hbm>>) dst(%arg7 : memref<128xi32, #tpu.memory_space<vmem>>)
      tpu.yield
    }) : () -> ()
    %dma_start3A = arith.constant 0 : i32
    %dma_start3A_14 = arith.constant 0 : i32
    %dma_start3A_15 = tpu.memref_slice %arg4[%dma_start3A, %dma_start3A_14] : memref<10240x128xf32, #tpu.memory_space<hbm>> -> memref<10240x128xf32, #tpu.memory_space<hbm>>
    tpu.enqueue_indirect_dma source(%dma_start3A_15 : memref<10240x128xf32, #tpu.memory_space<hbm>>) target(%arg8 : memref<128x128xf32, #tpu.memory_space<vmem>>) offsets(%arg6 : memref<128xi32, #tpu.memory_space<vmem>>) semaphore(%arg15 : memref<!tpu.dma_semaphore, #tpu.memory_space<semaphore_mem>>)
    %scan3A_16 = arith.constant 0 : i32
    %scan3A_17 = arith.constant 38 : i32
    %scan3A_18 = arith.addi %scan3A_16, %scan3A_17 : i32
    %scan3A_19 = arith.constant 1 : i32
    scf.for %scan3A_49 = %scan3A_16 to %scan3A_18 step %scan3A_19  : i32 {
      %mul3A_50 = arith.constant 2 : i32
      %mul3A_51 = arith.muli %mul3A_50, %scan3A_49 : i32
      %add3A_52 = arith.constant 1 : i32
      %add3A_53 = arith.addi %mul3A_51, %add3A_52 : i32
      %mul3A_54 = arith.constant 128 : i32
      %mul3A_55 = arith.muli %add3A_53, %mul3A_54 : i32
      %add3A_56 = arith.addi %add3A, %mul3A_55 : i32
      "tpu.region"() ({
        %run_scoped3A = tpu.sem_alloc : memref<!tpu.dma_semaphore, #tpu.memory_space<semaphore_mem>>
        %dma_start3A_76 = tpu.memref_slice %arg2[%add3A_56] : memref<320000xi32, #tpu.memory_space<hbm>> -> memref<128xi32, #tpu.memory_space<hbm>>
        %dma_start3A_77 = tpu.memref_slice %arg2[%add3A_56] : memref<320000xi32, #tpu.memory_space<hbm>> -> memref<128xi32, #tpu.memory_space<hbm>>
        tpu.enqueue_dma source(%dma_start3A_77 : memref<128xi32, #tpu.memory_space<hbm>>) target(%arg9 : memref<128xi32, #tpu.memory_space<vmem>>) target_semaphore(%run_scoped3A : memref<!tpu.dma_semaphore, #tpu.memory_space<semaphore_mem>>)
        %dma_wait3A_78 = tpu.memref_slice %arg2[%add3A_56] : memref<320000xi32, #tpu.memory_space<hbm>> -> memref<128xi32, #tpu.memory_space<hbm>>
        %dma_wait3A_79 = tpu.memref_slice %arg2[%add3A_56] : memref<320000xi32, #tpu.memory_space<hbm>> -> memref<128xi32, #tpu.memory_space<hbm>>
        tpu.wait_dma2 semaphore(%run_scoped3A : memref<!tpu.dma_semaphore, #tpu.memory_space<semaphore_mem>>) src(%dma_wait3A_79 : memref<128xi32, #tpu.memory_space<hbm>>) dst(%arg9 : memref<128xi32, #tpu.memory_space<vmem>>)
        tpu.yield
      }) : () -> ()
      "tpu.region"() ({
        %run_scoped3A = tpu.sem_alloc : memref<!tpu.dma_semaphore, #tpu.memory_space<semaphore_mem>>
        %dma_start3A_76 = tpu.memref_slice %arg3[%add3A_56] : memref<320000xi32, #tpu.memory_space<hbm>> -> memref<128xi32, #tpu.memory_space<hbm>>
        %dma_start3A_77 = tpu.memref_slice %arg3[%add3A_56] : memref<320000xi32, #tpu.memory_space<hbm>> -> memref<128xi32, #tpu.memory_space<hbm>>
        tpu.enqueue_dma source(%dma_start3A_77 : memref<128xi32, #tpu.memory_space<hbm>>) target(%arg10 : memref<128xi32, #tpu.memory_space<vmem>>) target_semaphore(%run_scoped3A : memref<!tpu.dma_semaphore, #tpu.memory_space<semaphore_mem>>)
        %dma_wait3A_78 = tpu.memref_slice %arg3[%add3A_56] : memref<320000xi32, #tpu.memory_space<hbm>> -> memref<128xi32, #tpu.memory_space<hbm>>
        %dma_wait3A_79 = tpu.memref_slice %arg3[%add3A_56] : memref<320000xi32, #tpu.memory_space<hbm>> -> memref<128xi32, #tpu.memory_space<hbm>>
        tpu.wait_dma2 semaphore(%run_scoped3A : memref<!tpu.dma_semaphore, #tpu.memory_space<semaphore_mem>>) src(%dma_wait3A_79 : memref<128xi32, #tpu.memory_space<hbm>>) dst(%arg10 : memref<128xi32, #tpu.memory_space<vmem>>)
        tpu.yield
      }) : () -> ()
      %dma_start3A_57 = arith.constant 0 : i32
      %dma_start3A_58 = arith.constant 0 : i32
      %dma_start3A_59 = tpu.memref_slice %arg4[%dma_start3A_57, %dma_start3A_58] : memref<10240x128xf32, #tpu.memory_space<hbm>> -> memref<10240x128xf32, #tpu.memory_space<hbm>>
      tpu.enqueue_indirect_dma source(%dma_start3A_59 : memref<10240x128xf32, #tpu.memory_space<hbm>>) target(%arg11 : memref<128x128xf32, #tpu.memory_space<vmem>>) offsets(%arg9 : memref<128xi32, #tpu.memory_space<vmem>>) semaphore(%arg16 : memref<!tpu.dma_semaphore, #tpu.memory_space<semaphore_mem>>)
      %dma_wait3A_60 = arith.constant 0 : i32
      %dma_wait3A_61 = arith.constant 0 : i32
      %dma_wait3A_62 = tpu.memref_slice %arg4[%dma_wait3A_60, %dma_wait3A_61] : memref<10240x128xf32, #tpu.memory_space<hbm>> -> memref<10240x128xf32, #tpu.memory_space<hbm>>
      tpu.wait_indirect_dma semaphore(%arg15 : memref<!tpu.dma_semaphore, #tpu.memory_space<semaphore_mem>>) src(%dma_wait3A_62 : memref<10240x128xf32, #tpu.memory_space<hbm>>) dst(%arg8 : memref<128x128xf32, #tpu.memory_space<vmem>>)
      "tpu.region"() ({
        %run_scoped3A = tpu.sem_alloc : memref<!tpu.dma_semaphore, #tpu.memory_space<semaphore_mem>>
        %dma_start3A_76 = arith.constant 0 : i32
        %dma_start3A_77 = arith.constant 0 : i32
        %dma_start3A_78 = tpu.memref_slice %arg17[%dma_start3A_76, %dma_start3A_77] : memref<10240x128xf32, #tpu.memory_space<vmem_shared>> -> memref<10240x128xf32, #tpu.memory_space<vmem_shared>>
        tpu.enqueue_indirect_dma source(%arg8 : memref<128x128xf32, #tpu.memory_space<vmem>>) target(%dma_start3A_78 : memref<10240x128xf32, #tpu.memory_space<vmem_shared>>) offsets(%arg7 : memref<128xi32, #tpu.memory_space<vmem>>) semaphore(%run_scoped3A : memref<!tpu.dma_semaphore, #tpu.memory_space<semaphore_mem>>) {add = true}
        %dma_wait3A_79 = arith.constant 0 : i32
        %dma_wait3A_80 = arith.constant 0 : i32
        %dma_wait3A_81 = tpu.memref_slice %arg17[%dma_wait3A_79, %dma_wait3A_80] : memref<10240x128xf32, #tpu.memory_space<vmem_shared>> -> memref<10240x128xf32, #tpu.memory_space<vmem_shared>>
        tpu.wait_indirect_dma semaphore(%run_scoped3A : memref<!tpu.dma_semaphore, #tpu.memory_space<semaphore_mem>>) src(%arg8 : memref<128x128xf32, #tpu.memory_space<vmem>>) dst(%dma_wait3A_81 : memref<10240x128xf32, #tpu.memory_space<vmem_shared>>)
        tpu.yield
      }) : () -> ()
      %mul3A_63 = arith.constant 2 : i32
      %mul3A_64 = arith.muli %mul3A_63, %scan3A_49 : i32
      %add3A_65 = arith.constant 2 : i32
      %add3A_66 = arith.addi %mul3A_64, %add3A_65 : i32
      %mul3A_67 = arith.constant 128 : i32
      %mul3A_68 = arith.muli %add3A_66, %mul3A_67 : i32
      %add3A_69 = arith.addi %add3A, %mul3A_68 : i32
      "tpu.region"() ({
        %run_scoped3A = tpu.sem_alloc : memref<!tpu.dma_semaphore, #tpu.memory_space<semaphore_mem>>
        %dma_start3A_76 = tpu.memref_slice %arg2[%add3A_69] : memref<320000xi32, #tpu.memory_space<hbm>> -> memref<128xi32, #tpu.memory_space<hbm>>
        %dma_start3A_77 = tpu.memref_slice %arg2[%add3A_69] : memref<320000xi32, #tpu.memory_space<hbm>> -> memref<128xi32, #tpu.memory_space<hbm>>
        tpu.enqueue_dma source(%dma_start3A_77 : memref<128xi32, #tpu.memory_space<hbm>>) target(%arg6 : memref<128xi32, #tpu.memory_space<vmem>>) target_semaphore(%run_scoped3A : memref<!tpu.dma_semaphore, #tpu.memory_space<semaphore_mem>>)
        %dma_wait3A_78 = tpu.memref_slice %arg2[%add3A_69] : memref<320000xi32, #tpu.memory_space<hbm>> -> memref<128xi32, #tpu.memory_space<hbm>>
        %dma_wait3A_79 = tpu.memref_slice %arg2[%add3A_69] : memref<320000xi32, #tpu.memory_space<hbm>> -> memref<128xi32, #tpu.memory_space<hbm>>
        tpu.wait_dma2 semaphore(%run_scoped3A : memref<!tpu.dma_semaphore, #tpu.memory_space<semaphore_mem>>) src(%dma_wait3A_79 : memref<128xi32, #tpu.memory_space<hbm>>) dst(%arg6 : memref<128xi32, #tpu.memory_space<vmem>>)
        tpu.yield
      }) : () -> ()
      "tpu.region"() ({
        %run_scoped3A = tpu.sem_alloc : memref<!tpu.dma_semaphore, #tpu.memory_space<semaphore_mem>>
        %dma_start3A_76 = tpu.memref_slice %arg3[%add3A_69] : memref<320000xi32, #tpu.memory_space<hbm>> -> memref<128xi32, #tpu.memory_space<hbm>>
        %dma_start3A_77 = tpu.memref_slice %arg3[%add3A_69] : memref<320000xi32, #tpu.memory_space<hbm>> -> memref<128xi32, #tpu.memory_space<hbm>>
        tpu.enqueue_dma source(%dma_start3A_77 : memref<128xi32, #tpu.memory_space<hbm>>) target(%arg7 : memref<128xi32, #tpu.memory_space<vmem>>) target_semaphore(%run_scoped3A : memref<!tpu.dma_semaphore, #tpu.memory_space<semaphore_mem>>)
        %dma_wait3A_78 = tpu.memref_slice %arg3[%add3A_69] : memref<320000xi32, #tpu.memory_space<hbm>> -> memref<128xi32, #tpu.memory_space<hbm>>
        %dma_wait3A_79 = tpu.memref_slice %arg3[%add3A_69] : memref<320000xi32, #tpu.memory_space<hbm>> -> memref<128xi32, #tpu.memory_space<hbm>>
        tpu.wait_dma2 semaphore(%run_scoped3A : memref<!tpu.dma_semaphore, #tpu.memory_space<semaphore_mem>>) src(%dma_wait3A_79 : memref<128xi32, #tpu.memory_space<hbm>>) dst(%arg7 : memref<128xi32, #tpu.memory_space<vmem>>)
        tpu.yield
      }) : () -> ()
      %dma_start3A_70 = arith.constant 0 : i32
      %dma_start3A_71 = arith.constant 0 : i32
      %dma_start3A_72 = tpu.memref_slice %arg4[%dma_start3A_70, %dma_start3A_71] : memref<10240x128xf32, #tpu.memory_space<hbm>> -> memref<10240x128xf32, #tpu.memory_space<hbm>>
      tpu.enqueue_indirect_dma source(%dma_start3A_72 : memref<10240x128xf32, #tpu.memory_space<hbm>>) target(%arg8 : memref<128x128xf32, #tpu.memory_space<vmem>>) offsets(%arg6 : memref<128xi32, #tpu.memory_space<vmem>>) semaphore(%arg15 : memref<!tpu.dma_semaphore, #tpu.memory_space<semaphore_mem>>)
      %dma_wait3A_73 = arith.constant 0 : i32
      %dma_wait3A_74 = arith.constant 0 : i32
      %dma_wait3A_75 = tpu.memref_slice %arg4[%dma_wait3A_73, %dma_wait3A_74] : memref<10240x128xf32, #tpu.memory_space<hbm>> -> memref<10240x128xf32, #tpu.memory_space<hbm>>
      tpu.wait_indirect_dma semaphore(%arg16 : memref<!tpu.dma_semaphore, #tpu.memory_space<semaphore_mem>>) src(%dma_wait3A_75 : memref<10240x128xf32, #tpu.memory_space<hbm>>) dst(%arg11 : memref<128x128xf32, #tpu.memory_space<vmem>>)
      "tpu.region"() ({
        %run_scoped3A = tpu.sem_alloc : memref<!tpu.dma_semaphore, #tpu.memory_space<semaphore_mem>>
        %dma_start3A_76 = arith.constant 0 : i32
        %dma_start3A_77 = arith.constant 0 : i32
        %dma_start3A_78 = tpu.memref_slice %arg17[%dma_start3A_76, %dma_start3A_77] : memref<10240x128xf32, #tpu.memory_space<vmem_shared>> -> memref<10240x128xf32, #tpu.memory_space<vmem_shared>>
        tpu.enqueue_indirect_dma source(%arg11 : memref<128x128xf32, #tpu.memory_space<vmem>>) target(%dma_start3A_78 : memref<10240x128xf32, #tpu.memory_space<vmem_shared>>) offsets(%arg10 : memref<128xi32, #tpu.memory_space<vmem>>) semaphore(%run_scoped3A : memref<!tpu.dma_semaphore, #tpu.memory_space<semaphore_mem>>) {add = true}
        %dma_wait3A_79 = arith.constant 0 : i32
        %dma_wait3A_80 = arith.constant 0 : i32
        %dma_wait3A_81 = tpu.memref_slice %arg17[%dma_wait3A_79, %dma_wait3A_80] : memref<10240x128xf32, #tpu.memory_space<vmem_shared>> -> memref<10240x128xf32, #tpu.memory_space<vmem_shared>>
        tpu.wait_indirect_dma semaphore(%run_scoped3A : memref<!tpu.dma_semaphore, #tpu.memory_space<semaphore_mem>>) src(%arg11 : memref<128x128xf32, #tpu.memory_space<vmem>>) dst(%dma_wait3A_81 : memref<10240x128xf32, #tpu.memory_space<vmem_shared>>)
        tpu.yield
      }) : () -> ()
    }
    %scan3A_20 = arith.constant 38 : i32
    %add3A_21 = arith.constant 9856 : i32
    %add3A_22 = arith.addi %add3A, %add3A_21 : i32
    "tpu.region"() ({
      %run_scoped3A = tpu.sem_alloc : memref<!tpu.dma_semaphore, #tpu.memory_space<semaphore_mem>>
      %dma_start3A_49 = tpu.memref_slice %arg2[%add3A_22] : memref<320000xi32, #tpu.memory_space<hbm>> -> memref<128xi32, #tpu.memory_space<hbm>>
      %dma_start3A_50 = tpu.memref_slice %arg2[%add3A_22] : memref<320000xi32, #tpu.memory_space<hbm>> -> memref<128xi32, #tpu.memory_space<hbm>>
      tpu.enqueue_dma source(%dma_start3A_50 : memref<128xi32, #tpu.memory_space<hbm>>) target(%arg9 : memref<128xi32, #tpu.memory_space<vmem>>) target_semaphore(%run_scoped3A : memref<!tpu.dma_semaphore, #tpu.memory_space<semaphore_mem>>)
      %dma_wait3A_51 = tpu.memref_slice %arg2[%add3A_22] : memref<320000xi32, #tpu.memory_space<hbm>> -> memref<128xi32, #tpu.memory_space<hbm>>
      %dma_wait3A_52 = tpu.memref_slice %arg2[%add3A_22] : memref<320000xi32, #tpu.memory_space<hbm>> -> memref<128xi32, #tpu.memory_space<hbm>>
      tpu.wait_dma2 semaphore(%run_scoped3A : memref<!tpu.dma_semaphore, #tpu.memory_space<semaphore_mem>>) src(%dma_wait3A_52 : memref<128xi32, #tpu.memory_space<hbm>>) dst(%arg9 : memref<128xi32, #tpu.memory_space<vmem>>)
      tpu.yield
    }) : () -> ()
    "tpu.region"() ({
      %run_scoped3A = tpu.sem_alloc : memref<!tpu.dma_semaphore, #tpu.memory_space<semaphore_mem>>
      %dma_start3A_49 = tpu.memref_slice %arg3[%add3A_22] : memref<320000xi32, #tpu.memory_space<hbm>> -> memref<128xi32, #tpu.memory_space<hbm>>
      %dma_start3A_50 = tpu.memref_slice %arg3[%add3A_22] : memref<320000xi32, #tpu.memory_space<hbm>> -> memref<128xi32, #tpu.memory_space<hbm>>
      tpu.enqueue_dma source(%dma_start3A_50 : memref<128xi32, #tpu.memory_space<hbm>>) target(%arg10 : memref<128xi32, #tpu.memory_space<vmem>>) target_semaphore(%run_scoped3A : memref<!tpu.dma_semaphore, #tpu.memory_space<semaphore_mem>>)
      %dma_wait3A_51 = tpu.memref_slice %arg3[%add3A_22] : memref<320000xi32, #tpu.memory_space<hbm>> -> memref<128xi32, #tpu.memory_space<hbm>>
      %dma_wait3A_52 = tpu.memref_slice %arg3[%add3A_22] : memref<320000xi32, #tpu.memory_space<hbm>> -> memref<128xi32, #tpu.memory_space<hbm>>
      tpu.wait_dma2 semaphore(%run_scoped3A : memref<!tpu.dma_semaphore, #tpu.memory_space<semaphore_mem>>) src(%dma_wait3A_52 : memref<128xi32, #tpu.memory_space<hbm>>) dst(%arg10 : memref<128xi32, #tpu.memory_space<vmem>>)
      tpu.yield
    }) : () -> ()
    %dma_start3A_23 = arith.constant 0 : i32
    %dma_start3A_24 = arith.constant 0 : i32
    %dma_start3A_25 = tpu.memref_slice %arg4[%dma_start3A_23, %dma_start3A_24] : memref<10240x128xf32, #tpu.memory_space<hbm>> -> memref<10240x128xf32, #tpu.memory_space<hbm>>
    tpu.enqueue_indirect_dma source(%dma_start3A_25 : memref<10240x128xf32, #tpu.memory_space<hbm>>) target(%arg11 : memref<128x128xf32, #tpu.memory_space<vmem>>) offsets(%arg9 : memref<128xi32, #tpu.memory_space<vmem>>) semaphore(%arg16 : memref<!tpu.dma_semaphore, #tpu.memory_space<semaphore_mem>>)
    %dma_wait3A = arith.constant 0 : i32
    %dma_wait3A_26 = arith.constant 0 : i32
    %dma_wait3A_27 = tpu.memref_slice %arg4[%dma_wait3A, %dma_wait3A_26] : memref<10240x128xf32, #tpu.memory_space<hbm>> -> memref<10240x128xf32, #tpu.memory_space<hbm>>
    tpu.wait_indirect_dma semaphore(%arg15 : memref<!tpu.dma_semaphore, #tpu.memory_space<semaphore_mem>>) src(%dma_wait3A_27 : memref<10240x128xf32, #tpu.memory_space<hbm>>) dst(%arg8 : memref<128x128xf32, #tpu.memory_space<vmem>>)
    "tpu.region"() ({
      %run_scoped3A = tpu.sem_alloc : memref<!tpu.dma_semaphore, #tpu.memory_space<semaphore_mem>>
      %dma_start3A_49 = arith.constant 0 : i32
      %dma_start3A_50 = arith.constant 0 : i32
      %dma_start3A_51 = tpu.memref_slice %arg17[%dma_start3A_49, %dma_start3A_50] : memref<10240x128xf32, #tpu.memory_space<vmem_shared>> -> memref<10240x128xf32, #tpu.memory_space<vmem_shared>>
      tpu.enqueue_indirect_dma source(%arg8 : memref<128x128xf32, #tpu.memory_space<vmem>>) target(%dma_start3A_51 : memref<10240x128xf32, #tpu.memory_space<vmem_shared>>) offsets(%arg7 : memref<128xi32, #tpu.memory_space<vmem>>) semaphore(%run_scoped3A : memref<!tpu.dma_semaphore, #tpu.memory_space<semaphore_mem>>) {add = true}
      %dma_wait3A_52 = arith.constant 0 : i32
      %dma_wait3A_53 = arith.constant 0 : i32
      %dma_wait3A_54 = tpu.memref_slice %arg17[%dma_wait3A_52, %dma_wait3A_53] : memref<10240x128xf32, #tpu.memory_space<vmem_shared>> -> memref<10240x128xf32, #tpu.memory_space<vmem_shared>>
      tpu.wait_indirect_dma semaphore(%run_scoped3A : memref<!tpu.dma_semaphore, #tpu.memory_space<semaphore_mem>>) src(%arg8 : memref<128x128xf32, #tpu.memory_space<vmem>>) dst(%dma_wait3A_54 : memref<10240x128xf32, #tpu.memory_space<vmem_shared>>)
      tpu.yield
    }) : () -> ()
    %dma_wait3A_28 = arith.constant 0 : i32
    %dma_wait3A_29 = arith.constant 0 : i32
    %dma_wait3A_30 = tpu.memref_slice %arg4[%dma_wait3A_28, %dma_wait3A_29] : memref<10240x128xf32, #tpu.memory_space<hbm>> -> memref<10240x128xf32, #tpu.memory_space<hbm>>
    tpu.wait_indirect_dma semaphore(%arg16 : memref<!tpu.dma_semaphore, #tpu.memory_space<semaphore_mem>>) src(%dma_wait3A_30 : memref<10240x128xf32, #tpu.memory_space<hbm>>) dst(%arg11 : memref<128x128xf32, #tpu.memory_space<vmem>>)
    "tpu.region"() ({
      %run_scoped3A = tpu.sem_alloc : memref<!tpu.dma_semaphore, #tpu.memory_space<semaphore_mem>>
      %dma_start3A_49 = arith.constant 0 : i32
      %dma_start3A_50 = arith.constant 0 : i32
      %dma_start3A_51 = tpu.memref_slice %arg17[%dma_start3A_49, %dma_start3A_50] : memref<10240x128xf32, #tpu.memory_space<vmem_shared>> -> memref<10240x128xf32, #tpu.memory_space<vmem_shared>>
      tpu.enqueue_indirect_dma source(%arg11 : memref<128x128xf32, #tpu.memory_space<vmem>>) target(%dma_start3A_51 : memref<10240x128xf32, #tpu.memory_space<vmem_shared>>) offsets(%arg10 : memref<128xi32, #tpu.memory_space<vmem>>) semaphore(%run_scoped3A : memref<!tpu.dma_semaphore, #tpu.memory_space<semaphore_mem>>) {add = true}
      %dma_wait3A_52 = arith.constant 0 : i32
      %dma_wait3A_53 = arith.constant 0 : i32
      %dma_wait3A_54 = tpu.memref_slice %arg17[%dma_wait3A_52, %dma_wait3A_53] : memref<10240x128xf32, #tpu.memory_space<vmem_shared>> -> memref<10240x128xf32, #tpu.memory_space<vmem_shared>>
      tpu.wait_indirect_dma semaphore(%run_scoped3A : memref<!tpu.dma_semaphore, #tpu.memory_space<semaphore_mem>>) src(%arg11 : memref<128x128xf32, #tpu.memory_space<vmem>>) dst(%dma_wait3A_54 : memref<10240x128xf32, #tpu.memory_space<vmem_shared>>)
      tpu.yield
    }) : () -> ()
    %add3A_31 = arith.constant 9984 : i32
    %add3A_32 = arith.addi %add3A, %add3A_31 : i32
    "tpu.region"() ({
      %run_scoped3A = tpu.sem_alloc : memref<!tpu.dma_semaphore, #tpu.memory_space<semaphore_mem>>
      %dma_start3A_49 = tpu.memref_slice %arg2[%add3A_32] : memref<320000xi32, #tpu.memory_space<hbm>> -> memref<16xi32, #tpu.memory_space<hbm>>
      %dma_start3A_50 = tpu.memref_slice %arg2[%add3A_32] : memref<320000xi32, #tpu.memory_space<hbm>> -> memref<16xi32, #tpu.memory_space<hbm>>
      tpu.enqueue_dma source(%dma_start3A_50 : memref<16xi32, #tpu.memory_space<hbm>>) target(%arg12 : memref<16xi32, #tpu.memory_space<vmem>>) target_semaphore(%run_scoped3A : memref<!tpu.dma_semaphore, #tpu.memory_space<semaphore_mem>>)
      %dma_wait3A_51 = tpu.memref_slice %arg2[%add3A_32] : memref<320000xi32, #tpu.memory_space<hbm>> -> memref<16xi32, #tpu.memory_space<hbm>>
      %dma_wait3A_52 = tpu.memref_slice %arg2[%add3A_32] : memref<320000xi32, #tpu.memory_space<hbm>> -> memref<16xi32, #tpu.memory_space<hbm>>
      tpu.wait_dma2 semaphore(%run_scoped3A : memref<!tpu.dma_semaphore, #tpu.memory_space<semaphore_mem>>) src(%dma_wait3A_52 : memref<16xi32, #tpu.memory_space<hbm>>) dst(%arg12 : memref<16xi32, #tpu.memory_space<vmem>>)
      tpu.yield
    }) : () -> ()
    "tpu.region"() ({
      %run_scoped3A = tpu.sem_alloc : memref<!tpu.dma_semaphore, #tpu.memory_space<semaphore_mem>>
      %dma_start3A_49 = tpu.memref_slice %arg3[%add3A_32] : memref<320000xi32, #tpu.memory_space<hbm>> -> memref<16xi32, #tpu.memory_space<hbm>>
      %dma_start3A_50 = tpu.memref_slice %arg3[%add3A_32] : memref<320000xi32, #tpu.memory_space<hbm>> -> memref<16xi32, #tpu.memory_space<hbm>>
      tpu.enqueue_dma source(%dma_start3A_50 : memref<16xi32, #tpu.memory_space<hbm>>) target(%arg13 : memref<16xi32, #tpu.memory_space<vmem>>) target_semaphore(%run_scoped3A : memref<!tpu.dma_semaphore, #tpu.memory_space<semaphore_mem>>)
      %dma_wait3A_51 = tpu.memref_slice %arg3[%add3A_32] : memref<320000xi32, #tpu.memory_space<hbm>> -> memref<16xi32, #tpu.memory_space<hbm>>
      %dma_wait3A_52 = tpu.memref_slice %arg3[%add3A_32] : memref<320000xi32, #tpu.memory_space<hbm>> -> memref<16xi32, #tpu.memory_space<hbm>>
      tpu.wait_dma2 semaphore(%run_scoped3A : memref<!tpu.dma_semaphore, #tpu.memory_space<semaphore_mem>>) src(%dma_wait3A_52 : memref<16xi32, #tpu.memory_space<hbm>>) dst(%arg13 : memref<16xi32, #tpu.memory_space<vmem>>)
      tpu.yield
    }) : () -> ()
    %dma_start3A_33 = arith.constant 0 : i32
    %dma_start3A_34 = arith.constant 0 : i32
    %dma_start3A_35 = tpu.memref_slice %arg4[%dma_start3A_33, %dma_start3A_34] : memref<10240x128xf32, #tpu.memory_space<hbm>> -> memref<10240x128xf32, #tpu.memory_space<hbm>>
    tpu.enqueue_indirect_dma source(%dma_start3A_35 : memref<10240x128xf32, #tpu.memory_space<hbm>>) target(%arg14 : memref<16x128xf32, #tpu.memory_space<vmem>>) offsets(%arg12 : memref<16xi32, #tpu.memory_space<vmem>>) semaphore(%arg15 : memref<!tpu.dma_semaphore, #tpu.memory_space<semaphore_mem>>)
    %dma_wait3A_36 = arith.constant 0 : i32
    %dma_wait3A_37 = arith.constant 0 : i32
    %dma_wait3A_38 = tpu.memref_slice %arg4[%dma_wait3A_36, %dma_wait3A_37] : memref<10240x128xf32, #tpu.memory_space<hbm>> -> memref<10240x128xf32, #tpu.memory_space<hbm>>
    tpu.wait_indirect_dma semaphore(%arg15 : memref<!tpu.dma_semaphore, #tpu.memory_space<semaphore_mem>>) src(%dma_wait3A_38 : memref<10240x128xf32, #tpu.memory_space<hbm>>) dst(%arg14 : memref<16x128xf32, #tpu.memory_space<vmem>>)
    "tpu.region"() ({
      %run_scoped3A = tpu.sem_alloc : memref<!tpu.dma_semaphore, #tpu.memory_space<semaphore_mem>>
      %dma_start3A_49 = arith.constant 0 : i32
      %dma_start3A_50 = arith.constant 0 : i32
      %dma_start3A_51 = tpu.memref_slice %arg17[%dma_start3A_49, %dma_start3A_50] : memref<10240x128xf32, #tpu.memory_space<vmem_shared>> -> memref<10240x128xf32, #tpu.memory_space<vmem_shared>>
      tpu.enqueue_indirect_dma source(%arg14 : memref<16x128xf32, #tpu.memory_space<vmem>>) target(%dma_start3A_51 : memref<10240x128xf32, #tpu.memory_space<vmem_shared>>) offsets(%arg13 : memref<16xi32, #tpu.memory_space<vmem>>) semaphore(%run_scoped3A : memref<!tpu.dma_semaphore, #tpu.memory_space<semaphore_mem>>) {add = true}
      %dma_wait3A_52 = arith.constant 0 : i32
      %dma_wait3A_53 = arith.constant 0 : i32
      %dma_wait3A_54 = tpu.memref_slice %arg17[%dma_wait3A_52, %dma_wait3A_53] : memref<10240x128xf32, #tpu.memory_space<vmem_shared>> -> memref<10240x128xf32, #tpu.memory_space<vmem_shared>>
      tpu.wait_indirect_dma semaphore(%run_scoped3A : memref<!tpu.dma_semaphore, #tpu.memory_space<semaphore_mem>>) src(%arg14 : memref<16x128xf32, #tpu.memory_space<vmem>>) dst(%dma_wait3A_54 : memref<10240x128xf32, #tpu.memory_space<vmem_shared>>)
      tpu.yield
    }) : () -> ()
    %barrier3A_39 = arith.constant 0 : index
    tpu.barrier barrier_id(%barrier3A_39)
    %mul3A_40 = arith.constant 640 : i32
    %mul3A_41 = arith.muli %arg1, %mul3A_40 : i32
    %eq3A = arith.constant 0 : i32
    %eq3A_42 = arith.cmpi eq, %arg0, %eq3A : i32
    %convert_element_type3A = arith.extui %eq3A_42 : i1 to i32
    %cond3A = arith.constant 0 : i32
    %cond3A_43 = arith.cmpi ne, %convert_element_type3A, %cond3A : i32
    scf.if %cond3A_43 {
      %run_scoped3A = arith.constant 0 : i32
      "tpu.region"() ({
        %run_scoped3A_49 = tpu.sem_alloc : memref<!tpu.dma_semaphore, #tpu.memory_space<semaphore_mem>>
        %dma_start3A_50 = arith.constant 0 : i32
        %dma_start3A_51 = tpu.memref_slice %arg5[%run_scoped3A, %mul3A_41, %dma_start3A_50] : memref<2x10240x128xf32, #tpu.memory_space<hbm>> -> memref<1x640x128xf32, #tpu.memory_space<hbm>>
        %dma_start3A_52 = tpu.memref_squeeze %dma_start3A_51 : memref<1x640x128xf32, #tpu.memory_space<hbm>> -> memref<640x128xf32, #tpu.memory_space<hbm>>
        %dma_start3A_53 = arith.constant 0 : i32
        %dma_start3A_54 = tpu.memref_slice %arg17[%mul3A_41, %dma_start3A_53] : memref<10240x128xf32, #tpu.memory_space<vmem_shared>> -> memref<640x128xf32, #tpu.memory_space<vmem_shared>>
        tpu.enqueue_dma source(%dma_start3A_54 : memref<640x128xf32, #tpu.memory_space<vmem_shared>>) target(%dma_start3A_52 : memref<640x128xf32, #tpu.memory_space<hbm>>) target_semaphore(%run_scoped3A_49 : memref<!tpu.dma_semaphore, #tpu.memory_space<semaphore_mem>>)
        %dma_wait3A_55 = arith.constant 0 : i32
        %dma_wait3A_56 = tpu.memref_slice %arg5[%run_scoped3A, %mul3A_41, %dma_wait3A_55] : memref<2x10240x128xf32, #tpu.memory_space<hbm>> -> memref<1x640x128xf32, #tpu.memory_space<hbm>>
        %dma_wait3A_57 = tpu.memref_squeeze %dma_wait3A_56 : memref<1x640x128xf32, #tpu.memory_space<hbm>> -> memref<640x128xf32, #tpu.memory_space<hbm>>
        %dma_wait3A_58 = arith.constant 0 : i32
        %dma_wait3A_59 = tpu.memref_slice %arg17[%mul3A_41, %dma_wait3A_58] : memref<10240x128xf32, #tpu.memory_space<vmem_shared>> -> memref<640x128xf32, #tpu.memory_space<vmem_shared>>
        tpu.wait_dma2 semaphore(%run_scoped3A_49 : memref<!tpu.dma_semaphore, #tpu.memory_space<semaphore_mem>>) src(%dma_wait3A_59 : memref<640x128xf32, #tpu.memory_space<vmem_shared>>) dst(%dma_wait3A_57 : memref<640x128xf32, #tpu.memory_space<hbm>>)
        tpu.yield
      }) : () -> ()
    } else {
    }
    %eq3A_44 = arith.constant 1 : i32
    %eq3A_45 = arith.cmpi eq, %arg0, %eq3A_44 : i32
    %convert_element_type3A_46 = arith.extui %eq3A_45 : i1 to i32
    %cond3A_47 = arith.constant 0 : i32
    %cond3A_48 = arith.cmpi ne, %convert_element_type3A_46, %cond3A_47 : i32
    scf.if %cond3A_48 {
      %run_scoped3A = arith.constant 1 : i32
      "tpu.region"() ({
        %run_scoped3A_49 = tpu.sem_alloc : memref<!tpu.dma_semaphore, #tpu.memory_space<semaphore_mem>>
        %dma_start3A_50 = arith.constant 0 : i32
        %dma_start3A_51 = tpu.memref_slice %arg5[%run_scoped3A, %mul3A_41, %dma_start3A_50] : memref<2x10240x128xf32, #tpu.memory_space<hbm>> -> memref<1x640x128xf32, #tpu.memory_space<hbm>>
        %dma_start3A_52 = tpu.memref_squeeze %dma_start3A_51 : memref<1x640x128xf32, #tpu.memory_space<hbm>> -> memref<640x128xf32, #tpu.memory_space<hbm>>
        %dma_start3A_53 = arith.constant 0 : i32
        %dma_start3A_54 = tpu.memref_slice %arg17[%mul3A_41, %dma_start3A_53] : memref<10240x128xf32, #tpu.memory_space<vmem_shared>> -> memref<640x128xf32, #tpu.memory_space<vmem_shared>>
        tpu.enqueue_dma source(%dma_start3A_54 : memref<640x128xf32, #tpu.memory_space<vmem_shared>>) target(%dma_start3A_52 : memref<640x128xf32, #tpu.memory_space<hbm>>) target_semaphore(%run_scoped3A_49 : memref<!tpu.dma_semaphore, #tpu.memory_space<semaphore_mem>>)
        %dma_wait3A_55 = arith.constant 0 : i32
        %dma_wait3A_56 = tpu.memref_slice %arg5[%run_scoped3A, %mul3A_41, %dma_wait3A_55] : memref<2x10240x128xf32, #tpu.memory_space<hbm>> -> memref<1x640x128xf32, #tpu.memory_space<hbm>>
        %dma_wait3A_57 = tpu.memref_squeeze %dma_wait3A_56 : memref<1x640x128xf32, #tpu.memory_space<hbm>> -> memref<640x128xf32, #tpu.memory_space<hbm>>
        %dma_wait3A_58 = arith.constant 0 : i32
        %dma_wait3A_59 = tpu.memref_slice %arg17[%mul3A_41, %dma_wait3A_58] : memref<10240x128xf32, #tpu.memory_space<vmem_shared>> -> memref<640x128xf32, #tpu.memory_space<vmem_shared>>
        tpu.wait_dma2 semaphore(%run_scoped3A_49 : memref<!tpu.dma_semaphore, #tpu.memory_space<semaphore_mem>>) src(%dma_wait3A_59 : memref<640x128xf32, #tpu.memory_space<vmem_shared>>) dst(%dma_wait3A_57 : memref<640x128xf32, #tpu.memory_space<hbm>>)
        tpu.yield
      }) : () -> ()
    } else {
    }
    return
  }
}

#map = affine_map<(d0, d1) -> (0)>
#map1 = affine_map<(d0, d1) -> (0, 0)>
module attributes {stable_mosaic.version = 14 : i64} {
  func.func @_agg_b_kernel(%arg0: i32, %arg1: i32, %arg2: memref<320000xi32, #tpu.memory_space<hbm>>, %arg3: memref<320000xi32, #tpu.memory_space<hbm>>, %arg4: memref<10240x128xf32, #tpu.memory_space<hbm>>, %arg5: memref<10240x128xf32, #tpu.memory_space<hbm>>, %arg6: memref<10240x128xf32, #tpu.memory_space<hbm>>, %arg7: memref<10240x128xf32, #tpu.memory_space<hbm>>, %arg8: memref<128xi32, #tpu.memory_space<vmem>>, %arg9: memref<128xi32, #tpu.memory_space<vmem>>, %arg10: memref<128x128xf32, #tpu.memory_space<vmem>>, %arg11: memref<128xi32, #tpu.memory_space<vmem>>, %arg12: memref<128xi32, #tpu.memory_space<vmem>>, %arg13: memref<128x128xf32, #tpu.memory_space<vmem>>, %arg14: memref<32xi32, #tpu.memory_space<vmem>>, %arg15: memref<32xi32, #tpu.memory_space<vmem>>, %arg16: memref<32x128xf32, #tpu.memory_space<vmem>>, %arg17: memref<!tpu.dma_semaphore, #tpu.memory_space<semaphore_mem>>, %arg18: memref<!tpu.dma_semaphore, #tpu.memory_space<semaphore_mem>>, %arg19: memref<10240x128xf32, #tpu.memory_space<vmem_shared>>) attributes {dimension_semantics = [#tpu.dimension_semantics<core_parallel>, #tpu.dimension_semantics<subcore_parallel>], iteration_bounds = array<i64: 2, 16>, scalar_prefetch = 0 : i64, scratch_operands = 12 : i64, tpu.core_type = #tpu.core_type<sc_vector_subcore>, window_params = [{transform_indices = #map}, {transform_indices = #map}, {transform_indices = #map1}, {transform_indices = #map1}, {transform_indices = #map1}, {transform_indices = #map1}]} {
    %scan3A = arith.constant 0 : i32
    %scan3A_0 = arith.constant 128 : i32
    %scan3A_1 = arith.addi %scan3A, %scan3A_0 : i32
    %scan3A_2 = arith.constant 1 : i32
    scf.for %scan3A_32 = %scan3A to %scan3A_1 step %scan3A_2  : i32 {
      %scan3A_33 = arith.constant 0 : i32
      %scan3A_34 = arith.constant 8 : i32
      %scan3A_35 = arith.addi %scan3A_33, %scan3A_34 : i32
      %scan3A_36 = arith.constant 1 : i32
      scf.for %scan3A_38 = %scan3A_33 to %scan3A_35 step %scan3A_36  : i32 {
        %broadcast_in_dim3A = arith.constant 0.000000e+00 : f32
        %broadcast_in_dim3A_39 = vector.broadcast %broadcast_in_dim3A : f32 to vector<16xf32>
        %mul3A_40 = arith.constant 16 : i32
        %mul3A_41 = arith.muli %scan3A_38, %mul3A_40 : i32
        %swap3A = arith.index_cast %scan3A_32 : i32 to index
        %swap3A_42 = arith.index_cast %mul3A_41 : i32 to index
        %swap3A_43 = tpu.vector_load %arg10[%swap3A, %swap3A_42] {strides = array<i32>} : memref<128x128xf32, #tpu.memory_space<vmem>>, vector<1x16xf32>,
        %swap3A_44 = vector.shape_cast %swap3A_43 : vector<1x16xf32> to vector<16xf32>
        %swap3A_45 = vector.shape_cast %broadcast_in_dim3A_39 : vector<16xf32> to vector<1x16xf32>
        tpu.vector_store %arg10[%swap3A, %swap3A_42], %swap3A_45 {strides = array<i32>} : memref<128x128xf32, #tpu.memory_space<vmem>>, vector<1x16xf32>,
      }
      %scan3A_37 = arith.constant 8 : i32
    }
    %scan3A_3 = arith.constant 128 : i32
    %mul3A = arith.constant 640 : i32
    %mul3A_4 = arith.muli %arg1, %mul3A : i32
    %scan3A_5 = arith.constant 0 : i32
    %scan3A_6 = arith.constant 5 : i32
    %scan3A_7 = arith.addi %scan3A_5, %scan3A_6 : i32
    %scan3A_8 = arith.constant 1 : i32
    scf.for %scan3A_32 = %scan3A_5 to %scan3A_7 step %scan3A_8  : i32 {
      %mul3A_33 = arith.constant 128 : i32
      %mul3A_34 = arith.muli %scan3A_32, %mul3A_33 : i32
      %add3A = arith.addi %mul3A_4, %mul3A_34 : i32
      "tpu.region"() ({
        %run_scoped3A = tpu.sem_alloc : memref<!tpu.dma_semaphore, #tpu.memory_space<semaphore_mem>>
        %dma_start3A = arith.constant 0 : i32
        %dma_start3A_35 = tpu.memref_slice %arg19[%add3A, %dma_start3A] : memref<10240x128xf32, #tpu.memory_space<vmem_shared>> -> memref<128x128xf32, #tpu.memory_space<vmem_shared>>
        %dma_start3A_36 = arith.constant 0 : i32
        %dma_start3A_37 = tpu.memref_slice %arg19[%add3A, %dma_start3A_36] : memref<10240x128xf32, #tpu.memory_space<vmem_shared>> -> memref<128x128xf32, #tpu.memory_space<vmem_shared>>
        tpu.enqueue_dma source(%arg10 : memref<128x128xf32, #tpu.memory_space<vmem>>) target(%dma_start3A_37 : memref<128x128xf32, #tpu.memory_space<vmem_shared>>) target_semaphore(%run_scoped3A : memref<!tpu.dma_semaphore, #tpu.memory_space<semaphore_mem>>)
        %dma_wait3A = arith.constant 0 : i32
        %dma_wait3A_38 = tpu.memref_slice %arg19[%add3A, %dma_wait3A] : memref<10240x128xf32, #tpu.memory_space<vmem_shared>> -> memref<128x128xf32, #tpu.memory_space<vmem_shared>>
        %dma_wait3A_39 = arith.constant 0 : i32
        %dma_wait3A_40 = tpu.memref_slice %arg19[%add3A, %dma_wait3A_39] : memref<10240x128xf32, #tpu.memory_space<vmem_shared>> -> memref<128x128xf32, #tpu.memory_space<vmem_shared>>
        tpu.wait_dma2 semaphore(%run_scoped3A : memref<!tpu.dma_semaphore, #tpu.memory_space<semaphore_mem>>) src(%arg10 : memref<128x128xf32, #tpu.memory_space<vmem>>) dst(%dma_wait3A_40 : memref<128x128xf32, #tpu.memory_space<vmem_shared>>)
        tpu.yield
      }) : () -> ()
    }
    %scan3A_9 = arith.constant 5 : i32
    %barrier3A = arith.constant 0 : index
    tpu.barrier barrier_id(%barrier3A)
    %mul3A_10 = arith.constant 20000 : i32
    %mul3A_11 = arith.muli %arg1, %mul3A_10 : i32
    %eq3A = arith.constant 0 : i32
    %eq3A_12 = arith.cmpi eq, %arg0, %eq3A : i32
    %convert_element_type3A = arith.extui %eq3A_12 : i1 to i32
    %cond3A = arith.constant 0 : i32
    %cond3A_13 = arith.cmpi ne, %convert_element_type3A, %cond3A : i32
    scf.if %cond3A_13 {
      "tpu.region"() ({
        %run_scoped3A = tpu.sem_alloc : memref<!tpu.dma_semaphore, #tpu.memory_space<semaphore_mem>>
        %dma_start3A_56 = tpu.memref_slice %arg2[%mul3A_11] : memref<320000xi32, #tpu.memory_space<hbm>> -> memref<128xi32, #tpu.memory_space<hbm>>
        %dma_start3A_57 = tpu.memref_slice %arg2[%mul3A_11] : memref<320000xi32, #tpu.memory_space<hbm>> -> memref<128xi32, #tpu.memory_space<hbm>>
        tpu.enqueue_dma source(%dma_start3A_57 : memref<128xi32, #tpu.memory_space<hbm>>) target(%arg8 : memref<128xi32, #tpu.memory_space<vmem>>) target_semaphore(%run_scoped3A : memref<!tpu.dma_semaphore, #tpu.memory_space<semaphore_mem>>)
        %dma_wait3A_58 = tpu.memref_slice %arg2[%mul3A_11] : memref<320000xi32, #tpu.memory_space<hbm>> -> memref<128xi32, #tpu.memory_space<hbm>>
        %dma_wait3A_59 = tpu.memref_slice %arg2[%mul3A_11] : memref<320000xi32, #tpu.memory_space<hbm>> -> memref<128xi32, #tpu.memory_space<hbm>>
        tpu.wait_dma2 semaphore(%run_scoped3A : memref<!tpu.dma_semaphore, #tpu.memory_space<semaphore_mem>>) src(%dma_wait3A_59 : memref<128xi32, #tpu.memory_space<hbm>>) dst(%arg8 : memref<128xi32, #tpu.memory_space<vmem>>)
        tpu.yield
      }) : () -> ()
      "tpu.region"() ({
        %run_scoped3A = tpu.sem_alloc : memref<!tpu.dma_semaphore, #tpu.memory_space<semaphore_mem>>
        %dma_start3A_56 = tpu.memref_slice %arg3[%mul3A_11] : memref<320000xi32, #tpu.memory_space<hbm>> -> memref<128xi32, #tpu.memory_space<hbm>>
        %dma_start3A_57 = tpu.memref_slice %arg3[%mul3A_11] : memref<320000xi32, #tpu.memory_space<hbm>> -> memref<128xi32, #tpu.memory_space<hbm>>
        tpu.enqueue_dma source(%dma_start3A_57 : memref<128xi32, #tpu.memory_space<hbm>>) target(%arg9 : memref<128xi32, #tpu.memory_space<vmem>>) target_semaphore(%run_scoped3A : memref<!tpu.dma_semaphore, #tpu.memory_space<semaphore_mem>>)
        %dma_wait3A_58 = tpu.memref_slice %arg3[%mul3A_11] : memref<320000xi32, #tpu.memory_space<hbm>> -> memref<128xi32, #tpu.memory_space<hbm>>
        %dma_wait3A_59 = tpu.memref_slice %arg3[%mul3A_11] : memref<320000xi32, #tpu.memory_space<hbm>> -> memref<128xi32, #tpu.memory_space<hbm>>
        tpu.wait_dma2 semaphore(%run_scoped3A : memref<!tpu.dma_semaphore, #tpu.memory_space<semaphore_mem>>) src(%dma_wait3A_59 : memref<128xi32, #tpu.memory_space<hbm>>) dst(%arg9 : memref<128xi32, #tpu.memory_space<vmem>>)
        tpu.yield
      }) : () -> ()
      %dma_start3A = arith.constant 0 : i32
      %dma_start3A_32 = arith.constant 0 : i32
      %dma_start3A_33 = tpu.memref_slice %arg4[%dma_start3A, %dma_start3A_32] : memref<10240x128xf32, #tpu.memory_space<hbm>> -> memref<10240x128xf32, #tpu.memory_space<hbm>>
      tpu.enqueue_indirect_dma source(%dma_start3A_33 : memref<10240x128xf32, #tpu.memory_space<hbm>>) target(%arg10 : memref<128x128xf32, #tpu.memory_space<vmem>>) offsets(%arg8 : memref<128xi32, #tpu.memory_space<vmem>>) semaphore(%arg17 : memref<!tpu.dma_semaphore, #tpu.memory_space<semaphore_mem>>)
      %scan3A_34 = arith.constant 0 : i32
      %scan3A_35 = arith.constant 77 : i32
      %scan3A_36 = arith.addi %scan3A_34, %scan3A_35 : i32
      %scan3A_37 = arith.constant 1 : i32
      scf.for %scan3A_56 = %scan3A_34 to %scan3A_36 step %scan3A_37  : i32 {
        %mul3A_57 = arith.constant 2 : i32
        %mul3A_58 = arith.muli %mul3A_57, %scan3A_56 : i32
        %add3A_59 = arith.constant 1 : i32
        %add3A_60 = arith.addi %mul3A_58, %add3A_59 : i32
        %mul3A_61 = arith.constant 128 : i32
        %mul3A_62 = arith.muli %add3A_60, %mul3A_61 : i32
        %add3A_63 = arith.addi %mul3A_11, %mul3A_62 : i32
        "tpu.region"() ({
          %run_scoped3A = tpu.sem_alloc : memref<!tpu.dma_semaphore, #tpu.memory_space<semaphore_mem>>
          %dma_start3A_83 = tpu.memref_slice %arg2[%add3A_63] : memref<320000xi32, #tpu.memory_space<hbm>> -> memref<128xi32, #tpu.memory_space<hbm>>
          %dma_start3A_84 = tpu.memref_slice %arg2[%add3A_63] : memref<320000xi32, #tpu.memory_space<hbm>> -> memref<128xi32, #tpu.memory_space<hbm>>
          tpu.enqueue_dma source(%dma_start3A_84 : memref<128xi32, #tpu.memory_space<hbm>>) target(%arg11 : memref<128xi32, #tpu.memory_space<vmem>>) target_semaphore(%run_scoped3A : memref<!tpu.dma_semaphore, #tpu.memory_space<semaphore_mem>>)
          %dma_wait3A_85 = tpu.memref_slice %arg2[%add3A_63] : memref<320000xi32, #tpu.memory_space<hbm>> -> memref<128xi32, #tpu.memory_space<hbm>>
          %dma_wait3A_86 = tpu.memref_slice %arg2[%add3A_63] : memref<320000xi32, #tpu.memory_space<hbm>> -> memref<128xi32, #tpu.memory_space<hbm>>
          tpu.wait_dma2 semaphore(%run_scoped3A : memref<!tpu.dma_semaphore, #tpu.memory_space<semaphore_mem>>) src(%dma_wait3A_86 : memref<128xi32, #tpu.memory_space<hbm>>) dst(%arg11 : memref<128xi32, #tpu.memory_space<vmem>>)
          tpu.yield
        }) : () -> ()
        "tpu.region"() ({
          %run_scoped3A = tpu.sem_alloc : memref<!tpu.dma_semaphore, #tpu.memory_space<semaphore_mem>>
          %dma_start3A_83 = tpu.memref_slice %arg3[%add3A_63] : memref<320000xi32, #tpu.memory_space<hbm>> -> memref<128xi32, #tpu.memory_space<hbm>>
          %dma_start3A_84 = tpu.memref_slice %arg3[%add3A_63] : memref<320000xi32, #tpu.memory_space<hbm>> -> memref<128xi32, #tpu.memory_space<hbm>>
          tpu.enqueue_dma source(%dma_start3A_84 : memref<128xi32, #tpu.memory_space<hbm>>) target(%arg12 : memref<128xi32, #tpu.memory_space<vmem>>) target_semaphore(%run_scoped3A : memref<!tpu.dma_semaphore, #tpu.memory_space<semaphore_mem>>)
          %dma_wait3A_85 = tpu.memref_slice %arg3[%add3A_63] : memref<320000xi32, #tpu.memory_space<hbm>> -> memref<128xi32, #tpu.memory_space<hbm>>
          %dma_wait3A_86 = tpu.memref_slice %arg3[%add3A_63] : memref<320000xi32, #tpu.memory_space<hbm>> -> memref<128xi32, #tpu.memory_space<hbm>>
          tpu.wait_dma2 semaphore(%run_scoped3A : memref<!tpu.dma_semaphore, #tpu.memory_space<semaphore_mem>>) src(%dma_wait3A_86 : memref<128xi32, #tpu.memory_space<hbm>>) dst(%arg12 : memref<128xi32, #tpu.memory_space<vmem>>)
          tpu.yield
        }) : () -> ()
        %dma_start3A_64 = arith.constant 0 : i32
        %dma_start3A_65 = arith.constant 0 : i32
        %dma_start3A_66 = tpu.memref_slice %arg4[%dma_start3A_64, %dma_start3A_65] : memref<10240x128xf32, #tpu.memory_space<hbm>> -> memref<10240x128xf32, #tpu.memory_space<hbm>>
        tpu.enqueue_indirect_dma source(%dma_start3A_66 : memref<10240x128xf32, #tpu.memory_space<hbm>>) target(%arg13 : memref<128x128xf32, #tpu.memory_space<vmem>>) offsets(%arg11 : memref<128xi32, #tpu.memory_space<vmem>>) semaphore(%arg18 : memref<!tpu.dma_semaphore, #tpu.memory_space<semaphore_mem>>)
        %dma_wait3A_67 = arith.constant 0 : i32
        %dma_wait3A_68 = arith.constant 0 : i32
        %dma_wait3A_69 = tpu.memref_slice %arg4[%dma_wait3A_67, %dma_wait3A_68] : memref<10240x128xf32, #tpu.memory_space<hbm>> -> memref<10240x128xf32, #tpu.memory_space<hbm>>
        tpu.wait_indirect_dma semaphore(%arg17 : memref<!tpu.dma_semaphore, #tpu.memory_space<semaphore_mem>>) src(%dma_wait3A_69 : memref<10240x128xf32, #tpu.memory_space<hbm>>) dst(%arg10 : memref<128x128xf32, #tpu.memory_space<vmem>>)
        "tpu.region"() ({
          %run_scoped3A = tpu.sem_alloc : memref<!tpu.dma_semaphore, #tpu.memory_space<semaphore_mem>>
          %dma_start3A_83 = arith.constant 0 : i32
          %dma_start3A_84 = arith.constant 0 : i32
          %dma_start3A_85 = tpu.memref_slice %arg19[%dma_start3A_83, %dma_start3A_84] : memref<10240x128xf32, #tpu.memory_space<vmem_shared>> -> memref<10240x128xf32, #tpu.memory_space<vmem_shared>>
          tpu.enqueue_indirect_dma source(%arg10 : memref<128x128xf32, #tpu.memory_space<vmem>>) target(%dma_start3A_85 : memref<10240x128xf32, #tpu.memory_space<vmem_shared>>) offsets(%arg9 : memref<128xi32, #tpu.memory_space<vmem>>) semaphore(%run_scoped3A : memref<!tpu.dma_semaphore, #tpu.memory_space<semaphore_mem>>) {add = true}
          %dma_wait3A_86 = arith.constant 0 : i32
          %dma_wait3A_87 = arith.constant 0 : i32
          %dma_wait3A_88 = tpu.memref_slice %arg19[%dma_wait3A_86, %dma_wait3A_87] : memref<10240x128xf32, #tpu.memory_space<vmem_shared>> -> memref<10240x128xf32, #tpu.memory_space<vmem_shared>>
          tpu.wait_indirect_dma semaphore(%run_scoped3A : memref<!tpu.dma_semaphore, #tpu.memory_space<semaphore_mem>>) src(%arg10 : memref<128x128xf32, #tpu.memory_space<vmem>>) dst(%dma_wait3A_88 : memref<10240x128xf32, #tpu.memory_space<vmem_shared>>)
          tpu.yield
        }) : () -> ()
        %mul3A_70 = arith.constant 2 : i32
        %mul3A_71 = arith.muli %mul3A_70, %scan3A_56 : i32
        %add3A_72 = arith.constant 2 : i32
        %add3A_73 = arith.addi %mul3A_71, %add3A_72 : i32
        %mul3A_74 = arith.constant 128 : i32
        %mul3A_75 = arith.muli %add3A_73, %mul3A_74 : i32
        %add3A_76 = arith.addi %mul3A_11, %mul3A_75 : i32
        "tpu.region"() ({
          %run_scoped3A = tpu.sem_alloc : memref<!tpu.dma_semaphore, #tpu.memory_space<semaphore_mem>>
          %dma_start3A_83 = tpu.memref_slice %arg2[%add3A_76] : memref<320000xi32, #tpu.memory_space<hbm>> -> memref<128xi32, #tpu.memory_space<hbm>>
          %dma_start3A_84 = tpu.memref_slice %arg2[%add3A_76] : memref<320000xi32, #tpu.memory_space<hbm>> -> memref<128xi32, #tpu.memory_space<hbm>>
          tpu.enqueue_dma source(%dma_start3A_84 : memref<128xi32, #tpu.memory_space<hbm>>) target(%arg8 : memref<128xi32, #tpu.memory_space<vmem>>) target_semaphore(%run_scoped3A : memref<!tpu.dma_semaphore, #tpu.memory_space<semaphore_mem>>)
          %dma_wait3A_85 = tpu.memref_slice %arg2[%add3A_76] : memref<320000xi32, #tpu.memory_space<hbm>> -> memref<128xi32, #tpu.memory_space<hbm>>
          %dma_wait3A_86 = tpu.memref_slice %arg2[%add3A_76] : memref<320000xi32, #tpu.memory_space<hbm>> -> memref<128xi32, #tpu.memory_space<hbm>>
          tpu.wait_dma2 semaphore(%run_scoped3A : memref<!tpu.dma_semaphore, #tpu.memory_space<semaphore_mem>>) src(%dma_wait3A_86 : memref<128xi32, #tpu.memory_space<hbm>>) dst(%arg8 : memref<128xi32, #tpu.memory_space<vmem>>)
          tpu.yield
        }) : () -> ()
        "tpu.region"() ({
          %run_scoped3A = tpu.sem_alloc : memref<!tpu.dma_semaphore, #tpu.memory_space<semaphore_mem>>
          %dma_start3A_83 = tpu.memref_slice %arg3[%add3A_76] : memref<320000xi32, #tpu.memory_space<hbm>> -> memref<128xi32, #tpu.memory_space<hbm>>
          %dma_start3A_84 = tpu.memref_slice %arg3[%add3A_76] : memref<320000xi32, #tpu.memory_space<hbm>> -> memref<128xi32, #tpu.memory_space<hbm>>
          tpu.enqueue_dma source(%dma_start3A_84 : memref<128xi32, #tpu.memory_space<hbm>>) target(%arg9 : memref<128xi32, #tpu.memory_space<vmem>>) target_semaphore(%run_scoped3A : memref<!tpu.dma_semaphore, #tpu.memory_space<semaphore_mem>>)
          %dma_wait3A_85 = tpu.memref_slice %arg3[%add3A_76] : memref<320000xi32, #tpu.memory_space<hbm>> -> memref<128xi32, #tpu.memory_space<hbm>>
          %dma_wait3A_86 = tpu.memref_slice %arg3[%add3A_76] : memref<320000xi32, #tpu.memory_space<hbm>> -> memref<128xi32, #tpu.memory_space<hbm>>
          tpu.wait_dma2 semaphore(%run_scoped3A : memref<!tpu.dma_semaphore, #tpu.memory_space<semaphore_mem>>) src(%dma_wait3A_86 : memref<128xi32, #tpu.memory_space<hbm>>) dst(%arg9 : memref<128xi32, #tpu.memory_space<vmem>>)
          tpu.yield
        }) : () -> ()
        %dma_start3A_77 = arith.constant 0 : i32
        %dma_start3A_78 = arith.constant 0 : i32
        %dma_start3A_79 = tpu.memref_slice %arg4[%dma_start3A_77, %dma_start3A_78] : memref<10240x128xf32, #tpu.memory_space<hbm>> -> memref<10240x128xf32, #tpu.memory_space<hbm>>
        tpu.enqueue_indirect_dma source(%dma_start3A_79 : memref<10240x128xf32, #tpu.memory_space<hbm>>) target(%arg10 : memref<128x128xf32, #tpu.memory_space<vmem>>) offsets(%arg8 : memref<128xi32, #tpu.memory_space<vmem>>) semaphore(%arg17 : memref<!tpu.dma_semaphore, #tpu.memory_space<semaphore_mem>>)
        %dma_wait3A_80 = arith.constant 0 : i32
        %dma_wait3A_81 = arith.constant 0 : i32
        %dma_wait3A_82 = tpu.memref_slice %arg4[%dma_wait3A_80, %dma_wait3A_81] : memref<10240x128xf32, #tpu.memory_space<hbm>> -> memref<10240x128xf32, #tpu.memory_space<hbm>>
        tpu.wait_indirect_dma semaphore(%arg18 : memref<!tpu.dma_semaphore, #tpu.memory_space<semaphore_mem>>) src(%dma_wait3A_82 : memref<10240x128xf32, #tpu.memory_space<hbm>>) dst(%arg13 : memref<128x128xf32, #tpu.memory_space<vmem>>)
        "tpu.region"() ({
          %run_scoped3A = tpu.sem_alloc : memref<!tpu.dma_semaphore, #tpu.memory_space<semaphore_mem>>
          %dma_start3A_83 = arith.constant 0 : i32
          %dma_start3A_84 = arith.constant 0 : i32
          %dma_start3A_85 = tpu.memref_slice %arg19[%dma_start3A_83, %dma_start3A_84] : memref<10240x128xf32, #tpu.memory_space<vmem_shared>> -> memref<10240x128xf32, #tpu.memory_space<vmem_shared>>
          tpu.enqueue_indirect_dma source(%arg13 : memref<128x128xf32, #tpu.memory_space<vmem>>) target(%dma_start3A_85 : memref<10240x128xf32, #tpu.memory_space<vmem_shared>>) offsets(%arg12 : memref<128xi32, #tpu.memory_space<vmem>>) semaphore(%run_scoped3A : memref<!tpu.dma_semaphore, #tpu.memory_space<semaphore_mem>>) {add = true}
          %dma_wait3A_86 = arith.constant 0 : i32
          %dma_wait3A_87 = arith.constant 0 : i32
          %dma_wait3A_88 = tpu.memref_slice %arg19[%dma_wait3A_86, %dma_wait3A_87] : memref<10240x128xf32, #tpu.memory_space<vmem_shared>> -> memref<10240x128xf32, #tpu.memory_space<vmem_shared>>
          tpu.wait_indirect_dma semaphore(%run_scoped3A : memref<!tpu.dma_semaphore, #tpu.memory_space<semaphore_mem>>) src(%arg13 : memref<128x128xf32, #tpu.memory_space<vmem>>) dst(%dma_wait3A_88 : memref<10240x128xf32, #tpu.memory_space<vmem_shared>>)
          tpu.yield
        }) : () -> ()
      }
      %scan3A_38 = arith.constant 77 : i32
      %add3A = arith.constant 19840 : i32
      %add3A_39 = arith.addi %mul3A_11, %add3A : i32
      "tpu.region"() ({
        %run_scoped3A = tpu.sem_alloc : memref<!tpu.dma_semaphore, #tpu.memory_space<semaphore_mem>>
        %dma_start3A_56 = tpu.memref_slice %arg2[%add3A_39] : memref<320000xi32, #tpu.memory_space<hbm>> -> memref<128xi32, #tpu.memory_space<hbm>>
        %dma_start3A_57 = tpu.memref_slice %arg2[%add3A_39] : memref<320000xi32, #tpu.memory_space<hbm>> -> memref<128xi32, #tpu.memory_space<hbm>>
        tpu.enqueue_dma source(%dma_start3A_57 : memref<128xi32, #tpu.memory_space<hbm>>) target(%arg11 : memref<128xi32, #tpu.memory_space<vmem>>) target_semaphore(%run_scoped3A : memref<!tpu.dma_semaphore, #tpu.memory_space<semaphore_mem>>)
        %dma_wait3A_58 = tpu.memref_slice %arg2[%add3A_39] : memref<320000xi32, #tpu.memory_space<hbm>> -> memref<128xi32, #tpu.memory_space<hbm>>
        %dma_wait3A_59 = tpu.memref_slice %arg2[%add3A_39] : memref<320000xi32, #tpu.memory_space<hbm>> -> memref<128xi32, #tpu.memory_space<hbm>>
        tpu.wait_dma2 semaphore(%run_scoped3A : memref<!tpu.dma_semaphore, #tpu.memory_space<semaphore_mem>>) src(%dma_wait3A_59 : memref<128xi32, #tpu.memory_space<hbm>>) dst(%arg11 : memref<128xi32, #tpu.memory_space<vmem>>)
        tpu.yield
      }) : () -> ()
      "tpu.region"() ({
        %run_scoped3A = tpu.sem_alloc : memref<!tpu.dma_semaphore, #tpu.memory_space<semaphore_mem>>
        %dma_start3A_56 = tpu.memref_slice %arg3[%add3A_39] : memref<320000xi32, #tpu.memory_space<hbm>> -> memref<128xi32, #tpu.memory_space<hbm>>
        %dma_start3A_57 = tpu.memref_slice %arg3[%add3A_39] : memref<320000xi32, #tpu.memory_space<hbm>> -> memref<128xi32, #tpu.memory_space<hbm>>
        tpu.enqueue_dma source(%dma_start3A_57 : memref<128xi32, #tpu.memory_space<hbm>>) target(%arg12 : memref<128xi32, #tpu.memory_space<vmem>>) target_semaphore(%run_scoped3A : memref<!tpu.dma_semaphore, #tpu.memory_space<semaphore_mem>>)
        %dma_wait3A_58 = tpu.memref_slice %arg3[%add3A_39] : memref<320000xi32, #tpu.memory_space<hbm>> -> memref<128xi32, #tpu.memory_space<hbm>>
        %dma_wait3A_59 = tpu.memref_slice %arg3[%add3A_39] : memref<320000xi32, #tpu.memory_space<hbm>> -> memref<128xi32, #tpu.memory_space<hbm>>
        tpu.wait_dma2 semaphore(%run_scoped3A : memref<!tpu.dma_semaphore, #tpu.memory_space<semaphore_mem>>) src(%dma_wait3A_59 : memref<128xi32, #tpu.memory_space<hbm>>) dst(%arg12 : memref<128xi32, #tpu.memory_space<vmem>>)
        tpu.yield
      }) : () -> ()
      %dma_start3A_40 = arith.constant 0 : i32
      %dma_start3A_41 = arith.constant 0 : i32
      %dma_start3A_42 = tpu.memref_slice %arg4[%dma_start3A_40, %dma_start3A_41] : memref<10240x128xf32, #tpu.memory_space<hbm>> -> memref<10240x128xf32, #tpu.memory_space<hbm>>
      tpu.enqueue_indirect_dma source(%dma_start3A_42 : memref<10240x128xf32, #tpu.memory_space<hbm>>) target(%arg13 : memref<128x128xf32, #tpu.memory_space<vmem>>) offsets(%arg11 : memref<128xi32, #tpu.memory_space<vmem>>) semaphore(%arg18 : memref<!tpu.dma_semaphore, #tpu.memory_space<semaphore_mem>>)
      %dma_wait3A = arith.constant 0 : i32
      %dma_wait3A_43 = arith.constant 0 : i32
      %dma_wait3A_44 = tpu.memref_slice %arg4[%dma_wait3A, %dma_wait3A_43] : memref<10240x128xf32, #tpu.memory_space<hbm>> -> memref<10240x128xf32, #tpu.memory_space<hbm>>
      tpu.wait_indirect_dma semaphore(%arg17 : memref<!tpu.dma_semaphore, #tpu.memory_space<semaphore_mem>>) src(%dma_wait3A_44 : memref<10240x128xf32, #tpu.memory_space<hbm>>) dst(%arg10 : memref<128x128xf32, #tpu.memory_space<vmem>>)
      "tpu.region"() ({
        %run_scoped3A = tpu.sem_alloc : memref<!tpu.dma_semaphore, #tpu.memory_space<semaphore_mem>>
        %dma_start3A_56 = arith.constant 0 : i32
        %dma_start3A_57 = arith.constant 0 : i32
        %dma_start3A_58 = tpu.memref_slice %arg19[%dma_start3A_56, %dma_start3A_57] : memref<10240x128xf32, #tpu.memory_space<vmem_shared>> -> memref<10240x128xf32, #tpu.memory_space<vmem_shared>>
        tpu.enqueue_indirect_dma source(%arg10 : memref<128x128xf32, #tpu.memory_space<vmem>>) target(%dma_start3A_58 : memref<10240x128xf32, #tpu.memory_space<vmem_shared>>) offsets(%arg9 : memref<128xi32, #tpu.memory_space<vmem>>) semaphore(%run_scoped3A : memref<!tpu.dma_semaphore, #tpu.memory_space<semaphore_mem>>) {add = true}
        %dma_wait3A_59 = arith.constant 0 : i32
        %dma_wait3A_60 = arith.constant 0 : i32
        %dma_wait3A_61 = tpu.memref_slice %arg19[%dma_wait3A_59, %dma_wait3A_60] : memref<10240x128xf32, #tpu.memory_space<vmem_shared>> -> memref<10240x128xf32, #tpu.memory_space<vmem_shared>>
        tpu.wait_indirect_dma semaphore(%run_scoped3A : memref<!tpu.dma_semaphore, #tpu.memory_space<semaphore_mem>>) src(%arg10 : memref<128x128xf32, #tpu.memory_space<vmem>>) dst(%dma_wait3A_61 : memref<10240x128xf32, #tpu.memory_space<vmem_shared>>)
        tpu.yield
      }) : () -> ()
      %dma_wait3A_45 = arith.constant 0 : i32
      %dma_wait3A_46 = arith.constant 0 : i32
      %dma_wait3A_47 = tpu.memref_slice %arg4[%dma_wait3A_45, %dma_wait3A_46] : memref<10240x128xf32, #tpu.memory_space<hbm>> -> memref<10240x128xf32, #tpu.memory_space<hbm>>
      tpu.wait_indirect_dma semaphore(%arg18 : memref<!tpu.dma_semaphore, #tpu.memory_space<semaphore_mem>>) src(%dma_wait3A_47 : memref<10240x128xf32, #tpu.memory_space<hbm>>) dst(%arg13 : memref<128x128xf32, #tpu.memory_space<vmem>>)
      "tpu.region"() ({
        %run_scoped3A = tpu.sem_alloc : memref<!tpu.dma_semaphore, #tpu.memory_space<semaphore_mem>>
        %dma_start3A_56 = arith.constant 0 : i32
        %dma_start3A_57 = arith.constant 0 : i32
        %dma_start3A_58 = tpu.memref_slice %arg19[%dma_start3A_56, %dma_start3A_57] : memref<10240x128xf32, #tpu.memory_space<vmem_shared>> -> memref<10240x128xf32, #tpu.memory_space<vmem_shared>>
        tpu.enqueue_indirect_dma source(%arg13 : memref<128x128xf32, #tpu.memory_space<vmem>>) target(%dma_start3A_58 : memref<10240x128xf32, #tpu.memory_space<vmem_shared>>) offsets(%arg12 : memref<128xi32, #tpu.memory_space<vmem>>) semaphore(%run_scoped3A : memref<!tpu.dma_semaphore, #tpu.memory_space<semaphore_mem>>) {add = true}
        %dma_wait3A_59 = arith.constant 0 : i32
        %dma_wait3A_60 = arith.constant 0 : i32
        %dma_wait3A_61 = tpu.memref_slice %arg19[%dma_wait3A_59, %dma_wait3A_60] : memref<10240x128xf32, #tpu.memory_space<vmem_shared>> -> memref<10240x128xf32, #tpu.memory_space<vmem_shared>>
        tpu.wait_indirect_dma semaphore(%run_scoped3A : memref<!tpu.dma_semaphore, #tpu.memory_space<semaphore_mem>>) src(%arg13 : memref<128x128xf32, #tpu.memory_space<vmem>>) dst(%dma_wait3A_61 : memref<10240x128xf32, #tpu.memory_space<vmem_shared>>)
        tpu.yield
      }) : () -> ()
      %add3A_48 = arith.constant 19968 : i32
      %add3A_49 = arith.addi %mul3A_11, %add3A_48 : i32
      "tpu.region"() ({
        %run_scoped3A = tpu.sem_alloc : memref<!tpu.dma_semaphore, #tpu.memory_space<semaphore_mem>>
        %dma_start3A_56 = tpu.memref_slice %arg2[%add3A_49] : memref<320000xi32, #tpu.memory_space<hbm>> -> memref<32xi32, #tpu.memory_space<hbm>>
        %dma_start3A_57 = tpu.memref_slice %arg2[%add3A_49] : memref<320000xi32, #tpu.memory_space<hbm>> -> memref<32xi32, #tpu.memory_space<hbm>>
        tpu.enqueue_dma source(%dma_start3A_57 : memref<32xi32, #tpu.memory_space<hbm>>) target(%arg14 : memref<32xi32, #tpu.memory_space<vmem>>) target_semaphore(%run_scoped3A : memref<!tpu.dma_semaphore, #tpu.memory_space<semaphore_mem>>)
        %dma_wait3A_58 = tpu.memref_slice %arg2[%add3A_49] : memref<320000xi32, #tpu.memory_space<hbm>> -> memref<32xi32, #tpu.memory_space<hbm>>
        %dma_wait3A_59 = tpu.memref_slice %arg2[%add3A_49] : memref<320000xi32, #tpu.memory_space<hbm>> -> memref<32xi32, #tpu.memory_space<hbm>>
        tpu.wait_dma2 semaphore(%run_scoped3A : memref<!tpu.dma_semaphore, #tpu.memory_space<semaphore_mem>>) src(%dma_wait3A_59 : memref<32xi32, #tpu.memory_space<hbm>>) dst(%arg14 : memref<32xi32, #tpu.memory_space<vmem>>)
        tpu.yield
      }) : () -> ()
      "tpu.region"() ({
        %run_scoped3A = tpu.sem_alloc : memref<!tpu.dma_semaphore, #tpu.memory_space<semaphore_mem>>
        %dma_start3A_56 = tpu.memref_slice %arg3[%add3A_49] : memref<320000xi32, #tpu.memory_space<hbm>> -> memref<32xi32, #tpu.memory_space<hbm>>
        %dma_start3A_57 = tpu.memref_slice %arg3[%add3A_49] : memref<320000xi32, #tpu.memory_space<hbm>> -> memref<32xi32, #tpu.memory_space<hbm>>
        tpu.enqueue_dma source(%dma_start3A_57 : memref<32xi32, #tpu.memory_space<hbm>>) target(%arg15 : memref<32xi32, #tpu.memory_space<vmem>>) target_semaphore(%run_scoped3A : memref<!tpu.dma_semaphore, #tpu.memory_space<semaphore_mem>>)
        %dma_wait3A_58 = tpu.memref_slice %arg3[%add3A_49] : memref<320000xi32, #tpu.memory_space<hbm>> -> memref<32xi32, #tpu.memory_space<hbm>>
        %dma_wait3A_59 = tpu.memref_slice %arg3[%add3A_49] : memref<320000xi32, #tpu.memory_space<hbm>> -> memref<32xi32, #tpu.memory_space<hbm>>
        tpu.wait_dma2 semaphore(%run_scoped3A : memref<!tpu.dma_semaphore, #tpu.memory_space<semaphore_mem>>) src(%dma_wait3A_59 : memref<32xi32, #tpu.memory_space<hbm>>) dst(%arg15 : memref<32xi32, #tpu.memory_space<vmem>>)
        tpu.yield
      }) : () -> ()
      %dma_start3A_50 = arith.constant 0 : i32
      %dma_start3A_51 = arith.constant 0 : i32
      %dma_start3A_52 = tpu.memref_slice %arg4[%dma_start3A_50, %dma_start3A_51] : memref<10240x128xf32, #tpu.memory_space<hbm>> -> memref<10240x128xf32, #tpu.memory_space<hbm>>
      tpu.enqueue_indirect_dma source(%dma_start3A_52 : memref<10240x128xf32, #tpu.memory_space<hbm>>) target(%arg16 : memref<32x128xf32, #tpu.memory_space<vmem>>) offsets(%arg14 : memref<32xi32, #tpu.memory_space<vmem>>) semaphore(%arg17 : memref<!tpu.dma_semaphore, #tpu.memory_space<semaphore_mem>>)
      %dma_wait3A_53 = arith.constant 0 : i32
      %dma_wait3A_54 = arith.constant 0 : i32
      %dma_wait3A_55 = tpu.memref_slice %arg4[%dma_wait3A_53, %dma_wait3A_54] : memref<10240x128xf32, #tpu.memory_space<hbm>> -> memref<10240x128xf32, #tpu.memory_space<hbm>>
      tpu.wait_indirect_dma semaphore(%arg17 : memref<!tpu.dma_semaphore, #tpu.memory_space<semaphore_mem>>) src(%dma_wait3A_55 : memref<10240x128xf32, #tpu.memory_space<hbm>>) dst(%arg16 : memref<32x128xf32, #tpu.memory_space<vmem>>)
      "tpu.region"() ({
        %run_scoped3A = tpu.sem_alloc : memref<!tpu.dma_semaphore, #tpu.memory_space<semaphore_mem>>
        %dma_start3A_56 = arith.constant 0 : i32
        %dma_start3A_57 = arith.constant 0 : i32
        %dma_start3A_58 = tpu.memref_slice %arg19[%dma_start3A_56, %dma_start3A_57] : memref<10240x128xf32, #tpu.memory_space<vmem_shared>> -> memref<10240x128xf32, #tpu.memory_space<vmem_shared>>
        tpu.enqueue_indirect_dma source(%arg16 : memref<32x128xf32, #tpu.memory_space<vmem>>) target(%dma_start3A_58 : memref<10240x128xf32, #tpu.memory_space<vmem_shared>>) offsets(%arg15 : memref<32xi32, #tpu.memory_space<vmem>>) semaphore(%run_scoped3A : memref<!tpu.dma_semaphore, #tpu.memory_space<semaphore_mem>>) {add = true}
        %dma_wait3A_59 = arith.constant 0 : i32
        %dma_wait3A_60 = arith.constant 0 : i32
        %dma_wait3A_61 = tpu.memref_slice %arg19[%dma_wait3A_59, %dma_wait3A_60] : memref<10240x128xf32, #tpu.memory_space<vmem_shared>> -> memref<10240x128xf32, #tpu.memory_space<vmem_shared>>
        tpu.wait_indirect_dma semaphore(%run_scoped3A : memref<!tpu.dma_semaphore, #tpu.memory_space<semaphore_mem>>) src(%arg16 : memref<32x128xf32, #tpu.memory_space<vmem>>) dst(%dma_wait3A_61 : memref<10240x128xf32, #tpu.memory_space<vmem_shared>>)
        tpu.yield
      }) : () -> ()
    } else {
    }
    %eq3A_14 = arith.constant 1 : i32
    %eq3A_15 = arith.cmpi eq, %arg0, %eq3A_14 : i32
    %convert_element_type3A_16 = arith.extui %eq3A_15 : i1 to i32
    %cond3A_17 = arith.constant 0 : i32
    %cond3A_18 = arith.cmpi ne, %convert_element_type3A_16, %cond3A_17 : i32
    scf.if %cond3A_18 {
      "tpu.region"() ({
        %run_scoped3A = tpu.sem_alloc : memref<!tpu.dma_semaphore, #tpu.memory_space<semaphore_mem>>
        %dma_start3A_56 = tpu.memref_slice %arg2[%mul3A_11] : memref<320000xi32, #tpu.memory_space<hbm>> -> memref<128xi32, #tpu.memory_space<hbm>>
        %dma_start3A_57 = tpu.memref_slice %arg2[%mul3A_11] : memref<320000xi32, #tpu.memory_space<hbm>> -> memref<128xi32, #tpu.memory_space<hbm>>
        tpu.enqueue_dma source(%dma_start3A_57 : memref<128xi32, #tpu.memory_space<hbm>>) target(%arg8 : memref<128xi32, #tpu.memory_space<vmem>>) target_semaphore(%run_scoped3A : memref<!tpu.dma_semaphore, #tpu.memory_space<semaphore_mem>>)
        %dma_wait3A_58 = tpu.memref_slice %arg2[%mul3A_11] : memref<320000xi32, #tpu.memory_space<hbm>> -> memref<128xi32, #tpu.memory_space<hbm>>
        %dma_wait3A_59 = tpu.memref_slice %arg2[%mul3A_11] : memref<320000xi32, #tpu.memory_space<hbm>> -> memref<128xi32, #tpu.memory_space<hbm>>
        tpu.wait_dma2 semaphore(%run_scoped3A : memref<!tpu.dma_semaphore, #tpu.memory_space<semaphore_mem>>) src(%dma_wait3A_59 : memref<128xi32, #tpu.memory_space<hbm>>) dst(%arg8 : memref<128xi32, #tpu.memory_space<vmem>>)
        tpu.yield
      }) : () -> ()
      "tpu.region"() ({
        %run_scoped3A = tpu.sem_alloc : memref<!tpu.dma_semaphore, #tpu.memory_space<semaphore_mem>>
        %dma_start3A_56 = tpu.memref_slice %arg3[%mul3A_11] : memref<320000xi32, #tpu.memory_space<hbm>> -> memref<128xi32, #tpu.memory_space<hbm>>
        %dma_start3A_57 = tpu.memref_slice %arg3[%mul3A_11] : memref<320000xi32, #tpu.memory_space<hbm>> -> memref<128xi32, #tpu.memory_space<hbm>>
        tpu.enqueue_dma source(%dma_start3A_57 : memref<128xi32, #tpu.memory_space<hbm>>) target(%arg9 : memref<128xi32, #tpu.memory_space<vmem>>) target_semaphore(%run_scoped3A : memref<!tpu.dma_semaphore, #tpu.memory_space<semaphore_mem>>)
        %dma_wait3A_58 = tpu.memref_slice %arg3[%mul3A_11] : memref<320000xi32, #tpu.memory_space<hbm>> -> memref<128xi32, #tpu.memory_space<hbm>>
        %dma_wait3A_59 = tpu.memref_slice %arg3[%mul3A_11] : memref<320000xi32, #tpu.memory_space<hbm>> -> memref<128xi32, #tpu.memory_space<hbm>>
        tpu.wait_dma2 semaphore(%run_scoped3A : memref<!tpu.dma_semaphore, #tpu.memory_space<semaphore_mem>>) src(%dma_wait3A_59 : memref<128xi32, #tpu.memory_space<hbm>>) dst(%arg9 : memref<128xi32, #tpu.memory_space<vmem>>)
        tpu.yield
      }) : () -> ()
      %dma_start3A = arith.constant 0 : i32
      %dma_start3A_32 = arith.constant 0 : i32
      %dma_start3A_33 = tpu.memref_slice %arg5[%dma_start3A, %dma_start3A_32] : memref<10240x128xf32, #tpu.memory_space<hbm>> -> memref<10240x128xf32, #tpu.memory_space<hbm>>
      tpu.enqueue_indirect_dma source(%dma_start3A_33 : memref<10240x128xf32, #tpu.memory_space<hbm>>) target(%arg10 : memref<128x128xf32, #tpu.memory_space<vmem>>) offsets(%arg8 : memref<128xi32, #tpu.memory_space<vmem>>) semaphore(%arg17 : memref<!tpu.dma_semaphore, #tpu.memory_space<semaphore_mem>>)
      %scan3A_34 = arith.constant 0 : i32
      %scan3A_35 = arith.constant 77 : i32
      %scan3A_36 = arith.addi %scan3A_34, %scan3A_35 : i32
      %scan3A_37 = arith.constant 1 : i32
      scf.for %scan3A_56 = %scan3A_34 to %scan3A_36 step %scan3A_37  : i32 {
        %mul3A_57 = arith.constant 2 : i32
        %mul3A_58 = arith.muli %mul3A_57, %scan3A_56 : i32
        %add3A_59 = arith.constant 1 : i32
        %add3A_60 = arith.addi %mul3A_58, %add3A_59 : i32
        %mul3A_61 = arith.constant 128 : i32
        %mul3A_62 = arith.muli %add3A_60, %mul3A_61 : i32
        %add3A_63 = arith.addi %mul3A_11, %mul3A_62 : i32
        "tpu.region"() ({
          %run_scoped3A = tpu.sem_alloc : memref<!tpu.dma_semaphore, #tpu.memory_space<semaphore_mem>>
          %dma_start3A_83 = tpu.memref_slice %arg2[%add3A_63] : memref<320000xi32, #tpu.memory_space<hbm>> -> memref<128xi32, #tpu.memory_space<hbm>>
          %dma_start3A_84 = tpu.memref_slice %arg2[%add3A_63] : memref<320000xi32, #tpu.memory_space<hbm>> -> memref<128xi32, #tpu.memory_space<hbm>>
          tpu.enqueue_dma source(%dma_start3A_84 : memref<128xi32, #tpu.memory_space<hbm>>) target(%arg11 : memref<128xi32, #tpu.memory_space<vmem>>) target_semaphore(%run_scoped3A : memref<!tpu.dma_semaphore, #tpu.memory_space<semaphore_mem>>)
          %dma_wait3A_85 = tpu.memref_slice %arg2[%add3A_63] : memref<320000xi32, #tpu.memory_space<hbm>> -> memref<128xi32, #tpu.memory_space<hbm>>
          %dma_wait3A_86 = tpu.memref_slice %arg2[%add3A_63] : memref<320000xi32, #tpu.memory_space<hbm>> -> memref<128xi32, #tpu.memory_space<hbm>>
          tpu.wait_dma2 semaphore(%run_scoped3A : memref<!tpu.dma_semaphore, #tpu.memory_space<semaphore_mem>>) src(%dma_wait3A_86 : memref<128xi32, #tpu.memory_space<hbm>>) dst(%arg11 : memref<128xi32, #tpu.memory_space<vmem>>)
          tpu.yield
        }) : () -> ()
        "tpu.region"() ({
          %run_scoped3A = tpu.sem_alloc : memref<!tpu.dma_semaphore, #tpu.memory_space<semaphore_mem>>
          %dma_start3A_83 = tpu.memref_slice %arg3[%add3A_63] : memref<320000xi32, #tpu.memory_space<hbm>> -> memref<128xi32, #tpu.memory_space<hbm>>
          %dma_start3A_84 = tpu.memref_slice %arg3[%add3A_63] : memref<320000xi32, #tpu.memory_space<hbm>> -> memref<128xi32, #tpu.memory_space<hbm>>
          tpu.enqueue_dma source(%dma_start3A_84 : memref<128xi32, #tpu.memory_space<hbm>>) target(%arg12 : memref<128xi32, #tpu.memory_space<vmem>>) target_semaphore(%run_scoped3A : memref<!tpu.dma_semaphore, #tpu.memory_space<semaphore_mem>>)
          %dma_wait3A_85 = tpu.memref_slice %arg3[%add3A_63] : memref<320000xi32, #tpu.memory_space<hbm>> -> memref<128xi32, #tpu.memory_space<hbm>>
          %dma_wait3A_86 = tpu.memref_slice %arg3[%add3A_63] : memref<320000xi32, #tpu.memory_space<hbm>> -> memref<128xi32, #tpu.memory_space<hbm>>
          tpu.wait_dma2 semaphore(%run_scoped3A : memref<!tpu.dma_semaphore, #tpu.memory_space<semaphore_mem>>) src(%dma_wait3A_86 : memref<128xi32, #tpu.memory_space<hbm>>) dst(%arg12 : memref<128xi32, #tpu.memory_space<vmem>>)
          tpu.yield
        }) : () -> ()
        %dma_start3A_64 = arith.constant 0 : i32
        %dma_start3A_65 = arith.constant 0 : i32
        %dma_start3A_66 = tpu.memref_slice %arg5[%dma_start3A_64, %dma_start3A_65] : memref<10240x128xf32, #tpu.memory_space<hbm>> -> memref<10240x128xf32, #tpu.memory_space<hbm>>
        tpu.enqueue_indirect_dma source(%dma_start3A_66 : memref<10240x128xf32, #tpu.memory_space<hbm>>) target(%arg13 : memref<128x128xf32, #tpu.memory_space<vmem>>) offsets(%arg11 : memref<128xi32, #tpu.memory_space<vmem>>) semaphore(%arg18 : memref<!tpu.dma_semaphore, #tpu.memory_space<semaphore_mem>>)
        %dma_wait3A_67 = arith.constant 0 : i32
        %dma_wait3A_68 = arith.constant 0 : i32
        %dma_wait3A_69 = tpu.memref_slice %arg5[%dma_wait3A_67, %dma_wait3A_68] : memref<10240x128xf32, #tpu.memory_space<hbm>> -> memref<10240x128xf32, #tpu.memory_space<hbm>>
        tpu.wait_indirect_dma semaphore(%arg17 : memref<!tpu.dma_semaphore, #tpu.memory_space<semaphore_mem>>) src(%dma_wait3A_69 : memref<10240x128xf32, #tpu.memory_space<hbm>>) dst(%arg10 : memref<128x128xf32, #tpu.memory_space<vmem>>)
        "tpu.region"() ({
          %run_scoped3A = tpu.sem_alloc : memref<!tpu.dma_semaphore, #tpu.memory_space<semaphore_mem>>
          %dma_start3A_83 = arith.constant 0 : i32
          %dma_start3A_84 = arith.constant 0 : i32
          %dma_start3A_85 = tpu.memref_slice %arg19[%dma_start3A_83, %dma_start3A_84] : memref<10240x128xf32, #tpu.memory_space<vmem_shared>> -> memref<10240x128xf32, #tpu.memory_space<vmem_shared>>
          tpu.enqueue_indirect_dma source(%arg10 : memref<128x128xf32, #tpu.memory_space<vmem>>) target(%dma_start3A_85 : memref<10240x128xf32, #tpu.memory_space<vmem_shared>>) offsets(%arg9 : memref<128xi32, #tpu.memory_space<vmem>>) semaphore(%run_scoped3A : memref<!tpu.dma_semaphore, #tpu.memory_space<semaphore_mem>>) {add = true}
          %dma_wait3A_86 = arith.constant 0 : i32
          %dma_wait3A_87 = arith.constant 0 : i32
          %dma_wait3A_88 = tpu.memref_slice %arg19[%dma_wait3A_86, %dma_wait3A_87] : memref<10240x128xf32, #tpu.memory_space<vmem_shared>> -> memref<10240x128xf32, #tpu.memory_space<vmem_shared>>
          tpu.wait_indirect_dma semaphore(%run_scoped3A : memref<!tpu.dma_semaphore, #tpu.memory_space<semaphore_mem>>) src(%arg10 : memref<128x128xf32, #tpu.memory_space<vmem>>) dst(%dma_wait3A_88 : memref<10240x128xf32, #tpu.memory_space<vmem_shared>>)
          tpu.yield
        }) : () -> ()
        %mul3A_70 = arith.constant 2 : i32
        %mul3A_71 = arith.muli %mul3A_70, %scan3A_56 : i32
        %add3A_72 = arith.constant 2 : i32
        %add3A_73 = arith.addi %mul3A_71, %add3A_72 : i32
        %mul3A_74 = arith.constant 128 : i32
        %mul3A_75 = arith.muli %add3A_73, %mul3A_74 : i32
        %add3A_76 = arith.addi %mul3A_11, %mul3A_75 : i32
        "tpu.region"() ({
          %run_scoped3A = tpu.sem_alloc : memref<!tpu.dma_semaphore, #tpu.memory_space<semaphore_mem>>
          %dma_start3A_83 = tpu.memref_slice %arg2[%add3A_76] : memref<320000xi32, #tpu.memory_space<hbm>> -> memref<128xi32, #tpu.memory_space<hbm>>
          %dma_start3A_84 = tpu.memref_slice %arg2[%add3A_76] : memref<320000xi32, #tpu.memory_space<hbm>> -> memref<128xi32, #tpu.memory_space<hbm>>
          tpu.enqueue_dma source(%dma_start3A_84 : memref<128xi32, #tpu.memory_space<hbm>>) target(%arg8 : memref<128xi32, #tpu.memory_space<vmem>>) target_semaphore(%run_scoped3A : memref<!tpu.dma_semaphore, #tpu.memory_space<semaphore_mem>>)
          %dma_wait3A_85 = tpu.memref_slice %arg2[%add3A_76] : memref<320000xi32, #tpu.memory_space<hbm>> -> memref<128xi32, #tpu.memory_space<hbm>>
          %dma_wait3A_86 = tpu.memref_slice %arg2[%add3A_76] : memref<320000xi32, #tpu.memory_space<hbm>> -> memref<128xi32, #tpu.memory_space<hbm>>
          tpu.wait_dma2 semaphore(%run_scoped3A : memref<!tpu.dma_semaphore, #tpu.memory_space<semaphore_mem>>) src(%dma_wait3A_86 : memref<128xi32, #tpu.memory_space<hbm>>) dst(%arg8 : memref<128xi32, #tpu.memory_space<vmem>>)
          tpu.yield
        }) : () -> ()
        "tpu.region"() ({
          %run_scoped3A = tpu.sem_alloc : memref<!tpu.dma_semaphore, #tpu.memory_space<semaphore_mem>>
          %dma_start3A_83 = tpu.memref_slice %arg3[%add3A_76] : memref<320000xi32, #tpu.memory_space<hbm>> -> memref<128xi32, #tpu.memory_space<hbm>>
          %dma_start3A_84 = tpu.memref_slice %arg3[%add3A_76] : memref<320000xi32, #tpu.memory_space<hbm>> -> memref<128xi32, #tpu.memory_space<hbm>>
          tpu.enqueue_dma source(%dma_start3A_84 : memref<128xi32, #tpu.memory_space<hbm>>) target(%arg9 : memref<128xi32, #tpu.memory_space<vmem>>) target_semaphore(%run_scoped3A : memref<!tpu.dma_semaphore, #tpu.memory_space<semaphore_mem>>)
          %dma_wait3A_85 = tpu.memref_slice %arg3[%add3A_76] : memref<320000xi32, #tpu.memory_space<hbm>> -> memref<128xi32, #tpu.memory_space<hbm>>
          %dma_wait3A_86 = tpu.memref_slice %arg3[%add3A_76] : memref<320000xi32, #tpu.memory_space<hbm>> -> memref<128xi32, #tpu.memory_space<hbm>>
          tpu.wait_dma2 semaphore(%run_scoped3A : memref<!tpu.dma_semaphore, #tpu.memory_space<semaphore_mem>>) src(%dma_wait3A_86 : memref<128xi32, #tpu.memory_space<hbm>>) dst(%arg9 : memref<128xi32, #tpu.memory_space<vmem>>)
          tpu.yield
        }) : () -> ()
        %dma_start3A_77 = arith.constant 0 : i32
        %dma_start3A_78 = arith.constant 0 : i32
        %dma_start3A_79 = tpu.memref_slice %arg5[%dma_start3A_77, %dma_start3A_78] : memref<10240x128xf32, #tpu.memory_space<hbm>> -> memref<10240x128xf32, #tpu.memory_space<hbm>>
        tpu.enqueue_indirect_dma source(%dma_start3A_79 : memref<10240x128xf32, #tpu.memory_space<hbm>>) target(%arg10 : memref<128x128xf32, #tpu.memory_space<vmem>>) offsets(%arg8 : memref<128xi32, #tpu.memory_space<vmem>>) semaphore(%arg17 : memref<!tpu.dma_semaphore, #tpu.memory_space<semaphore_mem>>)
        %dma_wait3A_80 = arith.constant 0 : i32
        %dma_wait3A_81 = arith.constant 0 : i32
        %dma_wait3A_82 = tpu.memref_slice %arg5[%dma_wait3A_80, %dma_wait3A_81] : memref<10240x128xf32, #tpu.memory_space<hbm>> -> memref<10240x128xf32, #tpu.memory_space<hbm>>
        tpu.wait_indirect_dma semaphore(%arg18 : memref<!tpu.dma_semaphore, #tpu.memory_space<semaphore_mem>>) src(%dma_wait3A_82 : memref<10240x128xf32, #tpu.memory_space<hbm>>) dst(%arg13 : memref<128x128xf32, #tpu.memory_space<vmem>>)
        "tpu.region"() ({
          %run_scoped3A = tpu.sem_alloc : memref<!tpu.dma_semaphore, #tpu.memory_space<semaphore_mem>>
          %dma_start3A_83 = arith.constant 0 : i32
          %dma_start3A_84 = arith.constant 0 : i32
          %dma_start3A_85 = tpu.memref_slice %arg19[%dma_start3A_83, %dma_start3A_84] : memref<10240x128xf32, #tpu.memory_space<vmem_shared>> -> memref<10240x128xf32, #tpu.memory_space<vmem_shared>>
          tpu.enqueue_indirect_dma source(%arg13 : memref<128x128xf32, #tpu.memory_space<vmem>>) target(%dma_start3A_85 : memref<10240x128xf32, #tpu.memory_space<vmem_shared>>) offsets(%arg12 : memref<128xi32, #tpu.memory_space<vmem>>) semaphore(%run_scoped3A : memref<!tpu.dma_semaphore, #tpu.memory_space<semaphore_mem>>) {add = true}
          %dma_wait3A_86 = arith.constant 0 : i32
          %dma_wait3A_87 = arith.constant 0 : i32
          %dma_wait3A_88 = tpu.memref_slice %arg19[%dma_wait3A_86, %dma_wait3A_87] : memref<10240x128xf32, #tpu.memory_space<vmem_shared>> -> memref<10240x128xf32, #tpu.memory_space<vmem_shared>>
          tpu.wait_indirect_dma semaphore(%run_scoped3A : memref<!tpu.dma_semaphore, #tpu.memory_space<semaphore_mem>>) src(%arg13 : memref<128x128xf32, #tpu.memory_space<vmem>>) dst(%dma_wait3A_88 : memref<10240x128xf32, #tpu.memory_space<vmem_shared>>)
          tpu.yield
        }) : () -> ()
      }
      %scan3A_38 = arith.constant 77 : i32
      %add3A = arith.constant 19840 : i32
      %add3A_39 = arith.addi %mul3A_11, %add3A : i32
      "tpu.region"() ({
        %run_scoped3A = tpu.sem_alloc : memref<!tpu.dma_semaphore, #tpu.memory_space<semaphore_mem>>
        %dma_start3A_56 = tpu.memref_slice %arg2[%add3A_39] : memref<320000xi32, #tpu.memory_space<hbm>> -> memref<128xi32, #tpu.memory_space<hbm>>
        %dma_start3A_57 = tpu.memref_slice %arg2[%add3A_39] : memref<320000xi32, #tpu.memory_space<hbm>> -> memref<128xi32, #tpu.memory_space<hbm>>
        tpu.enqueue_dma source(%dma_start3A_57 : memref<128xi32, #tpu.memory_space<hbm>>) target(%arg11 : memref<128xi32, #tpu.memory_space<vmem>>) target_semaphore(%run_scoped3A : memref<!tpu.dma_semaphore, #tpu.memory_space<semaphore_mem>>)
        %dma_wait3A_58 = tpu.memref_slice %arg2[%add3A_39] : memref<320000xi32, #tpu.memory_space<hbm>> -> memref<128xi32, #tpu.memory_space<hbm>>
        %dma_wait3A_59 = tpu.memref_slice %arg2[%add3A_39] : memref<320000xi32, #tpu.memory_space<hbm>> -> memref<128xi32, #tpu.memory_space<hbm>>
        tpu.wait_dma2 semaphore(%run_scoped3A : memref<!tpu.dma_semaphore, #tpu.memory_space<semaphore_mem>>) src(%dma_wait3A_59 : memref<128xi32, #tpu.memory_space<hbm>>) dst(%arg11 : memref<128xi32, #tpu.memory_space<vmem>>)
        tpu.yield
      }) : () -> ()
      "tpu.region"() ({
        %run_scoped3A = tpu.sem_alloc : memref<!tpu.dma_semaphore, #tpu.memory_space<semaphore_mem>>
        %dma_start3A_56 = tpu.memref_slice %arg3[%add3A_39] : memref<320000xi32, #tpu.memory_space<hbm>> -> memref<128xi32, #tpu.memory_space<hbm>>
        %dma_start3A_57 = tpu.memref_slice %arg3[%add3A_39] : memref<320000xi32, #tpu.memory_space<hbm>> -> memref<128xi32, #tpu.memory_space<hbm>>
        tpu.enqueue_dma source(%dma_start3A_57 : memref<128xi32, #tpu.memory_space<hbm>>) target(%arg12 : memref<128xi32, #tpu.memory_space<vmem>>) target_semaphore(%run_scoped3A : memref<!tpu.dma_semaphore, #tpu.memory_space<semaphore_mem>>)
        %dma_wait3A_58 = tpu.memref_slice %arg3[%add3A_39] : memref<320000xi32, #tpu.memory_space<hbm>> -> memref<128xi32, #tpu.memory_space<hbm>>
        %dma_wait3A_59 = tpu.memref_slice %arg3[%add3A_39] : memref<320000xi32, #tpu.memory_space<hbm>> -> memref<128xi32, #tpu.memory_space<hbm>>
        tpu.wait_dma2 semaphore(%run_scoped3A : memref<!tpu.dma_semaphore, #tpu.memory_space<semaphore_mem>>) src(%dma_wait3A_59 : memref<128xi32, #tpu.memory_space<hbm>>) dst(%arg12 : memref<128xi32, #tpu.memory_space<vmem>>)
        tpu.yield
      }) : () -> ()
      %dma_start3A_40 = arith.constant 0 : i32
      %dma_start3A_41 = arith.constant 0 : i32
      %dma_start3A_42 = tpu.memref_slice %arg5[%dma_start3A_40, %dma_start3A_41] : memref<10240x128xf32, #tpu.memory_space<hbm>> -> memref<10240x128xf32, #tpu.memory_space<hbm>>
      tpu.enqueue_indirect_dma source(%dma_start3A_42 : memref<10240x128xf32, #tpu.memory_space<hbm>>) target(%arg13 : memref<128x128xf32, #tpu.memory_space<vmem>>) offsets(%arg11 : memref<128xi32, #tpu.memory_space<vmem>>) semaphore(%arg18 : memref<!tpu.dma_semaphore, #tpu.memory_space<semaphore_mem>>)
      %dma_wait3A = arith.constant 0 : i32
      %dma_wait3A_43 = arith.constant 0 : i32
      %dma_wait3A_44 = tpu.memref_slice %arg5[%dma_wait3A, %dma_wait3A_43] : memref<10240x128xf32, #tpu.memory_space<hbm>> -> memref<10240x128xf32, #tpu.memory_space<hbm>>
      tpu.wait_indirect_dma semaphore(%arg17 : memref<!tpu.dma_semaphore, #tpu.memory_space<semaphore_mem>>) src(%dma_wait3A_44 : memref<10240x128xf32, #tpu.memory_space<hbm>>) dst(%arg10 : memref<128x128xf32, #tpu.memory_space<vmem>>)
      "tpu.region"() ({
        %run_scoped3A = tpu.sem_alloc : memref<!tpu.dma_semaphore, #tpu.memory_space<semaphore_mem>>
        %dma_start3A_56 = arith.constant 0 : i32
        %dma_start3A_57 = arith.constant 0 : i32
        %dma_start3A_58 = tpu.memref_slice %arg19[%dma_start3A_56, %dma_start3A_57] : memref<10240x128xf32, #tpu.memory_space<vmem_shared>> -> memref<10240x128xf32, #tpu.memory_space<vmem_shared>>
        tpu.enqueue_indirect_dma source(%arg10 : memref<128x128xf32, #tpu.memory_space<vmem>>) target(%dma_start3A_58 : memref<10240x128xf32, #tpu.memory_space<vmem_shared>>) offsets(%arg9 : memref<128xi32, #tpu.memory_space<vmem>>) semaphore(%run_scoped3A : memref<!tpu.dma_semaphore, #tpu.memory_space<semaphore_mem>>) {add = true}
        %dma_wait3A_59 = arith.constant 0 : i32
        %dma_wait3A_60 = arith.constant 0 : i32
        %dma_wait3A_61 = tpu.memref_slice %arg19[%dma_wait3A_59, %dma_wait3A_60] : memref<10240x128xf32, #tpu.memory_space<vmem_shared>> -> memref<10240x128xf32, #tpu.memory_space<vmem_shared>>
        tpu.wait_indirect_dma semaphore(%run_scoped3A : memref<!tpu.dma_semaphore, #tpu.memory_space<semaphore_mem>>) src(%arg10 : memref<128x128xf32, #tpu.memory_space<vmem>>) dst(%dma_wait3A_61 : memref<10240x128xf32, #tpu.memory_space<vmem_shared>>)
        tpu.yield
      }) : () -> ()
      %dma_wait3A_45 = arith.constant 0 : i32
      %dma_wait3A_46 = arith.constant 0 : i32
      %dma_wait3A_47 = tpu.memref_slice %arg5[%dma_wait3A_45, %dma_wait3A_46] : memref<10240x128xf32, #tpu.memory_space<hbm>> -> memref<10240x128xf32, #tpu.memory_space<hbm>>
      tpu.wait_indirect_dma semaphore(%arg18 : memref<!tpu.dma_semaphore, #tpu.memory_space<semaphore_mem>>) src(%dma_wait3A_47 : memref<10240x128xf32, #tpu.memory_space<hbm>>) dst(%arg13 : memref<128x128xf32, #tpu.memory_space<vmem>>)
      "tpu.region"() ({
        %run_scoped3A = tpu.sem_alloc : memref<!tpu.dma_semaphore, #tpu.memory_space<semaphore_mem>>
        %dma_start3A_56 = arith.constant 0 : i32
        %dma_start3A_57 = arith.constant 0 : i32
        %dma_start3A_58 = tpu.memref_slice %arg19[%dma_start3A_56, %dma_start3A_57] : memref<10240x128xf32, #tpu.memory_space<vmem_shared>> -> memref<10240x128xf32, #tpu.memory_space<vmem_shared>>
        tpu.enqueue_indirect_dma source(%arg13 : memref<128x128xf32, #tpu.memory_space<vmem>>) target(%dma_start3A_58 : memref<10240x128xf32, #tpu.memory_space<vmem_shared>>) offsets(%arg12 : memref<128xi32, #tpu.memory_space<vmem>>) semaphore(%run_scoped3A : memref<!tpu.dma_semaphore, #tpu.memory_space<semaphore_mem>>) {add = true}
        %dma_wait3A_59 = arith.constant 0 : i32
        %dma_wait3A_60 = arith.constant 0 : i32
        %dma_wait3A_61 = tpu.memref_slice %arg19[%dma_wait3A_59, %dma_wait3A_60] : memref<10240x128xf32, #tpu.memory_space<vmem_shared>> -> memref<10240x128xf32, #tpu.memory_space<vmem_shared>>
        tpu.wait_indirect_dma semaphore(%run_scoped3A : memref<!tpu.dma_semaphore, #tpu.memory_space<semaphore_mem>>) src(%arg13 : memref<128x128xf32, #tpu.memory_space<vmem>>) dst(%dma_wait3A_61 : memref<10240x128xf32, #tpu.memory_space<vmem_shared>>)
        tpu.yield
      }) : () -> ()
      %add3A_48 = arith.constant 19968 : i32
      %add3A_49 = arith.addi %mul3A_11, %add3A_48 : i32
      "tpu.region"() ({
        %run_scoped3A = tpu.sem_alloc : memref<!tpu.dma_semaphore, #tpu.memory_space<semaphore_mem>>
        %dma_start3A_56 = tpu.memref_slice %arg2[%add3A_49] : memref<320000xi32, #tpu.memory_space<hbm>> -> memref<32xi32, #tpu.memory_space<hbm>>
        %dma_start3A_57 = tpu.memref_slice %arg2[%add3A_49] : memref<320000xi32, #tpu.memory_space<hbm>> -> memref<32xi32, #tpu.memory_space<hbm>>
        tpu.enqueue_dma source(%dma_start3A_57 : memref<32xi32, #tpu.memory_space<hbm>>) target(%arg14 : memref<32xi32, #tpu.memory_space<vmem>>) target_semaphore(%run_scoped3A : memref<!tpu.dma_semaphore, #tpu.memory_space<semaphore_mem>>)
        %dma_wait3A_58 = tpu.memref_slice %arg2[%add3A_49] : memref<320000xi32, #tpu.memory_space<hbm>> -> memref<32xi32, #tpu.memory_space<hbm>>
        %dma_wait3A_59 = tpu.memref_slice %arg2[%add3A_49] : memref<320000xi32, #tpu.memory_space<hbm>> -> memref<32xi32, #tpu.memory_space<hbm>>
        tpu.wait_dma2 semaphore(%run_scoped3A : memref<!tpu.dma_semaphore, #tpu.memory_space<semaphore_mem>>) src(%dma_wait3A_59 : memref<32xi32, #tpu.memory_space<hbm>>) dst(%arg14 : memref<32xi32, #tpu.memory_space<vmem>>)
        tpu.yield
      }) : () -> ()
      "tpu.region"() ({
        %run_scoped3A = tpu.sem_alloc : memref<!tpu.dma_semaphore, #tpu.memory_space<semaphore_mem>>
        %dma_start3A_56 = tpu.memref_slice %arg3[%add3A_49] : memref<320000xi32, #tpu.memory_space<hbm>> -> memref<32xi32, #tpu.memory_space<hbm>>
        %dma_start3A_57 = tpu.memref_slice %arg3[%add3A_49] : memref<320000xi32, #tpu.memory_space<hbm>> -> memref<32xi32, #tpu.memory_space<hbm>>
        tpu.enqueue_dma source(%dma_start3A_57 : memref<32xi32, #tpu.memory_space<hbm>>) target(%arg15 : memref<32xi32, #tpu.memory_space<vmem>>) target_semaphore(%run_scoped3A : memref<!tpu.dma_semaphore, #tpu.memory_space<semaphore_mem>>)
        %dma_wait3A_58 = tpu.memref_slice %arg3[%add3A_49] : memref<320000xi32, #tpu.memory_space<hbm>> -> memref<32xi32, #tpu.memory_space<hbm>>
        %dma_wait3A_59 = tpu.memref_slice %arg3[%add3A_49] : memref<320000xi32, #tpu.memory_space<hbm>> -> memref<32xi32, #tpu.memory_space<hbm>>
        tpu.wait_dma2 semaphore(%run_scoped3A : memref<!tpu.dma_semaphore, #tpu.memory_space<semaphore_mem>>) src(%dma_wait3A_59 : memref<32xi32, #tpu.memory_space<hbm>>) dst(%arg15 : memref<32xi32, #tpu.memory_space<vmem>>)
        tpu.yield
      }) : () -> ()
      %dma_start3A_50 = arith.constant 0 : i32
      %dma_start3A_51 = arith.constant 0 : i32
      %dma_start3A_52 = tpu.memref_slice %arg5[%dma_start3A_50, %dma_start3A_51] : memref<10240x128xf32, #tpu.memory_space<hbm>> -> memref<10240x128xf32, #tpu.memory_space<hbm>>
      tpu.enqueue_indirect_dma source(%dma_start3A_52 : memref<10240x128xf32, #tpu.memory_space<hbm>>) target(%arg16 : memref<32x128xf32, #tpu.memory_space<vmem>>) offsets(%arg14 : memref<32xi32, #tpu.memory_space<vmem>>) semaphore(%arg17 : memref<!tpu.dma_semaphore, #tpu.memory_space<semaphore_mem>>)
      %dma_wait3A_53 = arith.constant 0 : i32
      %dma_wait3A_54 = arith.constant 0 : i32
      %dma_wait3A_55 = tpu.memref_slice %arg5[%dma_wait3A_53, %dma_wait3A_54] : memref<10240x128xf32, #tpu.memory_space<hbm>> -> memref<10240x128xf32, #tpu.memory_space<hbm>>
      tpu.wait_indirect_dma semaphore(%arg17 : memref<!tpu.dma_semaphore, #tpu.memory_space<semaphore_mem>>) src(%dma_wait3A_55 : memref<10240x128xf32, #tpu.memory_space<hbm>>) dst(%arg16 : memref<32x128xf32, #tpu.memory_space<vmem>>)
      "tpu.region"() ({
        %run_scoped3A = tpu.sem_alloc : memref<!tpu.dma_semaphore, #tpu.memory_space<semaphore_mem>>
        %dma_start3A_56 = arith.constant 0 : i32
        %dma_start3A_57 = arith.constant 0 : i32
        %dma_start3A_58 = tpu.memref_slice %arg19[%dma_start3A_56, %dma_start3A_57] : memref<10240x128xf32, #tpu.memory_space<vmem_shared>> -> memref<10240x128xf32, #tpu.memory_space<vmem_shared>>
        tpu.enqueue_indirect_dma source(%arg16 : memref<32x128xf32, #tpu.memory_space<vmem>>) target(%dma_start3A_58 : memref<10240x128xf32, #tpu.memory_space<vmem_shared>>) offsets(%arg15 : memref<32xi32, #tpu.memory_space<vmem>>) semaphore(%run_scoped3A : memref<!tpu.dma_semaphore, #tpu.memory_space<semaphore_mem>>) {add = true}
        %dma_wait3A_59 = arith.constant 0 : i32
        %dma_wait3A_60 = arith.constant 0 : i32
        %dma_wait3A_61 = tpu.memref_slice %arg19[%dma_wait3A_59, %dma_wait3A_60] : memref<10240x128xf32, #tpu.memory_space<vmem_shared>> -> memref<10240x128xf32, #tpu.memory_space<vmem_shared>>
        tpu.wait_indirect_dma semaphore(%run_scoped3A : memref<!tpu.dma_semaphore, #tpu.memory_space<semaphore_mem>>) src(%arg16 : memref<32x128xf32, #tpu.memory_space<vmem>>) dst(%dma_wait3A_61 : memref<10240x128xf32, #tpu.memory_space<vmem_shared>>)
        tpu.yield
      }) : () -> ()
    } else {
    }
    %barrier3A_19 = arith.constant 0 : index
    tpu.barrier barrier_id(%barrier3A_19)
    %mul3A_20 = arith.constant 640 : i32
    %mul3A_21 = arith.muli %arg1, %mul3A_20 : i32
    %eq3A_22 = arith.constant 0 : i32
    %eq3A_23 = arith.cmpi eq, %arg0, %eq3A_22 : i32
    %convert_element_type3A_24 = arith.extui %eq3A_23 : i1 to i32
    %cond3A_25 = arith.constant 0 : i32
    %cond3A_26 = arith.cmpi ne, %convert_element_type3A_24, %cond3A_25 : i32
    scf.if %cond3A_26 {
      "tpu.region"() ({
        %run_scoped3A = tpu.sem_alloc : memref<!tpu.dma_semaphore, #tpu.memory_space<semaphore_mem>>
        %dma_start3A = arith.constant 0 : i32
        %dma_start3A_32 = tpu.memref_slice %arg6[%mul3A_21, %dma_start3A] : memref<10240x128xf32, #tpu.memory_space<hbm>> -> memref<640x128xf32, #tpu.memory_space<hbm>>
        %dma_start3A_33 = arith.constant 0 : i32
        %dma_start3A_34 = tpu.memref_slice %arg19[%mul3A_21, %dma_start3A_33] : memref<10240x128xf32, #tpu.memory_space<vmem_shared>> -> memref<640x128xf32, #tpu.memory_space<vmem_shared>>
        tpu.enqueue_dma source(%dma_start3A_34 : memref<640x128xf32, #tpu.memory_space<vmem_shared>>) target(%dma_start3A_32 : memref<640x128xf32, #tpu.memory_space<hbm>>) target_semaphore(%run_scoped3A : memref<!tpu.dma_semaphore, #tpu.memory_space<semaphore_mem>>)
        %dma_wait3A = arith.constant 0 : i32
        %dma_wait3A_35 = tpu.memref_slice %arg6[%mul3A_21, %dma_wait3A] : memref<10240x128xf32, #tpu.memory_space<hbm>> -> memref<640x128xf32, #tpu.memory_space<hbm>>
        %dma_wait3A_36 = arith.constant 0 : i32
        %dma_wait3A_37 = tpu.memref_slice %arg19[%mul3A_21, %dma_wait3A_36] : memref<10240x128xf32, #tpu.memory_space<vmem_shared>> -> memref<640x128xf32, #tpu.memory_space<vmem_shared>>
        tpu.wait_dma2 semaphore(%run_scoped3A : memref<!tpu.dma_semaphore, #tpu.memory_space<semaphore_mem>>) src(%dma_wait3A_37 : memref<640x128xf32, #tpu.memory_space<vmem_shared>>) dst(%dma_wait3A_35 : memref<640x128xf32, #tpu.memory_space<hbm>>)
        tpu.yield
      }) : () -> ()
    } else {
    }
    %eq3A_27 = arith.constant 1 : i32
    %eq3A_28 = arith.cmpi eq, %arg0, %eq3A_27 : i32
    %convert_element_type3A_29 = arith.extui %eq3A_28 : i1 to i32
    %cond3A_30 = arith.constant 0 : i32
    %cond3A_31 = arith.cmpi ne, %convert_element_type3A_29, %cond3A_30 : i32
    scf.if %cond3A_31 {
      "tpu.region"() ({
        %run_scoped3A = tpu.sem_alloc : memref<!tpu.dma_semaphore, #tpu.memory_space<semaphore_mem>>
        %dma_start3A = arith.constant 0 : i32
        %dma_start3A_32 = tpu.memref_slice %arg7[%mul3A_21, %dma_start3A] : memref<10240x128xf32, #tpu.memory_space<hbm>> -> memref<640x128xf32, #tpu.memory_space<hbm>>
        %dma_start3A_33 = arith.constant 0 : i32
        %dma_start3A_34 = tpu.memref_slice %arg19[%mul3A_21, %dma_start3A_33] : memref<10240x128xf32, #tpu.memory_space<vmem_shared>> -> memref<640x128xf32, #tpu.memory_space<vmem_shared>>
        tpu.enqueue_dma source(%dma_start3A_34 : memref<640x128xf32, #tpu.memory_space<vmem_shared>>) target(%dma_start3A_32 : memref<640x128xf32, #tpu.memory_space<hbm>>) target_semaphore(%run_scoped3A : memref<!tpu.dma_semaphore, #tpu.memory_space<semaphore_mem>>)
        %dma_wait3A = arith.constant 0 : i32
        %dma_wait3A_35 = tpu.memref_slice %arg7[%mul3A_21, %dma_wait3A] : memref<10240x128xf32, #tpu.memory_space<hbm>> -> memref<640x128xf32, #tpu.memory_space<hbm>>
        %dma_wait3A_36 = arith.constant 0 : i32
        %dma_wait3A_37 = tpu.memref_slice %arg19[%mul3A_21, %dma_wait3A_36] : memref<10240x128xf32, #tpu.memory_space<vmem_shared>> -> memref<640x128xf32, #tpu.memory_space<vmem_shared>>
        tpu.wait_dma2 semaphore(%run_scoped3A : memref<!tpu.dma_semaphore, #tpu.memory_space<semaphore_mem>>) src(%dma_wait3A_37 : memref<640x128xf32, #tpu.memory_space<vmem_shared>>) dst(%dma_wait3A_35 : memref<640x128xf32, #tpu.memory_space<hbm>>)
        tpu.yield
      }) : () -> ()
    } else {
    }
    return
  }
}

#map = affine_map<(d0, d1) -> (0)>
#map1 = affine_map<(d0, d1) -> (0, 0, 0)>
module attributes {stable_mosaic.version = 14 : i64} {
  func.func @_deg_kernel(%arg0: i32, %arg1: i32, %arg2: memref<320000xi32, #tpu.memory_space<hbm>>, %arg3: memref<2x10240x128xf32, #tpu.memory_space<hbm>>, %arg4: memref<128xi32, #tpu.memory_space<vmem>>, %arg5: memref<16xi32, #tpu.memory_space<vmem>>, %arg6: memref<128x128xf32, #tpu.memory_space<vmem>>, %arg7: memref<128x128xf32, #tpu.memory_space<vmem>>, %arg8: memref<10240x128xf32, #tpu.memory_space<vmem_shared>>) attributes {dimension_semantics = [#tpu.dimension_semantics<core_parallel>, #tpu.dimension_semantics<subcore_parallel>], iteration_bounds = array<i64: 2, 16>, scalar_prefetch = 0 : i64, scratch_operands = 5 : i64, tpu.core_type = #tpu.core_type<sc_vector_subcore>, window_params = [{transform_indices = #map}, {transform_indices = #map1}]} {
    %mul3A = arith.constant 16 : i32
    %mul3A_0 = arith.muli %arg0, %mul3A : i32
    %add3A = arith.addi %mul3A_0, %arg1 : i32
    %scan3A = arith.constant 0 : i32
    %scan3A_1 = arith.constant 128 : i32
    %scan3A_2 = arith.addi %scan3A, %scan3A_1 : i32
    %scan3A_3 = arith.constant 1 : i32
    scf.for %scan3A_31 = %scan3A to %scan3A_2 step %scan3A_3  : i32 {
      %scan3A_32 = arith.constant 0 : i32
      %scan3A_33 = arith.constant 8 : i32
      %scan3A_34 = arith.addi %scan3A_32, %scan3A_33 : i32
      %scan3A_35 = arith.constant 1 : i32
      scf.for %scan3A_37 = %scan3A_32 to %scan3A_34 step %scan3A_35  : i32 {
        %broadcast_in_dim3A = arith.constant 1.000000e+00 : f32
        %broadcast_in_dim3A_38 = vector.broadcast %broadcast_in_dim3A : f32 to vector<16xf32>
        %mul3A_39 = arith.constant 16 : i32
        %mul3A_40 = arith.muli %scan3A_37, %mul3A_39 : i32
        %swap3A = arith.index_cast %scan3A_31 : i32 to index
        %swap3A_41 = arith.index_cast %mul3A_40 : i32 to index
        %swap3A_42 = tpu.vector_load %arg6[%swap3A, %swap3A_41] {strides = array<i32>} : memref<128x128xf32, #tpu.memory_space<vmem>>, vector<1x16xf32>,
        %swap3A_43 = vector.shape_cast %swap3A_42 : vector<1x16xf32> to vector<16xf32>
        %swap3A_44 = vector.shape_cast %broadcast_in_dim3A_38 : vector<16xf32> to vector<1x16xf32>
        tpu.vector_store %arg6[%swap3A, %swap3A_41], %swap3A_44 {strides = array<i32>} : memref<128x128xf32, #tpu.memory_space<vmem>>, vector<1x16xf32>,
        %broadcast_in_dim3A_45 = arith.constant 0.000000e+00 : f32
        %broadcast_in_dim3A_46 = vector.broadcast %broadcast_in_dim3A_45 : f32 to vector<16xf32>
        %mul3A_47 = arith.constant 16 : i32
        %mul3A_48 = arith.muli %scan3A_37, %mul3A_47 : i32
        %swap3A_49 = arith.index_cast %scan3A_31 : i32 to index
        %swap3A_50 = arith.index_cast %mul3A_48 : i32 to index
        %swap3A_51 = tpu.vector_load %arg7[%swap3A_49, %swap3A_50] {strides = array<i32>} : memref<128x128xf32, #tpu.memory_space<vmem>>, vector<1x16xf32>,
        %swap3A_52 = vector.shape_cast %swap3A_51 : vector<1x16xf32> to vector<16xf32>
        %swap3A_53 = vector.shape_cast %broadcast_in_dim3A_46 : vector<16xf32> to vector<1x16xf32>
        tpu.vector_store %arg7[%swap3A_49, %swap3A_50], %swap3A_53 {strides = array<i32>} : memref<128x128xf32, #tpu.memory_space<vmem>>, vector<1x16xf32>,
      }
      %scan3A_36 = arith.constant 8 : i32
    }
    %scan3A_4 = arith.constant 128 : i32
    %mul3A_5 = arith.constant 640 : i32
    %mul3A_6 = arith.muli %arg1, %mul3A_5 : i32
    %scan3A_7 = arith.constant 0 : i32
    %scan3A_8 = arith.constant 5 : i32
    %scan3A_9 = arith.addi %scan3A_7, %scan3A_8 : i32
    %scan3A_10 = arith.constant 1 : i32
    scf.for %scan3A_31 = %scan3A_7 to %scan3A_9 step %scan3A_10  : i32 {
      %mul3A_32 = arith.constant 128 : i32
      %mul3A_33 = arith.muli %scan3A_31, %mul3A_32 : i32
      %add3A_34 = arith.addi %mul3A_6, %mul3A_33 : i32
      "tpu.region"() ({
        %run_scoped3A = tpu.sem_alloc : memref<!tpu.dma_semaphore, #tpu.memory_space<semaphore_mem>>
        %dma_start3A = arith.constant 0 : i32
        %dma_start3A_35 = tpu.memref_slice %arg8[%add3A_34, %dma_start3A] : memref<10240x128xf32, #tpu.memory_space<vmem_shared>> -> memref<128x128xf32, #tpu.memory_space<vmem_shared>>
        %dma_start3A_36 = arith.constant 0 : i32
        %dma_start3A_37 = tpu.memref_slice %arg8[%add3A_34, %dma_start3A_36] : memref<10240x128xf32, #tpu.memory_space<vmem_shared>> -> memref<128x128xf32, #tpu.memory_space<vmem_shared>>
        tpu.enqueue_dma source(%arg7 : memref<128x128xf32, #tpu.memory_space<vmem>>) target(%dma_start3A_37 : memref<128x128xf32, #tpu.memory_space<vmem_shared>>) target_semaphore(%run_scoped3A : memref<!tpu.dma_semaphore, #tpu.memory_space<semaphore_mem>>)
        %dma_wait3A = arith.constant 0 : i32
        %dma_wait3A_38 = tpu.memref_slice %arg8[%add3A_34, %dma_wait3A] : memref<10240x128xf32, #tpu.memory_space<vmem_shared>> -> memref<128x128xf32, #tpu.memory_space<vmem_shared>>
        %dma_wait3A_39 = arith.constant 0 : i32
        %dma_wait3A_40 = tpu.memref_slice %arg8[%add3A_34, %dma_wait3A_39] : memref<10240x128xf32, #tpu.memory_space<vmem_shared>> -> memref<128x128xf32, #tpu.memory_space<vmem_shared>>
        tpu.wait_dma2 semaphore(%run_scoped3A : memref<!tpu.dma_semaphore, #tpu.memory_space<semaphore_mem>>) src(%arg7 : memref<128x128xf32, #tpu.memory_space<vmem>>) dst(%dma_wait3A_40 : memref<128x128xf32, #tpu.memory_space<vmem_shared>>)
        tpu.yield
      }) : () -> ()
    }
    %scan3A_11 = arith.constant 5 : i32
    %barrier3A = arith.constant 0 : index
    tpu.barrier barrier_id(%barrier3A)
    %mul3A_12 = arith.constant 10000 : i32
    %mul3A_13 = arith.muli %add3A, %mul3A_12 : i32
    %scan3A_14 = arith.constant 0 : i32
    %scan3A_15 = arith.constant 78 : i32
    %scan3A_16 = arith.addi %scan3A_14, %scan3A_15 : i32
    %scan3A_17 = arith.constant 1 : i32
    scf.for %scan3A_31 = %scan3A_14 to %scan3A_16 step %scan3A_17  : i32 {
      %mul3A_32 = arith.constant 128 : i32
      %mul3A_33 = arith.muli %scan3A_31, %mul3A_32 : i32
      %add3A_34 = arith.addi %mul3A_13, %mul3A_33 : i32
      "tpu.region"() ({
        %run_scoped3A = tpu.sem_alloc : memref<!tpu.dma_semaphore, #tpu.memory_space<semaphore_mem>>
        %dma_start3A = tpu.memref_slice %arg2[%add3A_34] : memref<320000xi32, #tpu.memory_space<hbm>> -> memref<128xi32, #tpu.memory_space<hbm>>
        %dma_start3A_35 = tpu.memref_slice %arg2[%add3A_34] : memref<320000xi32, #tpu.memory_space<hbm>> -> memref<128xi32, #tpu.memory_space<hbm>>
        tpu.enqueue_dma source(%dma_start3A_35 : memref<128xi32, #tpu.memory_space<hbm>>) target(%arg4 : memref<128xi32, #tpu.memory_space<vmem>>) target_semaphore(%run_scoped3A : memref<!tpu.dma_semaphore, #tpu.memory_space<semaphore_mem>>)
        %dma_wait3A = tpu.memref_slice %arg2[%add3A_34] : memref<320000xi32, #tpu.memory_space<hbm>> -> memref<128xi32, #tpu.memory_space<hbm>>
        %dma_wait3A_36 = tpu.memref_slice %arg2[%add3A_34] : memref<320000xi32, #tpu.memory_space<hbm>> -> memref<128xi32, #tpu.memory_space<hbm>>
        tpu.wait_dma2 semaphore(%run_scoped3A : memref<!tpu.dma_semaphore, #tpu.memory_space<semaphore_mem>>) src(%dma_wait3A_36 : memref<128xi32, #tpu.memory_space<hbm>>) dst(%arg4 : memref<128xi32, #tpu.memory_space<vmem>>)
        tpu.yield
      }) : () -> ()
      "tpu.region"() ({
        %run_scoped3A = tpu.sem_alloc : memref<!tpu.dma_semaphore, #tpu.memory_space<semaphore_mem>>
        %dma_start3A = arith.constant 0 : i32
        %dma_start3A_35 = arith.constant 0 : i32
        %dma_start3A_36 = tpu.memref_slice %arg8[%dma_start3A, %dma_start3A_35] : memref<10240x128xf32, #tpu.memory_space<vmem_shared>> -> memref<10240x128xf32, #tpu.memory_space<vmem_shared>>
        tpu.enqueue_indirect_dma source(%arg6 : memref<128x128xf32, #tpu.memory_space<vmem>>) target(%dma_start3A_36 : memref<10240x128xf32, #tpu.memory_space<vmem_shared>>) offsets(%arg4 : memref<128xi32, #tpu.memory_space<vmem>>) semaphore(%run_scoped3A : memref<!tpu.dma_semaphore, #tpu.memory_space<semaphore_mem>>) {add = true}
        %dma_wait3A = arith.constant 0 : i32
        %dma_wait3A_37 = arith.constant 0 : i32
        %dma_wait3A_38 = tpu.memref_slice %arg8[%dma_wait3A, %dma_wait3A_37] : memref<10240x128xf32, #tpu.memory_space<vmem_shared>> -> memref<10240x128xf32, #tpu.memory_space<vmem_shared>>
        tpu.wait_indirect_dma semaphore(%run_scoped3A : memref<!tpu.dma_semaphore, #tpu.memory_space<semaphore_mem>>) src(%arg6 : memref<128x128xf32, #tpu.memory_space<vmem>>) dst(%dma_wait3A_38 : memref<10240x128xf32, #tpu.memory_space<vmem_shared>>)
        tpu.yield
      }) : () -> ()
    }
    %scan3A_18 = arith.constant 78 : i32
    %add3A_19 = arith.constant 9984 : i32
    %add3A_20 = arith.addi %mul3A_13, %add3A_19 : i32
    "tpu.region"() ({
      %run_scoped3A = tpu.sem_alloc : memref<!tpu.dma_semaphore, #tpu.memory_space<semaphore_mem>>
      %dma_start3A = tpu.memref_slice %arg2[%add3A_20] : memref<320000xi32, #tpu.memory_space<hbm>> -> memref<16xi32, #tpu.memory_space<hbm>>
      %dma_start3A_31 = tpu.memref_slice %arg2[%add3A_20] : memref<320000xi32, #tpu.memory_space<hbm>> -> memref<16xi32, #tpu.memory_space<hbm>>
      tpu.enqueue_dma source(%dma_start3A_31 : memref<16xi32, #tpu.memory_space<hbm>>) target(%arg5 : memref<16xi32, #tpu.memory_space<vmem>>) target_semaphore(%run_scoped3A : memref<!tpu.dma_semaphore, #tpu.memory_space<semaphore_mem>>)
      %dma_wait3A = tpu.memref_slice %arg2[%add3A_20] : memref<320000xi32, #tpu.memory_space<hbm>> -> memref<16xi32, #tpu.memory_space<hbm>>
      %dma_wait3A_32 = tpu.memref_slice %arg2[%add3A_20] : memref<320000xi32, #tpu.memory_space<hbm>> -> memref<16xi32, #tpu.memory_space<hbm>>
      tpu.wait_dma2 semaphore(%run_scoped3A : memref<!tpu.dma_semaphore, #tpu.memory_space<semaphore_mem>>) src(%dma_wait3A_32 : memref<16xi32, #tpu.memory_space<hbm>>) dst(%arg5 : memref<16xi32, #tpu.memory_space<vmem>>)
      tpu.yield
    }) : () -> ()
    "tpu.region"() ({
      %run_scoped3A = tpu.sem_alloc : memref<!tpu.dma_semaphore, #tpu.memory_space<semaphore_mem>>
      %dma_start3A = arith.constant 0 : i32
      %dma_start3A_31 = arith.constant 0 : i32
      %dma_start3A_32 = tpu.memref_slice %arg6[%dma_start3A, %dma_start3A_31] : memref<128x128xf32, #tpu.memory_space<vmem>> -> memref<16x128xf32, #tpu.memory_space<vmem>>
      %dma_start3A_33 = arith.constant 0 : i32
      %dma_start3A_34 = arith.constant 0 : i32
      %dma_start3A_35 = tpu.memref_slice %arg8[%dma_start3A_33, %dma_start3A_34] : memref<10240x128xf32, #tpu.memory_space<vmem_shared>> -> memref<10240x128xf32, #tpu.memory_space<vmem_shared>>
      tpu.enqueue_indirect_dma source(%dma_start3A_32 : memref<16x128xf32, #tpu.memory_space<vmem>>) target(%dma_start3A_35 : memref<10240x128xf32, #tpu.memory_space<vmem_shared>>) offsets(%arg5 : memref<16xi32, #tpu.memory_space<vmem>>) semaphore(%run_scoped3A : memref<!tpu.dma_semaphore, #tpu.memory_space<semaphore_mem>>) {add = true}
      %dma_wait3A = arith.constant 0 : i32
      %dma_wait3A_36 = arith.constant 0 : i32
      %dma_wait3A_37 = tpu.memref_slice %arg6[%dma_wait3A, %dma_wait3A_36] : memref<128x128xf32, #tpu.memory_space<vmem>> -> memref<16x128xf32, #tpu.memory_space<vmem>>
      %dma_wait3A_38 = arith.constant 0 : i32
      %dma_wait3A_39 = arith.constant 0 : i32
      %dma_wait3A_40 = tpu.memref_slice %arg8[%dma_wait3A_38, %dma_wait3A_39] : memref<10240x128xf32, #tpu.memory_space<vmem_shared>> -> memref<10240x128xf32, #tpu.memory_space<vmem_shared>>
      tpu.wait_indirect_dma semaphore(%run_scoped3A : memref<!tpu.dma_semaphore, #tpu.memory_space<semaphore_mem>>) src(%dma_wait3A_37 : memref<16x128xf32, #tpu.memory_space<vmem>>) dst(%dma_wait3A_40 : memref<10240x128xf32, #tpu.memory_space<vmem_shared>>)
      tpu.yield
    }) : () -> ()
    %barrier3A_21 = arith.constant 0 : index
    tpu.barrier barrier_id(%barrier3A_21)
    %mul3A_22 = arith.constant 640 : i32
    %mul3A_23 = arith.muli %arg1, %mul3A_22 : i32
    %eq3A = arith.constant 0 : i32
    %eq3A_24 = arith.cmpi eq, %arg0, %eq3A : i32
    %convert_element_type3A = arith.extui %eq3A_24 : i1 to i32
    %cond3A = arith.constant 0 : i32
    %cond3A_25 = arith.cmpi ne, %convert_element_type3A, %cond3A : i32
    scf.if %cond3A_25 {
      %run_scoped3A = arith.constant 0 : i32
      "tpu.region"() ({
        %run_scoped3A_31 = tpu.sem_alloc : memref<!tpu.dma_semaphore, #tpu.memory_space<semaphore_mem>>
        %dma_start3A = arith.constant 0 : i32
        %dma_start3A_32 = tpu.memref_slice %arg3[%run_scoped3A, %mul3A_23, %dma_start3A] : memref<2x10240x128xf32, #tpu.memory_space<hbm>> -> memref<1x640x128xf32, #tpu.memory_space<hbm>>
        %dma_start3A_33 = tpu.memref_squeeze %dma_start3A_32 : memref<1x640x128xf32, #tpu.memory_space<hbm>> -> memref<640x128xf32, #tpu.memory_space<hbm>>
        %dma_start3A_34 = arith.constant 0 : i32
        %dma_start3A_35 = tpu.memref_slice %arg8[%mul3A_23, %dma_start3A_34] : memref<10240x128xf32, #tpu.memory_space<vmem_shared>> -> memref<640x128xf32, #tpu.memory_space<vmem_shared>>
        tpu.enqueue_dma source(%dma_start3A_35 : memref<640x128xf32, #tpu.memory_space<vmem_shared>>) target(%dma_start3A_33 : memref<640x128xf32, #tpu.memory_space<hbm>>) target_semaphore(%run_scoped3A_31 : memref<!tpu.dma_semaphore, #tpu.memory_space<semaphore_mem>>)
        %dma_wait3A = arith.constant 0 : i32
        %dma_wait3A_36 = tpu.memref_slice %arg3[%run_scoped3A, %mul3A_23, %dma_wait3A] : memref<2x10240x128xf32, #tpu.memory_space<hbm>> -> memref<1x640x128xf32, #tpu.memory_space<hbm>>
        %dma_wait3A_37 = tpu.memref_squeeze %dma_wait3A_36 : memref<1x640x128xf32, #tpu.memory_space<hbm>> -> memref<640x128xf32, #tpu.memory_space<hbm>>
        %dma_wait3A_38 = arith.constant 0 : i32
        %dma_wait3A_39 = tpu.memref_slice %arg8[%mul3A_23, %dma_wait3A_38] : memref<10240x128xf32, #tpu.memory_space<vmem_shared>> -> memref<640x128xf32, #tpu.memory_space<vmem_shared>>
        tpu.wait_dma2 semaphore(%run_scoped3A_31 : memref<!tpu.dma_semaphore, #tpu.memory_space<semaphore_mem>>) src(%dma_wait3A_39 : memref<640x128xf32, #tpu.memory_space<vmem_shared>>) dst(%dma_wait3A_37 : memref<640x128xf32, #tpu.memory_space<hbm>>)
        tpu.yield
      }) : () -> ()
    } else {
    }
    %eq3A_26 = arith.constant 1 : i32
    %eq3A_27 = arith.cmpi eq, %arg0, %eq3A_26 : i32
    %convert_element_type3A_28 = arith.extui %eq3A_27 : i1 to i32
    %cond3A_29 = arith.constant 0 : i32
    %cond3A_30 = arith.cmpi ne, %convert_element_type3A_28, %cond3A_29 : i32
    scf.if %cond3A_30 {
      %run_scoped3A = arith.constant 1 : i32
      "tpu.region"() ({
        %run_scoped3A_31 = tpu.sem_alloc : memref<!tpu.dma_semaphore, #tpu.memory_space<semaphore_mem>>
        %dma_start3A = arith.constant 0 : i32
        %dma_start3A_32 = tpu.memref_slice %arg3[%run_scoped3A, %mul3A_23, %dma_start3A] : memref<2x10240x128xf32, #tpu.memory_space<hbm>> -> memref<1x640x128xf32, #tpu.memory_space<hbm>>
        %dma_start3A_33 = tpu.memref_squeeze %dma_start3A_32 : memref<1x640x128xf32, #tpu.memory_space<hbm>> -> memref<640x128xf32, #tpu.memory_space<hbm>>
        %dma_start3A_34 = arith.constant 0 : i32
        %dma_start3A_35 = tpu.memref_slice %arg8[%mul3A_23, %dma_start3A_34] : memref<10240x128xf32, #tpu.memory_space<vmem_shared>> -> memref<640x128xf32, #tpu.memory_space<vmem_shared>>
        tpu.enqueue_dma source(%dma_start3A_35 : memref<640x128xf32, #tpu.memory_space<vmem_shared>>) target(%dma_start3A_33 : memref<640x128xf32, #tpu.memory_space<hbm>>) target_semaphore(%run_scoped3A_31 : memref<!tpu.dma_semaphore, #tpu.memory_space<semaphore_mem>>)
        %dma_wait3A = arith.constant 0 : i32
        %dma_wait3A_36 = tpu.memref_slice %arg3[%run_scoped3A, %mul3A_23, %dma_wait3A] : memref<2x10240x128xf32, #tpu.memory_space<hbm>> -> memref<1x640x128xf32, #tpu.memory_space<hbm>>
        %dma_wait3A_37 = tpu.memref_squeeze %dma_wait3A_36 : memref<1x640x128xf32, #tpu.memory_space<hbm>> -> memref<640x128xf32, #tpu.memory_space<hbm>>
        %dma_wait3A_38 = arith.constant 0 : i32
        %dma_wait3A_39 = tpu.memref_slice %arg8[%mul3A_23, %dma_wait3A_38] : memref<10240x128xf32, #tpu.memory_space<vmem_shared>> -> memref<640x128xf32, #tpu.memory_space<vmem_shared>>
        tpu.wait_dma2 semaphore(%run_scoped3A_31 : memref<!tpu.dma_semaphore, #tpu.memory_space<semaphore_mem>>) src(%dma_wait3A_39 : memref<640x128xf32, #tpu.memory_space<vmem_shared>>) dst(%dma_wait3A_37 : memref<640x128xf32, #tpu.memory_space<hbm>>)
        tpu.yield
      }) : () -> ()
    } else {
    }
    return
  }
}

#map = affine_map<(d0, d1) -> (0)>
#map1 = affine_map<(d0, d1) -> (0, 0)>
#map2 = affine_map<(d0, d1) -> (0, 0, 0)>
module attributes {stable_mosaic.version = 14 : i64} {
  func.func @_agg_a_kernel(%arg0: i32, %arg1: i32, %arg2: memref<320000xi32, #tpu.memory_space<hbm>>, %arg3: memref<320000xi32, #tpu.memory_space<hbm>>, %arg4: memref<10240x128xf32, #tpu.memory_space<hbm>>, %arg5: memref<2x10240x128xf32, #tpu.memory_space<hbm>>, %arg6: memref<128xi32, #tpu.memory_space<vmem>>, %arg7: memref<128xi32, #tpu.memory_space<vmem>>, %arg8: memref<128x128xf32, #tpu.memory_space<vmem>>, %arg9: memref<128xi32, #tpu.memory_space<vmem>>, %arg10: memref<128xi32, #tpu.memory_space<vmem>>, %arg11: memref<128x128xf32, #tpu.memory_space<vmem>>, %arg12: memref<16xi32, #tpu.memory_space<vmem>>, %arg13: memref<16xi32, #tpu.memory_space<vmem>>, %arg14: memref<16x128xf32, #tpu.memory_space<vmem>>, %arg15: memref<!tpu.dma_semaphore, #tpu.memory_space<semaphore_mem>>, %arg16: memref<!tpu.dma_semaphore, #tpu.memory_space<semaphore_mem>>, %arg17: memref<10240x128xf32, #tpu.memory_space<vmem_shared>>) attributes {dimension_semantics = [#tpu.dimension_semantics<core_parallel>, #tpu.dimension_semantics<subcore_parallel>], iteration_bounds = array<i64: 2, 16>, scalar_prefetch = 0 : i64, scratch_operands = 12 : i64, tpu.core_type = #tpu.core_type<sc_vector_subcore>, window_params = [{transform_indices = #map}, {transform_indices = #map}, {transform_indices = #map1}, {transform_indices = #map2}]} {
    %scan3A = arith.constant 0 : i32
    %scan3A_0 = arith.constant 128 : i32
    %scan3A_1 = arith.addi %scan3A, %scan3A_0 : i32
    %scan3A_2 = arith.constant 1 : i32
    scf.for %scan3A_49 = %scan3A to %scan3A_1 step %scan3A_2  : i32 {
      %scan3A_50 = arith.constant 0 : i32
      %scan3A_51 = arith.constant 8 : i32
      %scan3A_52 = arith.addi %scan3A_50, %scan3A_51 : i32
      %scan3A_53 = arith.constant 1 : i32
      scf.for %scan3A_55 = %scan3A_50 to %scan3A_52 step %scan3A_53  : i32 {
        %broadcast_in_dim3A = arith.constant 0.000000e+00 : f32
        %broadcast_in_dim3A_56 = vector.broadcast %broadcast_in_dim3A : f32 to vector<16xf32>
        %mul3A_57 = arith.constant 16 : i32
        %mul3A_58 = arith.muli %scan3A_55, %mul3A_57 : i32
        %swap3A = arith.index_cast %scan3A_49 : i32 to index
        %swap3A_59 = arith.index_cast %mul3A_58 : i32 to index
        %swap3A_60 = tpu.vector_load %arg8[%swap3A, %swap3A_59] {strides = array<i32>} : memref<128x128xf32, #tpu.memory_space<vmem>>, vector<1x16xf32>,
        %swap3A_61 = vector.shape_cast %swap3A_60 : vector<1x16xf32> to vector<16xf32>
        %swap3A_62 = vector.shape_cast %broadcast_in_dim3A_56 : vector<16xf32> to vector<1x16xf32>
        tpu.vector_store %arg8[%swap3A, %swap3A_59], %swap3A_62 {strides = array<i32>} : memref<128x128xf32, #tpu.memory_space<vmem>>, vector<1x16xf32>,
      }
      %scan3A_54 = arith.constant 8 : i32
    }
    %scan3A_3 = arith.constant 128 : i32
    %mul3A = arith.constant 640 : i32
    %mul3A_4 = arith.muli %arg1, %mul3A : i32
    %scan3A_5 = arith.constant 0 : i32
    %scan3A_6 = arith.constant 5 : i32
    %scan3A_7 = arith.addi %scan3A_5, %scan3A_6 : i32
    %scan3A_8 = arith.constant 1 : i32
    scf.for %scan3A_49 = %scan3A_5 to %scan3A_7 step %scan3A_8  : i32 {
      %mul3A_50 = arith.constant 128 : i32
      %mul3A_51 = arith.muli %scan3A_49, %mul3A_50 : i32
      %add3A_52 = arith.addi %mul3A_4, %mul3A_51 : i32
      "tpu.region"() ({
        %run_scoped3A = tpu.sem_alloc : memref<!tpu.dma_semaphore, #tpu.memory_space<semaphore_mem>>
        %dma_start3A_53 = arith.constant 0 : i32
        %dma_start3A_54 = tpu.memref_slice %arg17[%add3A_52, %dma_start3A_53] : memref<10240x128xf32, #tpu.memory_space<vmem_shared>> -> memref<128x128xf32, #tpu.memory_space<vmem_shared>>
        %dma_start3A_55 = arith.constant 0 : i32
        %dma_start3A_56 = tpu.memref_slice %arg17[%add3A_52, %dma_start3A_55] : memref<10240x128xf32, #tpu.memory_space<vmem_shared>> -> memref<128x128xf32, #tpu.memory_space<vmem_shared>>
        tpu.enqueue_dma source(%arg8 : memref<128x128xf32, #tpu.memory_space<vmem>>) target(%dma_start3A_56 : memref<128x128xf32, #tpu.memory_space<vmem_shared>>) target_semaphore(%run_scoped3A : memref<!tpu.dma_semaphore, #tpu.memory_space<semaphore_mem>>)
        %dma_wait3A_57 = arith.constant 0 : i32
        %dma_wait3A_58 = tpu.memref_slice %arg17[%add3A_52, %dma_wait3A_57] : memref<10240x128xf32, #tpu.memory_space<vmem_shared>> -> memref<128x128xf32, #tpu.memory_space<vmem_shared>>
        %dma_wait3A_59 = arith.constant 0 : i32
        %dma_wait3A_60 = tpu.memref_slice %arg17[%add3A_52, %dma_wait3A_59] : memref<10240x128xf32, #tpu.memory_space<vmem_shared>> -> memref<128x128xf32, #tpu.memory_space<vmem_shared>>
        tpu.wait_dma2 semaphore(%run_scoped3A : memref<!tpu.dma_semaphore, #tpu.memory_space<semaphore_mem>>) src(%arg8 : memref<128x128xf32, #tpu.memory_space<vmem>>) dst(%dma_wait3A_60 : memref<128x128xf32, #tpu.memory_space<vmem_shared>>)
        tpu.yield
      }) : () -> ()
    }
    %scan3A_9 = arith.constant 5 : i32
    %barrier3A = arith.constant 0 : index
    tpu.barrier barrier_id(%barrier3A)
    %mul3A_10 = arith.constant 160000 : i32
    %mul3A_11 = arith.muli %arg0, %mul3A_10 : i32
    %mul3A_12 = arith.constant 10000 : i32
    %mul3A_13 = arith.muli %arg1, %mul3A_12 : i32
    %add3A = arith.addi %mul3A_11, %mul3A_13 : i32
    "tpu.region"() ({
      %run_scoped3A = tpu.sem_alloc : memref<!tpu.dma_semaphore, #tpu.memory_space<semaphore_mem>>
      %dma_start3A_49 = tpu.memref_slice %arg2[%add3A] : memref<320000xi32, #tpu.memory_space<hbm>> -> memref<128xi32, #tpu.memory_space<hbm>>
      %dma_start3A_50 = tpu.memref_slice %arg2[%add3A] : memref<320000xi32, #tpu.memory_space<hbm>> -> memref<128xi32, #tpu.memory_space<hbm>>
      tpu.enqueue_dma source(%dma_start3A_50 : memref<128xi32, #tpu.memory_space<hbm>>) target(%arg6 : memref<128xi32, #tpu.memory_space<vmem>>) target_semaphore(%run_scoped3A : memref<!tpu.dma_semaphore, #tpu.memory_space<semaphore_mem>>)
      %dma_wait3A_51 = tpu.memref_slice %arg2[%add3A] : memref<320000xi32, #tpu.memory_space<hbm>> -> memref<128xi32, #tpu.memory_space<hbm>>
      %dma_wait3A_52 = tpu.memref_slice %arg2[%add3A] : memref<320000xi32, #tpu.memory_space<hbm>> -> memref<128xi32, #tpu.memory_space<hbm>>
      tpu.wait_dma2 semaphore(%run_scoped3A : memref<!tpu.dma_semaphore, #tpu.memory_space<semaphore_mem>>) src(%dma_wait3A_52 : memref<128xi32, #tpu.memory_space<hbm>>) dst(%arg6 : memref<128xi32, #tpu.memory_space<vmem>>)
      tpu.yield
    }) : () -> ()
    "tpu.region"() ({
      %run_scoped3A = tpu.sem_alloc : memref<!tpu.dma_semaphore, #tpu.memory_space<semaphore_mem>>
      %dma_start3A_49 = tpu.memref_slice %arg3[%add3A] : memref<320000xi32, #tpu.memory_space<hbm>> -> memref<128xi32, #tpu.memory_space<hbm>>
      %dma_start3A_50 = tpu.memref_slice %arg3[%add3A] : memref<320000xi32, #tpu.memory_space<hbm>> -> memref<128xi32, #tpu.memory_space<hbm>>
      tpu.enqueue_dma source(%dma_start3A_50 : memref<128xi32, #tpu.memory_space<hbm>>) target(%arg7 : memref<128xi32, #tpu.memory_space<vmem>>) target_semaphore(%run_scoped3A : memref<!tpu.dma_semaphore, #tpu.memory_space<semaphore_mem>>)
      %dma_wait3A_51 = tpu.memref_slice %arg3[%add3A] : memref<320000xi32, #tpu.memory_space<hbm>> -> memref<128xi32, #tpu.memory_space<hbm>>
      %dma_wait3A_52 = tpu.memref_slice %arg3[%add3A] : memref<320000xi32, #tpu.memory_space<hbm>> -> memref<128xi32, #tpu.memory_space<hbm>>
      tpu.wait_dma2 semaphore(%run_scoped3A : memref<!tpu.dma_semaphore, #tpu.memory_space<semaphore_mem>>) src(%dma_wait3A_52 : memref<128xi32, #tpu.memory_space<hbm>>) dst(%arg7 : memref<128xi32, #tpu.memory_space<vmem>>)
      tpu.yield
    }) : () -> ()
    %dma_start3A = arith.constant 0 : i32
    %dma_start3A_14 = arith.constant 0 : i32
    %dma_start3A_15 = tpu.memref_slice %arg4[%dma_start3A, %dma_start3A_14] : memref<10240x128xf32, #tpu.memory_space<hbm>> -> memref<10240x128xf32, #tpu.memory_space<hbm>>
    tpu.enqueue_indirect_dma source(%dma_start3A_15 : memref<10240x128xf32, #tpu.memory_space<hbm>>) target(%arg8 : memref<128x128xf32, #tpu.memory_space<vmem>>) offsets(%arg6 : memref<128xi32, #tpu.memory_space<vmem>>) semaphore(%arg15 : memref<!tpu.dma_semaphore, #tpu.memory_space<semaphore_mem>>)
    %scan3A_16 = arith.constant 0 : i32
    %scan3A_17 = arith.constant 38 : i32
    %scan3A_18 = arith.addi %scan3A_16, %scan3A_17 : i32
    %scan3A_19 = arith.constant 1 : i32
    scf.for %scan3A_49 = %scan3A_16 to %scan3A_18 step %scan3A_19  : i32 {
      %mul3A_50 = arith.constant 2 : i32
      %mul3A_51 = arith.muli %mul3A_50, %scan3A_49 : i32
      %add3A_52 = arith.constant 1 : i32
      %add3A_53 = arith.addi %mul3A_51, %add3A_52 : i32
      %mul3A_54 = arith.constant 128 : i32
      %mul3A_55 = arith.muli %add3A_53, %mul3A_54 : i32
      %add3A_56 = arith.addi %add3A, %mul3A_55 : i32
      "tpu.region"() ({
        %run_scoped3A = tpu.sem_alloc : memref<!tpu.dma_semaphore, #tpu.memory_space<semaphore_mem>>
        %dma_start3A_76 = tpu.memref_slice %arg2[%add3A_56] : memref<320000xi32, #tpu.memory_space<hbm>> -> memref<128xi32, #tpu.memory_space<hbm>>
        %dma_start3A_77 = tpu.memref_slice %arg2[%add3A_56] : memref<320000xi32, #tpu.memory_space<hbm>> -> memref<128xi32, #tpu.memory_space<hbm>>
        tpu.enqueue_dma source(%dma_start3A_77 : memref<128xi32, #tpu.memory_space<hbm>>) target(%arg9 : memref<128xi32, #tpu.memory_space<vmem>>) target_semaphore(%run_scoped3A : memref<!tpu.dma_semaphore, #tpu.memory_space<semaphore_mem>>)
        %dma_wait3A_78 = tpu.memref_slice %arg2[%add3A_56] : memref<320000xi32, #tpu.memory_space<hbm>> -> memref<128xi32, #tpu.memory_space<hbm>>
        %dma_wait3A_79 = tpu.memref_slice %arg2[%add3A_56] : memref<320000xi32, #tpu.memory_space<hbm>> -> memref<128xi32, #tpu.memory_space<hbm>>
        tpu.wait_dma2 semaphore(%run_scoped3A : memref<!tpu.dma_semaphore, #tpu.memory_space<semaphore_mem>>) src(%dma_wait3A_79 : memref<128xi32, #tpu.memory_space<hbm>>) dst(%arg9 : memref<128xi32, #tpu.memory_space<vmem>>)
        tpu.yield
      }) : () -> ()
      "tpu.region"() ({
        %run_scoped3A = tpu.sem_alloc : memref<!tpu.dma_semaphore, #tpu.memory_space<semaphore_mem>>
        %dma_start3A_76 = tpu.memref_slice %arg3[%add3A_56] : memref<320000xi32, #tpu.memory_space<hbm>> -> memref<128xi32, #tpu.memory_space<hbm>>
        %dma_start3A_77 = tpu.memref_slice %arg3[%add3A_56] : memref<320000xi32, #tpu.memory_space<hbm>> -> memref<128xi32, #tpu.memory_space<hbm>>
        tpu.enqueue_dma source(%dma_start3A_77 : memref<128xi32, #tpu.memory_space<hbm>>) target(%arg10 : memref<128xi32, #tpu.memory_space<vmem>>) target_semaphore(%run_scoped3A : memref<!tpu.dma_semaphore, #tpu.memory_space<semaphore_mem>>)
        %dma_wait3A_78 = tpu.memref_slice %arg3[%add3A_56] : memref<320000xi32, #tpu.memory_space<hbm>> -> memref<128xi32, #tpu.memory_space<hbm>>
        %dma_wait3A_79 = tpu.memref_slice %arg3[%add3A_56] : memref<320000xi32, #tpu.memory_space<hbm>> -> memref<128xi32, #tpu.memory_space<hbm>>
        tpu.wait_dma2 semaphore(%run_scoped3A : memref<!tpu.dma_semaphore, #tpu.memory_space<semaphore_mem>>) src(%dma_wait3A_79 : memref<128xi32, #tpu.memory_space<hbm>>) dst(%arg10 : memref<128xi32, #tpu.memory_space<vmem>>)
        tpu.yield
      }) : () -> ()
      %dma_start3A_57 = arith.constant 0 : i32
      %dma_start3A_58 = arith.constant 0 : i32
      %dma_start3A_59 = tpu.memref_slice %arg4[%dma_start3A_57, %dma_start3A_58] : memref<10240x128xf32, #tpu.memory_space<hbm>> -> memref<10240x128xf32, #tpu.memory_space<hbm>>
      tpu.enqueue_indirect_dma source(%dma_start3A_59 : memref<10240x128xf32, #tpu.memory_space<hbm>>) target(%arg11 : memref<128x128xf32, #tpu.memory_space<vmem>>) offsets(%arg9 : memref<128xi32, #tpu.memory_space<vmem>>) semaphore(%arg16 : memref<!tpu.dma_semaphore, #tpu.memory_space<semaphore_mem>>)
      %dma_wait3A_60 = arith.constant 0 : i32
      %dma_wait3A_61 = arith.constant 0 : i32
      %dma_wait3A_62 = tpu.memref_slice %arg4[%dma_wait3A_60, %dma_wait3A_61] : memref<10240x128xf32, #tpu.memory_space<hbm>> -> memref<10240x128xf32, #tpu.memory_space<hbm>>
      tpu.wait_indirect_dma semaphore(%arg15 : memref<!tpu.dma_semaphore, #tpu.memory_space<semaphore_mem>>) src(%dma_wait3A_62 : memref<10240x128xf32, #tpu.memory_space<hbm>>) dst(%arg8 : memref<128x128xf32, #tpu.memory_space<vmem>>)
      "tpu.region"() ({
        %run_scoped3A = tpu.sem_alloc : memref<!tpu.dma_semaphore, #tpu.memory_space<semaphore_mem>>
        %dma_start3A_76 = arith.constant 0 : i32
        %dma_start3A_77 = arith.constant 0 : i32
        %dma_start3A_78 = tpu.memref_slice %arg17[%dma_start3A_76, %dma_start3A_77] : memref<10240x128xf32, #tpu.memory_space<vmem_shared>> -> memref<10240x128xf32, #tpu.memory_space<vmem_shared>>
        tpu.enqueue_indirect_dma source(%arg8 : memref<128x128xf32, #tpu.memory_space<vmem>>) target(%dma_start3A_78 : memref<10240x128xf32, #tpu.memory_space<vmem_shared>>) offsets(%arg7 : memref<128xi32, #tpu.memory_space<vmem>>) semaphore(%run_scoped3A : memref<!tpu.dma_semaphore, #tpu.memory_space<semaphore_mem>>) {add = true}
        %dma_wait3A_79 = arith.constant 0 : i32
        %dma_wait3A_80 = arith.constant 0 : i32
        %dma_wait3A_81 = tpu.memref_slice %arg17[%dma_wait3A_79, %dma_wait3A_80] : memref<10240x128xf32, #tpu.memory_space<vmem_shared>> -> memref<10240x128xf32, #tpu.memory_space<vmem_shared>>
        tpu.wait_indirect_dma semaphore(%run_scoped3A : memref<!tpu.dma_semaphore, #tpu.memory_space<semaphore_mem>>) src(%arg8 : memref<128x128xf32, #tpu.memory_space<vmem>>) dst(%dma_wait3A_81 : memref<10240x128xf32, #tpu.memory_space<vmem_shared>>)
        tpu.yield
      }) : () -> ()
      %mul3A_63 = arith.constant 2 : i32
      %mul3A_64 = arith.muli %mul3A_63, %scan3A_49 : i32
      %add3A_65 = arith.constant 2 : i32
      %add3A_66 = arith.addi %mul3A_64, %add3A_65 : i32
      %mul3A_67 = arith.constant 128 : i32
      %mul3A_68 = arith.muli %add3A_66, %mul3A_67 : i32
      %add3A_69 = arith.addi %add3A, %mul3A_68 : i32
      "tpu.region"() ({
        %run_scoped3A = tpu.sem_alloc : memref<!tpu.dma_semaphore, #tpu.memory_space<semaphore_mem>>
        %dma_start3A_76 = tpu.memref_slice %arg2[%add3A_69] : memref<320000xi32, #tpu.memory_space<hbm>> -> memref<128xi32, #tpu.memory_space<hbm>>
        %dma_start3A_77 = tpu.memref_slice %arg2[%add3A_69] : memref<320000xi32, #tpu.memory_space<hbm>> -> memref<128xi32, #tpu.memory_space<hbm>>
        tpu.enqueue_dma source(%dma_start3A_77 : memref<128xi32, #tpu.memory_space<hbm>>) target(%arg6 : memref<128xi32, #tpu.memory_space<vmem>>) target_semaphore(%run_scoped3A : memref<!tpu.dma_semaphore, #tpu.memory_space<semaphore_mem>>)
        %dma_wait3A_78 = tpu.memref_slice %arg2[%add3A_69] : memref<320000xi32, #tpu.memory_space<hbm>> -> memref<128xi32, #tpu.memory_space<hbm>>
        %dma_wait3A_79 = tpu.memref_slice %arg2[%add3A_69] : memref<320000xi32, #tpu.memory_space<hbm>> -> memref<128xi32, #tpu.memory_space<hbm>>
        tpu.wait_dma2 semaphore(%run_scoped3A : memref<!tpu.dma_semaphore, #tpu.memory_space<semaphore_mem>>) src(%dma_wait3A_79 : memref<128xi32, #tpu.memory_space<hbm>>) dst(%arg6 : memref<128xi32, #tpu.memory_space<vmem>>)
        tpu.yield
      }) : () -> ()
      "tpu.region"() ({
        %run_scoped3A = tpu.sem_alloc : memref<!tpu.dma_semaphore, #tpu.memory_space<semaphore_mem>>
        %dma_start3A_76 = tpu.memref_slice %arg3[%add3A_69] : memref<320000xi32, #tpu.memory_space<hbm>> -> memref<128xi32, #tpu.memory_space<hbm>>
        %dma_start3A_77 = tpu.memref_slice %arg3[%add3A_69] : memref<320000xi32, #tpu.memory_space<hbm>> -> memref<128xi32, #tpu.memory_space<hbm>>
        tpu.enqueue_dma source(%dma_start3A_77 : memref<128xi32, #tpu.memory_space<hbm>>) target(%arg7 : memref<128xi32, #tpu.memory_space<vmem>>) target_semaphore(%run_scoped3A : memref<!tpu.dma_semaphore, #tpu.memory_space<semaphore_mem>>)
        %dma_wait3A_78 = tpu.memref_slice %arg3[%add3A_69] : memref<320000xi32, #tpu.memory_space<hbm>> -> memref<128xi32, #tpu.memory_space<hbm>>
        %dma_wait3A_79 = tpu.memref_slice %arg3[%add3A_69] : memref<320000xi32, #tpu.memory_space<hbm>> -> memref<128xi32, #tpu.memory_space<hbm>>
        tpu.wait_dma2 semaphore(%run_scoped3A : memref<!tpu.dma_semaphore, #tpu.memory_space<semaphore_mem>>) src(%dma_wait3A_79 : memref<128xi32, #tpu.memory_space<hbm>>) dst(%arg7 : memref<128xi32, #tpu.memory_space<vmem>>)
        tpu.yield
      }) : () -> ()
      %dma_start3A_70 = arith.constant 0 : i32
      %dma_start3A_71 = arith.constant 0 : i32
      %dma_start3A_72 = tpu.memref_slice %arg4[%dma_start3A_70, %dma_start3A_71] : memref<10240x128xf32, #tpu.memory_space<hbm>> -> memref<10240x128xf32, #tpu.memory_space<hbm>>
      tpu.enqueue_indirect_dma source(%dma_start3A_72 : memref<10240x128xf32, #tpu.memory_space<hbm>>) target(%arg8 : memref<128x128xf32, #tpu.memory_space<vmem>>) offsets(%arg6 : memref<128xi32, #tpu.memory_space<vmem>>) semaphore(%arg15 : memref<!tpu.dma_semaphore, #tpu.memory_space<semaphore_mem>>)
      %dma_wait3A_73 = arith.constant 0 : i32
      %dma_wait3A_74 = arith.constant 0 : i32
      %dma_wait3A_75 = tpu.memref_slice %arg4[%dma_wait3A_73, %dma_wait3A_74] : memref<10240x128xf32, #tpu.memory_space<hbm>> -> memref<10240x128xf32, #tpu.memory_space<hbm>>
      tpu.wait_indirect_dma semaphore(%arg16 : memref<!tpu.dma_semaphore, #tpu.memory_space<semaphore_mem>>) src(%dma_wait3A_75 : memref<10240x128xf32, #tpu.memory_space<hbm>>) dst(%arg11 : memref<128x128xf32, #tpu.memory_space<vmem>>)
      "tpu.region"() ({
        %run_scoped3A = tpu.sem_alloc : memref<!tpu.dma_semaphore, #tpu.memory_space<semaphore_mem>>
        %dma_start3A_76 = arith.constant 0 : i32
        %dma_start3A_77 = arith.constant 0 : i32
        %dma_start3A_78 = tpu.memref_slice %arg17[%dma_start3A_76, %dma_start3A_77] : memref<10240x128xf32, #tpu.memory_space<vmem_shared>> -> memref<10240x128xf32, #tpu.memory_space<vmem_shared>>
        tpu.enqueue_indirect_dma source(%arg11 : memref<128x128xf32, #tpu.memory_space<vmem>>) target(%dma_start3A_78 : memref<10240x128xf32, #tpu.memory_space<vmem_shared>>) offsets(%arg10 : memref<128xi32, #tpu.memory_space<vmem>>) semaphore(%run_scoped3A : memref<!tpu.dma_semaphore, #tpu.memory_space<semaphore_mem>>) {add = true}
        %dma_wait3A_79 = arith.constant 0 : i32
        %dma_wait3A_80 = arith.constant 0 : i32
        %dma_wait3A_81 = tpu.memref_slice %arg17[%dma_wait3A_79, %dma_wait3A_80] : memref<10240x128xf32, #tpu.memory_space<vmem_shared>> -> memref<10240x128xf32, #tpu.memory_space<vmem_shared>>
        tpu.wait_indirect_dma semaphore(%run_scoped3A : memref<!tpu.dma_semaphore, #tpu.memory_space<semaphore_mem>>) src(%arg11 : memref<128x128xf32, #tpu.memory_space<vmem>>) dst(%dma_wait3A_81 : memref<10240x128xf32, #tpu.memory_space<vmem_shared>>)
        tpu.yield
      }) : () -> ()
    }
    %scan3A_20 = arith.constant 38 : i32
    %add3A_21 = arith.constant 9856 : i32
    %add3A_22 = arith.addi %add3A, %add3A_21 : i32
    "tpu.region"() ({
      %run_scoped3A = tpu.sem_alloc : memref<!tpu.dma_semaphore, #tpu.memory_space<semaphore_mem>>
      %dma_start3A_49 = tpu.memref_slice %arg2[%add3A_22] : memref<320000xi32, #tpu.memory_space<hbm>> -> memref<128xi32, #tpu.memory_space<hbm>>
      %dma_start3A_50 = tpu.memref_slice %arg2[%add3A_22] : memref<320000xi32, #tpu.memory_space<hbm>> -> memref<128xi32, #tpu.memory_space<hbm>>
      tpu.enqueue_dma source(%dma_start3A_50 : memref<128xi32, #tpu.memory_space<hbm>>) target(%arg9 : memref<128xi32, #tpu.memory_space<vmem>>) target_semaphore(%run_scoped3A : memref<!tpu.dma_semaphore, #tpu.memory_space<semaphore_mem>>)
      %dma_wait3A_51 = tpu.memref_slice %arg2[%add3A_22] : memref<320000xi32, #tpu.memory_space<hbm>> -> memref<128xi32, #tpu.memory_space<hbm>>
      %dma_wait3A_52 = tpu.memref_slice %arg2[%add3A_22] : memref<320000xi32, #tpu.memory_space<hbm>> -> memref<128xi32, #tpu.memory_space<hbm>>
      tpu.wait_dma2 semaphore(%run_scoped3A : memref<!tpu.dma_semaphore, #tpu.memory_space<semaphore_mem>>) src(%dma_wait3A_52 : memref<128xi32, #tpu.memory_space<hbm>>) dst(%arg9 : memref<128xi32, #tpu.memory_space<vmem>>)
      tpu.yield
    }) : () -> ()
    "tpu.region"() ({
      %run_scoped3A = tpu.sem_alloc : memref<!tpu.dma_semaphore, #tpu.memory_space<semaphore_mem>>
      %dma_start3A_49 = tpu.memref_slice %arg3[%add3A_22] : memref<320000xi32, #tpu.memory_space<hbm>> -> memref<128xi32, #tpu.memory_space<hbm>>
      %dma_start3A_50 = tpu.memref_slice %arg3[%add3A_22] : memref<320000xi32, #tpu.memory_space<hbm>> -> memref<128xi32, #tpu.memory_space<hbm>>
      tpu.enqueue_dma source(%dma_start3A_50 : memref<128xi32, #tpu.memory_space<hbm>>) target(%arg10 : memref<128xi32, #tpu.memory_space<vmem>>) target_semaphore(%run_scoped3A : memref<!tpu.dma_semaphore, #tpu.memory_space<semaphore_mem>>)
      %dma_wait3A_51 = tpu.memref_slice %arg3[%add3A_22] : memref<320000xi32, #tpu.memory_space<hbm>> -> memref<128xi32, #tpu.memory_space<hbm>>
      %dma_wait3A_52 = tpu.memref_slice %arg3[%add3A_22] : memref<320000xi32, #tpu.memory_space<hbm>> -> memref<128xi32, #tpu.memory_space<hbm>>
      tpu.wait_dma2 semaphore(%run_scoped3A : memref<!tpu.dma_semaphore, #tpu.memory_space<semaphore_mem>>) src(%dma_wait3A_52 : memref<128xi32, #tpu.memory_space<hbm>>) dst(%arg10 : memref<128xi32, #tpu.memory_space<vmem>>)
      tpu.yield
    }) : () -> ()
    %dma_start3A_23 = arith.constant 0 : i32
    %dma_start3A_24 = arith.constant 0 : i32
    %dma_start3A_25 = tpu.memref_slice %arg4[%dma_start3A_23, %dma_start3A_24] : memref<10240x128xf32, #tpu.memory_space<hbm>> -> memref<10240x128xf32, #tpu.memory_space<hbm>>
    tpu.enqueue_indirect_dma source(%dma_start3A_25 : memref<10240x128xf32, #tpu.memory_space<hbm>>) target(%arg11 : memref<128x128xf32, #tpu.memory_space<vmem>>) offsets(%arg9 : memref<128xi32, #tpu.memory_space<vmem>>) semaphore(%arg16 : memref<!tpu.dma_semaphore, #tpu.memory_space<semaphore_mem>>)
    %dma_wait3A = arith.constant 0 : i32
    %dma_wait3A_26 = arith.constant 0 : i32
    %dma_wait3A_27 = tpu.memref_slice %arg4[%dma_wait3A, %dma_wait3A_26] : memref<10240x128xf32, #tpu.memory_space<hbm>> -> memref<10240x128xf32, #tpu.memory_space<hbm>>
    tpu.wait_indirect_dma semaphore(%arg15 : memref<!tpu.dma_semaphore, #tpu.memory_space<semaphore_mem>>) src(%dma_wait3A_27 : memref<10240x128xf32, #tpu.memory_space<hbm>>) dst(%arg8 : memref<128x128xf32, #tpu.memory_space<vmem>>)
    "tpu.region"() ({
      %run_scoped3A = tpu.sem_alloc : memref<!tpu.dma_semaphore, #tpu.memory_space<semaphore_mem>>
      %dma_start3A_49 = arith.constant 0 : i32
      %dma_start3A_50 = arith.constant 0 : i32
      %dma_start3A_51 = tpu.memref_slice %arg17[%dma_start3A_49, %dma_start3A_50] : memref<10240x128xf32, #tpu.memory_space<vmem_shared>> -> memref<10240x128xf32, #tpu.memory_space<vmem_shared>>
      tpu.enqueue_indirect_dma source(%arg8 : memref<128x128xf32, #tpu.memory_space<vmem>>) target(%dma_start3A_51 : memref<10240x128xf32, #tpu.memory_space<vmem_shared>>) offsets(%arg7 : memref<128xi32, #tpu.memory_space<vmem>>) semaphore(%run_scoped3A : memref<!tpu.dma_semaphore, #tpu.memory_space<semaphore_mem>>) {add = true}
      %dma_wait3A_52 = arith.constant 0 : i32
      %dma_wait3A_53 = arith.constant 0 : i32
      %dma_wait3A_54 = tpu.memref_slice %arg17[%dma_wait3A_52, %dma_wait3A_53] : memref<10240x128xf32, #tpu.memory_space<vmem_shared>> -> memref<10240x128xf32, #tpu.memory_space<vmem_shared>>
      tpu.wait_indirect_dma semaphore(%run_scoped3A : memref<!tpu.dma_semaphore, #tpu.memory_space<semaphore_mem>>) src(%arg8 : memref<128x128xf32, #tpu.memory_space<vmem>>) dst(%dma_wait3A_54 : memref<10240x128xf32, #tpu.memory_space<vmem_shared>>)
      tpu.yield
    }) : () -> ()
    %dma_wait3A_28 = arith.constant 0 : i32
    %dma_wait3A_29 = arith.constant 0 : i32
    %dma_wait3A_30 = tpu.memref_slice %arg4[%dma_wait3A_28, %dma_wait3A_29] : memref<10240x128xf32, #tpu.memory_space<hbm>> -> memref<10240x128xf32, #tpu.memory_space<hbm>>
    tpu.wait_indirect_dma semaphore(%arg16 : memref<!tpu.dma_semaphore, #tpu.memory_space<semaphore_mem>>) src(%dma_wait3A_30 : memref<10240x128xf32, #tpu.memory_space<hbm>>) dst(%arg11 : memref<128x128xf32, #tpu.memory_space<vmem>>)
    "tpu.region"() ({
      %run_scoped3A = tpu.sem_alloc : memref<!tpu.dma_semaphore, #tpu.memory_space<semaphore_mem>>
      %dma_start3A_49 = arith.constant 0 : i32
      %dma_start3A_50 = arith.constant 0 : i32
      %dma_start3A_51 = tpu.memref_slice %arg17[%dma_start3A_49, %dma_start3A_50] : memref<10240x128xf32, #tpu.memory_space<vmem_shared>> -> memref<10240x128xf32, #tpu.memory_space<vmem_shared>>
      tpu.enqueue_indirect_dma source(%arg11 : memref<128x128xf32, #tpu.memory_space<vmem>>) target(%dma_start3A_51 : memref<10240x128xf32, #tpu.memory_space<vmem_shared>>) offsets(%arg10 : memref<128xi32, #tpu.memory_space<vmem>>) semaphore(%run_scoped3A : memref<!tpu.dma_semaphore, #tpu.memory_space<semaphore_mem>>) {add = true}
      %dma_wait3A_52 = arith.constant 0 : i32
      %dma_wait3A_53 = arith.constant 0 : i32
      %dma_wait3A_54 = tpu.memref_slice %arg17[%dma_wait3A_52, %dma_wait3A_53] : memref<10240x128xf32, #tpu.memory_space<vmem_shared>> -> memref<10240x128xf32, #tpu.memory_space<vmem_shared>>
      tpu.wait_indirect_dma semaphore(%run_scoped3A : memref<!tpu.dma_semaphore, #tpu.memory_space<semaphore_mem>>) src(%arg11 : memref<128x128xf32, #tpu.memory_space<vmem>>) dst(%dma_wait3A_54 : memref<10240x128xf32, #tpu.memory_space<vmem_shared>>)
      tpu.yield
    }) : () -> ()
    %add3A_31 = arith.constant 9984 : i32
    %add3A_32 = arith.addi %add3A, %add3A_31 : i32
    "tpu.region"() ({
      %run_scoped3A = tpu.sem_alloc : memref<!tpu.dma_semaphore, #tpu.memory_space<semaphore_mem>>
      %dma_start3A_49 = tpu.memref_slice %arg2[%add3A_32] : memref<320000xi32, #tpu.memory_space<hbm>> -> memref<16xi32, #tpu.memory_space<hbm>>
      %dma_start3A_50 = tpu.memref_slice %arg2[%add3A_32] : memref<320000xi32, #tpu.memory_space<hbm>> -> memref<16xi32, #tpu.memory_space<hbm>>
      tpu.enqueue_dma source(%dma_start3A_50 : memref<16xi32, #tpu.memory_space<hbm>>) target(%arg12 : memref<16xi32, #tpu.memory_space<vmem>>) target_semaphore(%run_scoped3A : memref<!tpu.dma_semaphore, #tpu.memory_space<semaphore_mem>>)
      %dma_wait3A_51 = tpu.memref_slice %arg2[%add3A_32] : memref<320000xi32, #tpu.memory_space<hbm>> -> memref<16xi32, #tpu.memory_space<hbm>>
      %dma_wait3A_52 = tpu.memref_slice %arg2[%add3A_32] : memref<320000xi32, #tpu.memory_space<hbm>> -> memref<16xi32, #tpu.memory_space<hbm>>
      tpu.wait_dma2 semaphore(%run_scoped3A : memref<!tpu.dma_semaphore, #tpu.memory_space<semaphore_mem>>) src(%dma_wait3A_52 : memref<16xi32, #tpu.memory_space<hbm>>) dst(%arg12 : memref<16xi32, #tpu.memory_space<vmem>>)
      tpu.yield
    }) : () -> ()
    "tpu.region"() ({
      %run_scoped3A = tpu.sem_alloc : memref<!tpu.dma_semaphore, #tpu.memory_space<semaphore_mem>>
      %dma_start3A_49 = tpu.memref_slice %arg3[%add3A_32] : memref<320000xi32, #tpu.memory_space<hbm>> -> memref<16xi32, #tpu.memory_space<hbm>>
      %dma_start3A_50 = tpu.memref_slice %arg3[%add3A_32] : memref<320000xi32, #tpu.memory_space<hbm>> -> memref<16xi32, #tpu.memory_space<hbm>>
      tpu.enqueue_dma source(%dma_start3A_50 : memref<16xi32, #tpu.memory_space<hbm>>) target(%arg13 : memref<16xi32, #tpu.memory_space<vmem>>) target_semaphore(%run_scoped3A : memref<!tpu.dma_semaphore, #tpu.memory_space<semaphore_mem>>)
      %dma_wait3A_51 = tpu.memref_slice %arg3[%add3A_32] : memref<320000xi32, #tpu.memory_space<hbm>> -> memref<16xi32, #tpu.memory_space<hbm>>
      %dma_wait3A_52 = tpu.memref_slice %arg3[%add3A_32] : memref<320000xi32, #tpu.memory_space<hbm>> -> memref<16xi32, #tpu.memory_space<hbm>>
      tpu.wait_dma2 semaphore(%run_scoped3A : memref<!tpu.dma_semaphore, #tpu.memory_space<semaphore_mem>>) src(%dma_wait3A_52 : memref<16xi32, #tpu.memory_space<hbm>>) dst(%arg13 : memref<16xi32, #tpu.memory_space<vmem>>)
      tpu.yield
    }) : () -> ()
    %dma_start3A_33 = arith.constant 0 : i32
    %dma_start3A_34 = arith.constant 0 : i32
    %dma_start3A_35 = tpu.memref_slice %arg4[%dma_start3A_33, %dma_start3A_34] : memref<10240x128xf32, #tpu.memory_space<hbm>> -> memref<10240x128xf32, #tpu.memory_space<hbm>>
    tpu.enqueue_indirect_dma source(%dma_start3A_35 : memref<10240x128xf32, #tpu.memory_space<hbm>>) target(%arg14 : memref<16x128xf32, #tpu.memory_space<vmem>>) offsets(%arg12 : memref<16xi32, #tpu.memory_space<vmem>>) semaphore(%arg15 : memref<!tpu.dma_semaphore, #tpu.memory_space<semaphore_mem>>)
    %dma_wait3A_36 = arith.constant 0 : i32
    %dma_wait3A_37 = arith.constant 0 : i32
    %dma_wait3A_38 = tpu.memref_slice %arg4[%dma_wait3A_36, %dma_wait3A_37] : memref<10240x128xf32, #tpu.memory_space<hbm>> -> memref<10240x128xf32, #tpu.memory_space<hbm>>
    tpu.wait_indirect_dma semaphore(%arg15 : memref<!tpu.dma_semaphore, #tpu.memory_space<semaphore_mem>>) src(%dma_wait3A_38 : memref<10240x128xf32, #tpu.memory_space<hbm>>) dst(%arg14 : memref<16x128xf32, #tpu.memory_space<vmem>>)
    "tpu.region"() ({
      %run_scoped3A = tpu.sem_alloc : memref<!tpu.dma_semaphore, #tpu.memory_space<semaphore_mem>>
      %dma_start3A_49 = arith.constant 0 : i32
      %dma_start3A_50 = arith.constant 0 : i32
      %dma_start3A_51 = tpu.memref_slice %arg17[%dma_start3A_49, %dma_start3A_50] : memref<10240x128xf32, #tpu.memory_space<vmem_shared>> -> memref<10240x128xf32, #tpu.memory_space<vmem_shared>>
      tpu.enqueue_indirect_dma source(%arg14 : memref<16x128xf32, #tpu.memory_space<vmem>>) target(%dma_start3A_51 : memref<10240x128xf32, #tpu.memory_space<vmem_shared>>) offsets(%arg13 : memref<16xi32, #tpu.memory_space<vmem>>) semaphore(%run_scoped3A : memref<!tpu.dma_semaphore, #tpu.memory_space<semaphore_mem>>) {add = true}
      %dma_wait3A_52 = arith.constant 0 : i32
      %dma_wait3A_53 = arith.constant 0 : i32
      %dma_wait3A_54 = tpu.memref_slice %arg17[%dma_wait3A_52, %dma_wait3A_53] : memref<10240x128xf32, #tpu.memory_space<vmem_shared>> -> memref<10240x128xf32, #tpu.memory_space<vmem_shared>>
      tpu.wait_indirect_dma semaphore(%run_scoped3A : memref<!tpu.dma_semaphore, #tpu.memory_space<semaphore_mem>>) src(%arg14 : memref<16x128xf32, #tpu.memory_space<vmem>>) dst(%dma_wait3A_54 : memref<10240x128xf32, #tpu.memory_space<vmem_shared>>)
      tpu.yield
    }) : () -> ()
    %barrier3A_39 = arith.constant 0 : index
    tpu.barrier barrier_id(%barrier3A_39)
    %mul3A_40 = arith.constant 640 : i32
    %mul3A_41 = arith.muli %arg1, %mul3A_40 : i32
    %eq3A = arith.constant 0 : i32
    %eq3A_42 = arith.cmpi eq, %arg0, %eq3A : i32
    %convert_element_type3A = arith.extui %eq3A_42 : i1 to i32
    %cond3A = arith.constant 0 : i32
    %cond3A_43 = arith.cmpi ne, %convert_element_type3A, %cond3A : i32
    scf.if %cond3A_43 {
      %run_scoped3A = arith.constant 0 : i32
      "tpu.region"() ({
        %run_scoped3A_49 = tpu.sem_alloc : memref<!tpu.dma_semaphore, #tpu.memory_space<semaphore_mem>>
        %dma_start3A_50 = arith.constant 0 : i32
        %dma_start3A_51 = tpu.memref_slice %arg5[%run_scoped3A, %mul3A_41, %dma_start3A_50] : memref<2x10240x128xf32, #tpu.memory_space<hbm>> -> memref<1x640x128xf32, #tpu.memory_space<hbm>>
        %dma_start3A_52 = tpu.memref_squeeze %dma_start3A_51 : memref<1x640x128xf32, #tpu.memory_space<hbm>> -> memref<640x128xf32, #tpu.memory_space<hbm>>
        %dma_start3A_53 = arith.constant 0 : i32
        %dma_start3A_54 = tpu.memref_slice %arg17[%mul3A_41, %dma_start3A_53] : memref<10240x128xf32, #tpu.memory_space<vmem_shared>> -> memref<640x128xf32, #tpu.memory_space<vmem_shared>>
        tpu.enqueue_dma source(%dma_start3A_54 : memref<640x128xf32, #tpu.memory_space<vmem_shared>>) target(%dma_start3A_52 : memref<640x128xf32, #tpu.memory_space<hbm>>) target_semaphore(%run_scoped3A_49 : memref<!tpu.dma_semaphore, #tpu.memory_space<semaphore_mem>>)
        %dma_wait3A_55 = arith.constant 0 : i32
        %dma_wait3A_56 = tpu.memref_slice %arg5[%run_scoped3A, %mul3A_41, %dma_wait3A_55] : memref<2x10240x128xf32, #tpu.memory_space<hbm>> -> memref<1x640x128xf32, #tpu.memory_space<hbm>>
        %dma_wait3A_57 = tpu.memref_squeeze %dma_wait3A_56 : memref<1x640x128xf32, #tpu.memory_space<hbm>> -> memref<640x128xf32, #tpu.memory_space<hbm>>
        %dma_wait3A_58 = arith.constant 0 : i32
        %dma_wait3A_59 = tpu.memref_slice %arg17[%mul3A_41, %dma_wait3A_58] : memref<10240x128xf32, #tpu.memory_space<vmem_shared>> -> memref<640x128xf32, #tpu.memory_space<vmem_shared>>
        tpu.wait_dma2 semaphore(%run_scoped3A_49 : memref<!tpu.dma_semaphore, #tpu.memory_space<semaphore_mem>>) src(%dma_wait3A_59 : memref<640x128xf32, #tpu.memory_space<vmem_shared>>) dst(%dma_wait3A_57 : memref<640x128xf32, #tpu.memory_space<hbm>>)
        tpu.yield
      }) : () -> ()
    } else {
    }
    %eq3A_44 = arith.constant 1 : i32
    %eq3A_45 = arith.cmpi eq, %arg0, %eq3A_44 : i32
    %convert_element_type3A_46 = arith.extui %eq3A_45 : i1 to i32
    %cond3A_47 = arith.constant 0 : i32
    %cond3A_48 = arith.cmpi ne, %convert_element_type3A_46, %cond3A_47 : i32
    scf.if %cond3A_48 {
      %run_scoped3A = arith.constant 1 : i32
      "tpu.region"() ({
        %run_scoped3A_49 = tpu.sem_alloc : memref<!tpu.dma_semaphore, #tpu.memory_space<semaphore_mem>>
        %dma_start3A_50 = arith.constant 0 : i32
        %dma_start3A_51 = tpu.memref_slice %arg5[%run_scoped3A, %mul3A_41, %dma_start3A_50] : memref<2x10240x128xf32, #tpu.memory_space<hbm>> -> memref<1x640x128xf32, #tpu.memory_space<hbm>>
        %dma_start3A_52 = tpu.memref_squeeze %dma_start3A_51 : memref<1x640x128xf32, #tpu.memory_space<hbm>> -> memref<640x128xf32, #tpu.memory_space<hbm>>
        %dma_start3A_53 = arith.constant 0 : i32
        %dma_start3A_54 = tpu.memref_slice %arg17[%mul3A_41, %dma_start3A_53] : memref<10240x128xf32, #tpu.memory_space<vmem_shared>> -> memref<640x128xf32, #tpu.memory_space<vmem_shared>>
        tpu.enqueue_dma source(%dma_start3A_54 : memref<640x128xf32, #tpu.memory_space<vmem_shared>>) target(%dma_start3A_52 : memref<640x128xf32, #tpu.memory_space<hbm>>) target_semaphore(%run_scoped3A_49 : memref<!tpu.dma_semaphore, #tpu.memory_space<semaphore_mem>>)
        %dma_wait3A_55 = arith.constant 0 : i32
        %dma_wait3A_56 = tpu.memref_slice %arg5[%run_scoped3A, %mul3A_41, %dma_wait3A_55] : memref<2x10240x128xf32, #tpu.memory_space<hbm>> -> memref<1x640x128xf32, #tpu.memory_space<hbm>>
        %dma_wait3A_57 = tpu.memref_squeeze %dma_wait3A_56 : memref<1x640x128xf32, #tpu.memory_space<hbm>> -> memref<640x128xf32, #tpu.memory_space<hbm>>
        %dma_wait3A_58 = arith.constant 0 : i32
        %dma_wait3A_59 = tpu.memref_slice %arg17[%mul3A_41, %dma_wait3A_58] : memref<10240x128xf32, #tpu.memory_space<vmem_shared>> -> memref<640x128xf32, #tpu.memory_space<vmem_shared>>
        tpu.wait_dma2 semaphore(%run_scoped3A_49 : memref<!tpu.dma_semaphore, #tpu.memory_space<semaphore_mem>>) src(%dma_wait3A_59 : memref<640x128xf32, #tpu.memory_space<vmem_shared>>) dst(%dma_wait3A_57 : memref<640x128xf32, #tpu.memory_space<hbm>>)
        tpu.yield
      }) : () -> ()
    } else {
    }
    return
  }
}

module attributes {stable_mosaic.version = 14 : i64} {
  func.func @_tc_post_body(%arg0: memref<2x10240x128xf32, #tpu.memory_space<vmem>>, %arg1: memref<10240x128xf32, #tpu.memory_space<vmem>>, %arg2: memref<10240x1xf32, #tpu.memory_space<vmem>>, %arg3: memref<1x128xf32, #tpu.memory_space<vmem>>, %arg4: memref<1x128xf32, #tpu.memory_space<vmem>>, %arg5: memref<1x128xf32, #tpu.memory_space<vmem>>, %arg6: memref<10240x128xf32, #tpu.memory_space<vmem>>) attributes {dimension_semantics = [], scalar_prefetch = 0 : i64, scratch_operands = 0 : i64, tpu.core_type = #tpu.core_type<tc>} {
    %get3A = arith.constant 0 : index
    %get3A_0 = arith.constant 0 : index
    %get3A_1 = vector.load %arg2[%get3A, %get3A_0] : memref<10240x1xf32, #tpu.memory_space<vmem>>, vector<10240x1xf32>
    %get3A_2 = arith.constant 0 : index
    %get3A_3 = arith.constant 0 : index
    %get3A_4 = arith.constant 0 : index
    %get3A_5 = vector.load %arg0[%get3A_2, %get3A_3, %get3A_4] : memref<2x10240x128xf32, #tpu.memory_space<vmem>>, vector<1x10240x128xf32>
    %get3A_6 = vector.shape_cast %get3A_5 : vector<1x10240x128xf32> to vector<10240x128xf32>
    %get3A_7 = arith.constant 1 : index
    %get3A_8 = arith.constant 0 : index
    %get3A_9 = arith.constant 0 : index
    %get3A_10 = vector.load %arg0[%get3A_7, %get3A_8, %get3A_9] : memref<2x10240x128xf32, #tpu.memory_space<vmem>>, vector<1x10240x128xf32>
    %get3A_11 = vector.shape_cast %get3A_10 : vector<1x10240x128xf32> to vector<10240x128xf32>
    %add3A = arith.addf %get3A_6, %get3A_11 : vector<10240x128xf32>
    %get3A_12 = arith.constant 0 : index
    %get3A_13 = arith.constant 0 : index
    %get3A_14 = vector.load %arg1[%get3A_12, %get3A_13] : memref<10240x128xf32, #tpu.memory_space<vmem>>, vector<10240x128xf32>
    %add3A_15 = arith.addf %add3A, %get3A_14 : vector<10240x128xf32>
    %mul3A = vector.broadcast %get3A_1 : vector<10240x1xf32> to vector<10240x128xf32>
    %mul3A_16 = arith.mulf %mul3A, %add3A_15 : vector<10240x128xf32>
    %get3A_17 = arith.constant 0 : index
    %get3A_18 = arith.constant 0 : index
    %get3A_19 = vector.load %arg3[%get3A_17, %get3A_18] : memref<1x128xf32, #tpu.memory_space<vmem>>, vector<1x128xf32>
    %add3A_20 = vector.broadcast %get3A_19 : vector<1x128xf32> to vector<10240x128xf32>
    %add3A_21 = arith.addf %mul3A_16, %add3A_20 : vector<10240x128xf32>
    %get3A_22 = arith.constant 0 : index
    %get3A_23 = arith.constant 0 : index
    %get3A_24 = vector.load %arg4[%get3A_22, %get3A_23] : memref<1x128xf32, #tpu.memory_space<vmem>>, vector<1x128xf32>
    %get3A_25 = arith.constant 0 : index
    %get3A_26 = arith.constant 0 : index
    %get3A_27 = vector.load %arg5[%get3A_25, %get3A_26] : memref<1x128xf32, #tpu.memory_space<vmem>>, vector<1x128xf32>
    %iota3A = tpu.iota {dimensions = array<i32: 0>} : vector<10240x1xi32>
    %lt3A = arith.constant 10000 : i32
    %lt3A_28 = vector.broadcast %lt3A : i32 to vector<10240x1xi32>
    %lt3A_29 = arith.cmpi slt, %iota3A, %lt3A_28 : vector<10240x1xi32>
    %convert_element_type3A = arith.extui %lt3A_29 : vector<10240x1xi1> to vector<10240x1xi32>
    %convert_element_type3A_30 = arith.sitofp %convert_element_type3A : vector<10240x1xi32> to vector<10240x1xf32>
    %mul3A_31 = vector.broadcast %convert_element_type3A_30 : vector<10240x1xf32> to vector<10240x128xf32>
    %mul3A_32 = arith.mulf %add3A_21, %mul3A_31 : vector<10240x128xf32>
    %reduce_sum3A = arith.constant dense<0.000000e+00> : vector<128xf32>
    %reduce_sum3A_33 = vector.multi_reduction <add>, %mul3A_32, %reduce_sum3A [0] : vector<10240x128xf32> to vector<128xf32>
    %broadcast_in_dim3A = vector.shape_cast %reduce_sum3A_33 : vector<128xf32> to vector<1x128xf32>
    %mul3A_34 = arith.constant 9.99999974E-5 : f32
    %mul3A_35 = vector.broadcast %mul3A_34 : f32 to vector<1x128xf32>
    %mul3A_36 = arith.mulf %broadcast_in_dim3A, %mul3A_35 : vector<1x128xf32>
    %sub3A = vector.broadcast %mul3A_36 : vector<1x128xf32> to vector<10240x128xf32>
    %sub3A_37 = arith.subf %mul3A_32, %sub3A : vector<10240x128xf32>
    %mul3A_38 = vector.broadcast %convert_element_type3A_30 : vector<10240x1xf32> to vector<10240x128xf32>
    %mul3A_39 = arith.mulf %sub3A_37, %mul3A_38 : vector<10240x128xf32>
    %mul3A_40 = arith.mulf %mul3A_39, %mul3A_39 : vector<10240x128xf32>
    %reduce_sum3A_41 = arith.constant dense<0.000000e+00> : vector<128xf32>
    %reduce_sum3A_42 = vector.multi_reduction <add>, %mul3A_40, %reduce_sum3A_41 [0] : vector<10240x128xf32> to vector<128xf32>
    %broadcast_in_dim3A_43 = vector.shape_cast %reduce_sum3A_42 : vector<128xf32> to vector<1x128xf32>
    %mul3A_44 = arith.constant 9.99999974E-5 : f32
    %mul3A_45 = vector.broadcast %mul3A_44 : f32 to vector<1x128xf32>
    %mul3A_46 = arith.mulf %broadcast_in_dim3A_43, %mul3A_45 : vector<1x128xf32>
    %sub3A_47 = vector.broadcast %mul3A_36 : vector<1x128xf32> to vector<10240x128xf32>
    %sub3A_48 = arith.subf %mul3A_32, %sub3A_47 : vector<10240x128xf32>
    %add3A_49 = arith.constant 9.99999974E-6 : f32
    %add3A_50 = vector.broadcast %add3A_49 : f32 to vector<1x128xf32>
    %add3A_51 = arith.addf %mul3A_46, %add3A_50 : vector<1x128xf32>
    %rsqrt3A = math.rsqrt %add3A_51 : vector<1x128xf32>
    %mul3A_52 = vector.broadcast %rsqrt3A : vector<1x128xf32> to vector<10240x128xf32>
    %mul3A_53 = arith.mulf %sub3A_48, %mul3A_52 : vector<10240x128xf32>
    %mul3A_54 = vector.broadcast %get3A_24 : vector<1x128xf32> to vector<10240x128xf32>
    %mul3A_55 = arith.mulf %mul3A_53, %mul3A_54 : vector<10240x128xf32>
    %add3A_56 = vector.broadcast %get3A_27 : vector<1x128xf32> to vector<10240x128xf32>
    %add3A_57 = arith.addf %mul3A_55, %add3A_56 : vector<10240x128xf32>
    %max3A = arith.constant 0.000000e+00 : f32
    %max3A_58 = vector.broadcast %max3A : f32 to vector<10240x128xf32>
    %max3A_59 = arith.maximumf %add3A_57, %max3A_58 : vector<10240x128xf32>
    %mul3A_60 = vector.broadcast %convert_element_type3A_30 : vector<10240x1xf32> to vector<10240x128xf32>
    %mul3A_61 = arith.mulf %max3A_59, %mul3A_60 : vector<10240x128xf32>
    %swap3A = arith.constant 0 : index
    %swap3A_62 = arith.constant 0 : index
    %swap3A_63 = vector.load %arg6[%swap3A, %swap3A_62] : memref<10240x128xf32, #tpu.memory_space<vmem>>, vector<10240x128xf32>
    tpu.vector_store %arg6[%swap3A, %swap3A_62], %mul3A_61 {strides = array<i32>} : memref<10240x128xf32, #tpu.memory_space<vmem>>, vector<10240x128xf32>,
    return
  }
}

module attributes {stable_mosaic.version = 14 : i64} {
  func.func @_tc1_body(%arg0: memref<10240x128xf32, #tpu.memory_space<vmem>>, %arg1: memref<128x128xf32, #tpu.memory_space<vmem>>, %arg2: memref<2x10240x128xf32, #tpu.memory_space<vmem>>, %arg3: memref<10240x128xf32, #tpu.memory_space<vmem>>, %arg4: memref<10240x1xf32, #tpu.memory_space<vmem>>) attributes {dimension_semantics = [], scalar_prefetch = 0 : i64, scratch_operands = 0 : i64, tpu.core_type = #tpu.core_type<tc>} {
    %get3A = arith.constant 0 : index
    %get3A_0 = arith.constant 0 : index
    %get3A_1 = arith.constant 0 : index
    %get3A_2 = vector.load %arg2[%get3A, %get3A_0, %get3A_1] : memref<2x10240x128xf32, #tpu.memory_space<vmem>>, vector<1x10240x128xf32>
    %get3A_3 = vector.shape_cast %get3A_2 : vector<1x10240x128xf32> to vector<10240x128xf32>
    %get3A_4 = arith.constant 1 : index
    %get3A_5 = arith.constant 0 : index
    %get3A_6 = arith.constant 0 : index
    %get3A_7 = vector.load %arg2[%get3A_4, %get3A_5, %get3A_6] : memref<2x10240x128xf32, #tpu.memory_space<vmem>>, vector<1x10240x128xf32>
    %get3A_8 = vector.shape_cast %get3A_7 : vector<1x10240x128xf32> to vector<10240x128xf32>
    %add3A = arith.addf %get3A_3, %get3A_8 : vector<10240x128xf32>
    %add3A_9 = arith.constant 1.000000e+00 : f32
    %add3A_10 = vector.broadcast %add3A_9 : f32 to vector<10240x128xf32>
    %add3A_11 = arith.addf %add3A, %add3A_10 : vector<10240x128xf32>
    %rsqrt3A = math.rsqrt %add3A_11 : vector<10240x128xf32>
    %slice3A = vector.extract_strided_slice %rsqrt3A {offsets = [0, 0], sizes = [10240, 1], strides = [1, 1]} : vector<10240x128xf32> to vector<10240x1xf32>
    %get3A_12 = arith.constant 0 : index
    %get3A_13 = arith.constant 0 : index
    %get3A_14 = vector.load %arg0[%get3A_12, %get3A_13] : memref<10240x128xf32, #tpu.memory_space<vmem>>, vector<10240x128xf32>
    %get3A_15 = arith.constant 0 : index
    %get3A_16 = arith.constant 0 : index
    %get3A_17 = vector.load %arg1[%get3A_15, %get3A_16] : memref<128x128xf32, #tpu.memory_space<vmem>>, vector<128x128xf32>
    %dot_general3A = arith.constant dense<0.000000e+00> : vector<10240x128xf32>
    %dot_general3A_18 = tpu.matmul %get3A_14, %get3A_17, %dot_general3A {dimension_numbers = #tpu.dot_dimension_numbers<[1], [0], [0], [1], [0, 0, 1, 1], [], []>, precision = #tpu.contract_precision<fp32>, transpose_lhs_hint = false} : vector<10240x128xf32>, vector<128x128xf32>, vector<10240x128xf32> -> vector<10240x128xf32>
    %mul3A = vector.broadcast %slice3A : vector<10240x1xf32> to vector<10240x128xf32>
    %mul3A_19 = arith.mulf %dot_general3A_18, %mul3A : vector<10240x128xf32>
    %swap3A = arith.constant 0 : index
    %swap3A_20 = arith.constant 0 : index
    %swap3A_21 = vector.load %arg3[%swap3A, %swap3A_20] : memref<10240x128xf32, #tpu.memory_space<vmem>>, vector<10240x128xf32>
    tpu.vector_store %arg3[%swap3A, %swap3A_20], %mul3A_19 {strides = array<i32>} : memref<10240x128xf32, #tpu.memory_space<vmem>>, vector<10240x128xf32>,
    %swap3A_22 = arith.constant 0 : index
    %swap3A_23 = arith.constant 0 : index
    %swap3A_24 = vector.load %arg4[%swap3A_22, %swap3A_23] : memref<10240x1xf32, #tpu.memory_space<vmem>>, vector<10240x1xf32>
    tpu.vector_store %arg4[%swap3A_22, %swap3A_23], %slice3A {strides = array<i32>} : memref<10240x1xf32, #tpu.memory_space<vmem>>, vector<10240x1xf32>,
    return
  }
}

module attributes {stable_mosaic.version = 14 : i64} {
  func.func @_tc_pre256_body(%arg0: memref<10240x128xf32, #tpu.memory_space<vmem>>, %arg1: memref<128x256xf32, #tpu.memory_space<vmem>>, %arg2: memref<10240x1xf32, #tpu.memory_space<vmem>>, %arg3: memref<10240x128xf32, #tpu.memory_space<vmem>>, %arg4: memref<10240x128xf32, #tpu.memory_space<vmem>>) attributes {dimension_semantics = [], scalar_prefetch = 0 : i64, scratch_operands = 0 : i64, tpu.core_type = #tpu.core_type<tc>} {
    %get3A = arith.constant 0 : index
    %get3A_0 = arith.constant 0 : index
    %get3A_1 = vector.load %arg0[%get3A, %get3A_0] : memref<10240x128xf32, #tpu.memory_space<vmem>>, vector<10240x128xf32>
    %get3A_2 = arith.constant 0 : index
    %get3A_3 = arith.constant 0 : index
    %get3A_4 = vector.load %arg1[%get3A_2, %get3A_3] : memref<128x256xf32, #tpu.memory_space<vmem>>, vector<128x256xf32>
    %dot_general3A = arith.constant dense<0.000000e+00> : vector<10240x256xf32>
    %dot_general3A_5 = tpu.matmul %get3A_1, %get3A_4, %dot_general3A {dimension_numbers = #tpu.dot_dimension_numbers<[1], [0], [0], [1], [0, 0, 1, 1], [], []>, precision = #tpu.contract_precision<fp32>, transpose_lhs_hint = false} : vector<10240x128xf32>, vector<128x256xf32>, vector<10240x256xf32> -> vector<10240x256xf32>
    %get3A_6 = arith.constant 0 : index
    %get3A_7 = arith.constant 0 : index
    %get3A_8 = vector.load %arg2[%get3A_6, %get3A_7] : memref<10240x1xf32, #tpu.memory_space<vmem>>, vector<10240x1xf32>
    %mul3A = vector.broadcast %get3A_8 : vector<10240x1xf32> to vector<10240x256xf32>
    %mul3A_9 = arith.mulf %dot_general3A_5, %mul3A : vector<10240x256xf32>
    %slice3A = vector.extract_strided_slice %mul3A_9 {offsets = [0, 0], sizes = [10240, 128], strides = [1, 1]} : vector<10240x256xf32> to vector<10240x128xf32>
    %swap3A = arith.constant 0 : index
    %swap3A_10 = arith.constant 0 : index
    %swap3A_11 = vector.load %arg3[%swap3A, %swap3A_10] : memref<10240x128xf32, #tpu.memory_space<vmem>>, vector<10240x128xf32>
    tpu.vector_store %arg3[%swap3A, %swap3A_10], %slice3A {strides = array<i32>} : memref<10240x128xf32, #tpu.memory_space<vmem>>, vector<10240x128xf32>,
    %slice3A_12 = vector.extract_strided_slice %mul3A_9 {offsets = [0, 128], sizes = [10240, 128], strides = [1, 1]} : vector<10240x256xf32> to vector<10240x128xf32>
    %swap3A_13 = arith.constant 0 : index
    %swap3A_14 = arith.constant 0 : index
    %swap3A_15 = vector.load %arg4[%swap3A_13, %swap3A_14] : memref<10240x128xf32, #tpu.memory_space<vmem>>, vector<10240x128xf32>
    tpu.vector_store %arg4[%swap3A_13, %swap3A_14], %slice3A_12 {strides = array<i32>} : memref<10240x128xf32, #tpu.memory_space<vmem>>, vector<10240x128xf32>,
    return
  }
}

module attributes {stable_mosaic.version = 14 : i64} {
  func.func @_tc_post_half_body(%arg0: memref<10240x128xf32, #tpu.memory_space<vmem>>, %arg1: memref<10240x128xf32, #tpu.memory_space<vmem>>, %arg2: memref<10240x1xf32, #tpu.memory_space<vmem>>, %arg3: memref<1x128xf32, #tpu.memory_space<vmem>>, %arg4: memref<1x128xf32, #tpu.memory_space<vmem>>, %arg5: memref<1x128xf32, #tpu.memory_space<vmem>>, %arg6: memref<10240x128xf32, #tpu.memory_space<vmem>>) attributes {dimension_semantics = [], scalar_prefetch = 0 : i64, scratch_operands = 0 : i64, tpu.core_type = #tpu.core_type<tc>} {
    %get3A = arith.constant 0 : index
    %get3A_0 = arith.constant 0 : index
    %get3A_1 = vector.load %arg2[%get3A, %get3A_0] : memref<10240x1xf32, #tpu.memory_space<vmem>>, vector<10240x1xf32>
    %get3A_2 = arith.constant 0 : index
    %get3A_3 = arith.constant 0 : index
    %get3A_4 = vector.load %arg0[%get3A_2, %get3A_3] : memref<10240x128xf32, #tpu.memory_space<vmem>>, vector<10240x128xf32>
    %get3A_5 = arith.constant 0 : index
    %get3A_6 = arith.constant 0 : index
    %get3A_7 = vector.load %arg1[%get3A_5, %get3A_6] : memref<10240x128xf32, #tpu.memory_space<vmem>>, vector<10240x128xf32>
    %add3A = arith.addf %get3A_4, %get3A_7 : vector<10240x128xf32>
    %mul3A = vector.broadcast %get3A_1 : vector<10240x1xf32> to vector<10240x128xf32>
    %mul3A_8 = arith.mulf %mul3A, %add3A : vector<10240x128xf32>
    %get3A_9 = arith.constant 0 : index
    %get3A_10 = arith.constant 0 : index
    %get3A_11 = vector.load %arg3[%get3A_9, %get3A_10] : memref<1x128xf32, #tpu.memory_space<vmem>>, vector<1x128xf32>
    %add3A_12 = vector.broadcast %get3A_11 : vector<1x128xf32> to vector<10240x128xf32>
    %add3A_13 = arith.addf %mul3A_8, %add3A_12 : vector<10240x128xf32>
    %get3A_14 = arith.constant 0 : index
    %get3A_15 = arith.constant 0 : index
    %get3A_16 = vector.load %arg4[%get3A_14, %get3A_15] : memref<1x128xf32, #tpu.memory_space<vmem>>, vector<1x128xf32>
    %get3A_17 = arith.constant 0 : index
    %get3A_18 = arith.constant 0 : index
    %get3A_19 = vector.load %arg5[%get3A_17, %get3A_18] : memref<1x128xf32, #tpu.memory_space<vmem>>, vector<1x128xf32>
    %iota3A = tpu.iota {dimensions = array<i32: 0>} : vector<10240x1xi32>
    %lt3A = arith.constant 10000 : i32
    %lt3A_20 = vector.broadcast %lt3A : i32 to vector<10240x1xi32>
    %lt3A_21 = arith.cmpi slt, %iota3A, %lt3A_20 : vector<10240x1xi32>
    %convert_element_type3A = arith.extui %lt3A_21 : vector<10240x1xi1> to vector<10240x1xi32>
    %convert_element_type3A_22 = arith.sitofp %convert_element_type3A : vector<10240x1xi32> to vector<10240x1xf32>
    %mul3A_23 = vector.broadcast %convert_element_type3A_22 : vector<10240x1xf32> to vector<10240x128xf32>
    %mul3A_24 = arith.mulf %add3A_13, %mul3A_23 : vector<10240x128xf32>
    %reduce_sum3A = arith.constant dense<0.000000e+00> : vector<128xf32>
    %reduce_sum3A_25 = vector.multi_reduction <add>, %mul3A_24, %reduce_sum3A [0] : vector<10240x128xf32> to vector<128xf32>
    %broadcast_in_dim3A = vector.shape_cast %reduce_sum3A_25 : vector<128xf32> to vector<1x128xf32>
    %mul3A_26 = arith.constant 9.99999974E-5 : f32
    %mul3A_27 = vector.broadcast %mul3A_26 : f32 to vector<1x128xf32>
    %mul3A_28 = arith.mulf %broadcast_in_dim3A, %mul3A_27 : vector<1x128xf32>
    %sub3A = vector.broadcast %mul3A_28 : vector<1x128xf32> to vector<10240x128xf32>
    %sub3A_29 = arith.subf %mul3A_24, %sub3A : vector<10240x128xf32>
    %mul3A_30 = vector.broadcast %convert_element_type3A_22 : vector<10240x1xf32> to vector<10240x128xf32>
    %mul3A_31 = arith.mulf %sub3A_29, %mul3A_30 : vector<10240x128xf32>
    %mul3A_32 = arith.mulf %mul3A_31, %mul3A_31 : vector<10240x128xf32>
    %reduce_sum3A_33 = arith.constant dense<0.000000e+00> : vector<128xf32>
    %reduce_sum3A_34 = vector.multi_reduction <add>, %mul3A_32, %reduce_sum3A_33 [0] : vector<10240x128xf32> to vector<128xf32>
    %broadcast_in_dim3A_35 = vector.shape_cast %reduce_sum3A_34 : vector<128xf32> to vector<1x128xf32>
    %mul3A_36 = arith.constant 9.99999974E-5 : f32
    %mul3A_37 = vector.broadcast %mul3A_36 : f32 to vector<1x128xf32>
    %mul3A_38 = arith.mulf %broadcast_in_dim3A_35, %mul3A_37 : vector<1x128xf32>
    %sub3A_39 = vector.broadcast %mul3A_28 : vector<1x128xf32> to vector<10240x128xf32>
    %sub3A_40 = arith.subf %mul3A_24, %sub3A_39 : vector<10240x128xf32>
    %add3A_41 = arith.constant 9.99999974E-6 : f32
    %add3A_42 = vector.broadcast %add3A_41 : f32 to vector<1x128xf32>
    %add3A_43 = arith.addf %mul3A_38, %add3A_42 : vector<1x128xf32>
    %rsqrt3A = math.rsqrt %add3A_43 : vector<1x128xf32>
    %mul3A_44 = vector.broadcast %rsqrt3A : vector<1x128xf32> to vector<10240x128xf32>
    %mul3A_45 = arith.mulf %sub3A_40, %mul3A_44 : vector<10240x128xf32>
    %mul3A_46 = vector.broadcast %get3A_16 : vector<1x128xf32> to vector<10240x128xf32>
    %mul3A_47 = arith.mulf %mul3A_45, %mul3A_46 : vector<10240x128xf32>
    %add3A_48 = vector.broadcast %get3A_19 : vector<1x128xf32> to vector<10240x128xf32>
    %add3A_49 = arith.addf %mul3A_47, %add3A_48 : vector<10240x128xf32>
    %max3A = arith.constant 0.000000e+00 : f32
    %max3A_50 = vector.broadcast %max3A : f32 to vector<10240x128xf32>
    %max3A_51 = arith.maximumf %add3A_49, %max3A_50 : vector<10240x128xf32>
    %mul3A_52 = vector.broadcast %convert_element_type3A_22 : vector<10240x1xf32> to vector<10240x128xf32>
    %mul3A_53 = arith.mulf %max3A_51, %mul3A_52 : vector<10240x128xf32>
    %swap3A = arith.constant 0 : index
    %swap3A_54 = arith.constant 0 : index
    %swap3A_55 = vector.load %arg6[%swap3A, %swap3A_54] : memref<10240x128xf32, #tpu.memory_space<vmem>>, vector<10240x128xf32>
    tpu.vector_store %arg6[%swap3A, %swap3A_54], %mul3A_53 {strides = array<i32>} : memref<10240x128xf32, #tpu.memory_space<vmem>>, vector<10240x128xf32>,
    return
  }
}

module attributes {stable_mosaic.version = 14 : i64} {
  func.func @_tc_pre_cat_body(%arg0: memref<10240x128xf32, #tpu.memory_space<vmem>>, %arg1: memref<10240x128xf32, #tpu.memory_space<vmem>>, %arg2: memref<256x128xf32, #tpu.memory_space<vmem>>, %arg3: memref<10240x1xf32, #tpu.memory_space<vmem>>, %arg4: memref<10240x128xf32, #tpu.memory_space<vmem>>) attributes {dimension_semantics = [], scalar_prefetch = 0 : i64, scratch_operands = 0 : i64, tpu.core_type = #tpu.core_type<tc>} {
    %get3A = arith.constant 0 : index
    %get3A_0 = arith.constant 0 : index
    %get3A_1 = vector.load %arg0[%get3A, %get3A_0] : memref<10240x128xf32, #tpu.memory_space<vmem>>, vector<10240x128xf32>
    %get3A_2 = arith.constant 0 : index
    %get3A_3 = arith.constant 0 : index
    %get3A_4 = vector.load %arg2[%get3A_2, %get3A_3] : memref<256x128xf32, #tpu.memory_space<vmem>>, vector<128x128xf32>
    %dot_general3A = arith.constant dense<0.000000e+00> : vector<10240x128xf32>
    %dot_general3A_5 = tpu.matmul %get3A_1, %get3A_4, %dot_general3A {dimension_numbers = #tpu.dot_dimension_numbers<[1], [0], [0], [1], [0, 0, 1, 1], [], []>, precision = #tpu.contract_precision<fp32>, transpose_lhs_hint = false} : vector<10240x128xf32>, vector<128x128xf32>, vector<10240x128xf32> -> vector<10240x128xf32>
    %get3A_6 = arith.constant 0 : index
    %get3A_7 = arith.constant 0 : index
    %get3A_8 = vector.load %arg1[%get3A_6, %get3A_7] : memref<10240x128xf32, #tpu.memory_space<vmem>>, vector<10240x128xf32>
    %get3A_9 = arith.constant 128 : index
    %get3A_10 = arith.constant 0 : index
    %get3A_11 = vector.load %arg2[%get3A_9, %get3A_10] : memref<256x128xf32, #tpu.memory_space<vmem>>, vector<128x128xf32>
    %dot_general3A_12 = arith.constant dense<0.000000e+00> : vector<10240x128xf32>
    %dot_general3A_13 = tpu.matmul %get3A_8, %get3A_11, %dot_general3A_12 {dimension_numbers = #tpu.dot_dimension_numbers<[1], [0], [0], [1], [0, 0, 1, 1], [], []>, precision = #tpu.contract_precision<fp32>, transpose_lhs_hint = false} : vector<10240x128xf32>, vector<128x128xf32>, vector<10240x128xf32> -> vector<10240x128xf32>
    %add3A = arith.addf %dot_general3A_5, %dot_general3A_13 : vector<10240x128xf32>
    %get3A_14 = arith.constant 0 : index
    %get3A_15 = arith.constant 0 : index
    %get3A_16 = vector.load %arg3[%get3A_14, %get3A_15] : memref<10240x1xf32, #tpu.memory_space<vmem>>, vector<10240x1xf32>
    %mul3A = vector.broadcast %get3A_16 : vector<10240x1xf32> to vector<10240x128xf32>
    %mul3A_17 = arith.mulf %add3A, %mul3A : vector<10240x128xf32>
    %swap3A = arith.constant 0 : index
    %swap3A_18 = arith.constant 0 : index
    %swap3A_19 = vector.load %arg4[%swap3A, %swap3A_18] : memref<10240x128xf32, #tpu.memory_space<vmem>>, vector<10240x128xf32>
    tpu.vector_store %arg4[%swap3A, %swap3A_18], %mul3A_17 {strides = array<i32>} : memref<10240x128xf32, #tpu.memory_space<vmem>>, vector<10240x128xf32>,
    return
  }
}

module attributes {stable_mosaic.version = 14 : i64} {
  func.func @_tc_post_final_body(%arg0: memref<2x10240x128xf32, #tpu.memory_space<vmem>>, %arg1: memref<10240x128xf32, #tpu.memory_space<vmem>>, %arg2: memref<10240x1xf32, #tpu.memory_space<vmem>>, %arg3: memref<1x128xf32, #tpu.memory_space<vmem>>, %arg4: memref<1x128xf32, #tpu.memory_space<vmem>>, %arg5: memref<1x128xf32, #tpu.memory_space<vmem>>, %arg6: memref<10000x128xf32, #tpu.memory_space<vmem>>) attributes {dimension_semantics = [], scalar_prefetch = 0 : i64, scratch_operands = 0 : i64, tpu.core_type = #tpu.core_type<tc>} {
    %get3A = arith.constant 0 : index
    %get3A_0 = arith.constant 0 : index
    %get3A_1 = vector.load %arg2[%get3A, %get3A_0] : memref<10240x1xf32, #tpu.memory_space<vmem>>, vector<10240x1xf32>
    %get3A_2 = arith.constant 0 : index
    %get3A_3 = arith.constant 0 : index
    %get3A_4 = arith.constant 0 : index
    %get3A_5 = vector.load %arg0[%get3A_2, %get3A_3, %get3A_4] : memref<2x10240x128xf32, #tpu.memory_space<vmem>>, vector<1x10240x128xf32>
    %get3A_6 = vector.shape_cast %get3A_5 : vector<1x10240x128xf32> to vector<10240x128xf32>
    %get3A_7 = arith.constant 1 : index
    %get3A_8 = arith.constant 0 : index
    %get3A_9 = arith.constant 0 : index
    %get3A_10 = vector.load %arg0[%get3A_7, %get3A_8, %get3A_9] : memref<2x10240x128xf32, #tpu.memory_space<vmem>>, vector<1x10240x128xf32>
    %get3A_11 = vector.shape_cast %get3A_10 : vector<1x10240x128xf32> to vector<10240x128xf32>
    %add3A = arith.addf %get3A_6, %get3A_11 : vector<10240x128xf32>
    %get3A_12 = arith.constant 0 : index
    %get3A_13 = arith.constant 0 : index
    %get3A_14 = vector.load %arg1[%get3A_12, %get3A_13] : memref<10240x128xf32, #tpu.memory_space<vmem>>, vector<10240x128xf32>
    %add3A_15 = arith.addf %add3A, %get3A_14 : vector<10240x128xf32>
    %mul3A = vector.broadcast %get3A_1 : vector<10240x1xf32> to vector<10240x128xf32>
    %mul3A_16 = arith.mulf %mul3A, %add3A_15 : vector<10240x128xf32>
    %get3A_17 = arith.constant 0 : index
    %get3A_18 = arith.constant 0 : index
    %get3A_19 = vector.load %arg3[%get3A_17, %get3A_18] : memref<1x128xf32, #tpu.memory_space<vmem>>, vector<1x128xf32>
    %add3A_20 = vector.broadcast %get3A_19 : vector<1x128xf32> to vector<10240x128xf32>
    %add3A_21 = arith.addf %mul3A_16, %add3A_20 : vector<10240x128xf32>
    %get3A_22 = arith.constant 0 : index
    %get3A_23 = arith.constant 0 : index
    %get3A_24 = vector.load %arg4[%get3A_22, %get3A_23] : memref<1x128xf32, #tpu.memory_space<vmem>>, vector<1x128xf32>
    %get3A_25 = arith.constant 0 : index
    %get3A_26 = arith.constant 0 : index
    %get3A_27 = vector.load %arg5[%get3A_25, %get3A_26] : memref<1x128xf32, #tpu.memory_space<vmem>>, vector<1x128xf32>
    %iota3A = tpu.iota {dimensions = array<i32: 0>} : vector<10240x1xi32>
    %lt3A = arith.constant 10000 : i32
    %lt3A_28 = vector.broadcast %lt3A : i32 to vector<10240x1xi32>
    %lt3A_29 = arith.cmpi slt, %iota3A, %lt3A_28 : vector<10240x1xi32>
    %convert_element_type3A = arith.extui %lt3A_29 : vector<10240x1xi1> to vector<10240x1xi32>
    %convert_element_type3A_30 = arith.sitofp %convert_element_type3A : vector<10240x1xi32> to vector<10240x1xf32>
    %mul3A_31 = vector.broadcast %convert_element_type3A_30 : vector<10240x1xf32> to vector<10240x128xf32>
    %mul3A_32 = arith.mulf %add3A_21, %mul3A_31 : vector<10240x128xf32>
    %reduce_sum3A = arith.constant dense<0.000000e+00> : vector<128xf32>
    %reduce_sum3A_33 = vector.multi_reduction <add>, %mul3A_32, %reduce_sum3A [0] : vector<10240x128xf32> to vector<128xf32>
    %broadcast_in_dim3A = vector.shape_cast %reduce_sum3A_33 : vector<128xf32> to vector<1x128xf32>
    %mul3A_34 = arith.constant 9.99999974E-5 : f32
    %mul3A_35 = vector.broadcast %mul3A_34 : f32 to vector<1x128xf32>
    %mul3A_36 = arith.mulf %broadcast_in_dim3A, %mul3A_35 : vector<1x128xf32>
    %sub3A = vector.broadcast %mul3A_36 : vector<1x128xf32> to vector<10240x128xf32>
    %sub3A_37 = arith.subf %mul3A_32, %sub3A : vector<10240x128xf32>
    %mul3A_38 = vector.broadcast %convert_element_type3A_30 : vector<10240x1xf32> to vector<10240x128xf32>
    %mul3A_39 = arith.mulf %sub3A_37, %mul3A_38 : vector<10240x128xf32>
    %mul3A_40 = arith.mulf %mul3A_39, %mul3A_39 : vector<10240x128xf32>
    %reduce_sum3A_41 = arith.constant dense<0.000000e+00> : vector<128xf32>
    %reduce_sum3A_42 = vector.multi_reduction <add>, %mul3A_40, %reduce_sum3A_41 [0] : vector<10240x128xf32> to vector<128xf32>
    %broadcast_in_dim3A_43 = vector.shape_cast %reduce_sum3A_42 : vector<128xf32> to vector<1x128xf32>
    %mul3A_44 = arith.constant 9.99999974E-5 : f32
    %mul3A_45 = vector.broadcast %mul3A_44 : f32 to vector<1x128xf32>
    %mul3A_46 = arith.mulf %broadcast_in_dim3A_43, %mul3A_45 : vector<1x128xf32>
    %sub3A_47 = vector.broadcast %mul3A_36 : vector<1x128xf32> to vector<10240x128xf32>
    %sub3A_48 = arith.subf %mul3A_32, %sub3A_47 : vector<10240x128xf32>
    %add3A_49 = arith.constant 9.99999974E-6 : f32
    %add3A_50 = vector.broadcast %add3A_49 : f32 to vector<1x128xf32>
    %add3A_51 = arith.addf %mul3A_46, %add3A_50 : vector<1x128xf32>
    %rsqrt3A = math.rsqrt %add3A_51 : vector<1x128xf32>
    %mul3A_52 = vector.broadcast %rsqrt3A : vector<1x128xf32> to vector<10240x128xf32>
    %mul3A_53 = arith.mulf %sub3A_48, %mul3A_52 : vector<10240x128xf32>
    %mul3A_54 = vector.broadcast %get3A_24 : vector<1x128xf32> to vector<10240x128xf32>
    %mul3A_55 = arith.mulf %mul3A_53, %mul3A_54 : vector<10240x128xf32>
    %add3A_56 = vector.broadcast %get3A_27 : vector<1x128xf32> to vector<10240x128xf32>
    %add3A_57 = arith.addf %mul3A_55, %add3A_56 : vector<10240x128xf32>
    %mul3A_58 = vector.broadcast %convert_element_type3A_30 : vector<10240x1xf32> to vector<10240x128xf32>
    %mul3A_59 = arith.mulf %add3A_57, %mul3A_58 : vector<10240x128xf32>
    %slice3A = vector.extract_strided_slice %mul3A_59 {offsets = [0, 0], sizes = [10000, 128], strides = [1, 1]} : vector<10240x128xf32> to vector<10000x128xf32>
    %swap3A = arith.constant 0 : index
    %swap3A_60 = arith.constant 0 : index
    %swap3A_61 = vector.load %arg6[%swap3A, %swap3A_60] : memref<10000x128xf32, #tpu.memory_space<vmem>>, vector<10000x128xf32>
    tpu.vector_store %arg6[%swap3A, %swap3A_60], %slice3A {strides = array<i32>} : memref<10000x128xf32, #tpu.memory_space<vmem>>, vector<10000x128xf32>,
    return
  }
}

</mosaic_0001>

<sc_bundles>
// kernel: kernel.13.cloned.1.call-start
scs
__scs_entry_jumppad:
0x0: {  	(pc) =	sbr.rel $0x88, $3  }
0x1: {  	(tag) =	ssettag $0x0;
	lr =	simm.s32 $0x1  }
0x2: {  	[smem:$0x3F93] =	sst lr;
	_ =	strace $0xD0000000  }
0x3: {  	_ = 	snop  }
0x4: {  	_ = 	snop  }
0x5: {  	_ = 	snop  }
0x6: {  	_ = 	snop  }
0x7: {  	_ = 	snop  }
__scs_overlays_trampoline_lowered:
0x8: {  	[smem:$0x3FA2] =	sst s0  }
0x9: {  	[smem:$0x3FA3] =	sst s1  }
0xa: {  	[smem:$0x3FA4] =	sst s2  }
0xb: {  	[smem:$0x3FA5] =	sst s3  }
0xc: {  	[smem:$0x3FA6] =	sst s4  }
0xd: {  	[smem:$0x3FA7] =	sst s5  }
0xe: {  	[smem:$0x3FA8] =	sst s6  }
0xf: {  	[smem:$0x3FA9] =	sst s7  }
0x10: {  	[smem:$0x3FAA] =	sst s8  }
0x11: {  	[smem:$0x3FAB] =	sst s9;
	s0 =	simm.s32 @!p0 $0x0  }
0x12: {  	s1 =	sld [smem:$0x3F91];
	s0 =	simm.s32 @p0 $0x1  }
0x13: {  	[smem:$0x3FAC] =	sst s0;
	s0 =	simm.s32 @!p1 $0x0  }
0x14: {  	s2 =	sld [smem:$0x3F90];
	s0 =	simm.s32 @p1 $0x1  }
0x15: {  	[smem:$0x3FAD] =	sst s0;
	s0 =	simm.s32 @!p2 $0x0  }
0x16: {  	s3 =	sld [smem:$0x3FDB];
	s0 =	simm.s32 @p2 $0x1  }
0x17: {  	s4 =	simm.s32 $0x1BF5;
	[smem:$0x3FAF] =	sst s0  }
0x18: {  	s0 =	sld [smem:$0x3F92];
	_ =	swait.ge [sflag:s4], $0x0  }
0x19: {  	s7 =	sld [smem:$0x3F93]  }
0x1a: {  	s8 =	sadd.s32 $0xFFFFE003, lr  }
0x1b: {  	s9 =	sadd.s32 $0xFFFFFEF7, lr;
	s5 =	simm.s32 $0xFFFFFFFF;
	p2 =	slt.u32 s8, $0xFFFFF086  }
0x1c: {  	p1 =	slt.u32 s9, $0xF7A;
	s5 =	simm.s32 @!p2 $0x0  }
0x1d: {  	s5 =	simm.s32 @p1 $0x1;
	p0 =	seq.s32 s7, s2  }
0x1e: {  	s7 =	smul.u32 @!p0 $0xF7A, s2;
	p2 =	seq.s32 @!p0 s5, $0x0  }
0x1f: {  	s9 =	smul.u32 $0xF7A, s1;
	s8 =	simm.s32 @!p0 $0x1BF5;
	p2 =	por !p2, p0  }
0x20: {  	[sflag:s8] =	ssyncset.s32 @!p0 $0xFFFFF086;
	s6 =	sadd.s32 @!p0 s3, s7;
	s7 =	simm.s32 @!p0 $0x108  }
0x21: {  	s3 =	sadd.s32 s3, s9;
	s6 =	sadd.s32 @!p0 $0x88, s6;
	s7 =	simm.s32 @p2 $0x1082  }
0x22: {  	[simem:s7], [sflag:s8] =	dma.local @!p0 [hbm:s6], $0xF7A  }
0x23: {  	s9 =	sor.u32 $0xD0000000, s2;
	s6 =	simm.s32 $0x108;
	_ =	swait.ge @!p0 [sflag:s8], $0x0  }
0x24: {  	s3 =	sadd.s32 $0x88, s3;
	s6 =	simm.s32 @!p1 $0x1082;
	[sflag:s4] =	ssyncset.s32 $0xFFFFF086  }
0x25: {  	[simem:s6], [sflag:s4] =	dma.local [hbm:s3], $0xF7A  }
0x26: {  	[smem:$0x3F93] =	sst s1;
	(tag) =	ssettag s2;
	_ =	strace s9  }
0x27: {  	s1 =	sld [smem:$0x3FA3]  }
0x28: {  	s2 =	sld [smem:$0x3FA4]  }
0x29: {  	s4 =	sld [smem:$0x3FA6]  }
0x2a: {  	p0 =	seq.s32 s5, $0x0;
	s5 =	sld [smem:$0x3FA7]  }
0x2b: {  	s6 =	sld [smem:$0x3FA8]  }
0x2c: {  	s7 =	sld [smem:$0x3FA9]  }
0x2d: {  	s3 =	simm.s32 $0x108;
	s8 =	sld [smem:$0x3FAA]  }
0x2e: {  	s3 =	simm.s32 @!p0 $0x1082;
	s9 =	sld [smem:$0x3FAB]  }
0x2f: {  	lr =	sadd.s32 s0, s3;
	s0 =	sld [smem:$0x3FA2]  }
0x30: {  	s3 =	sld [smem:$0x3FA5]  }
0x31: {  	[smem:$0x3FAE] =	sst s10  }
0x32: {  	s10 =	sld [smem:$0x3FAC];
	_ =	sdelay $0x3  }
0x33: {  	p0 =	seq.s32 s10, $0x1;
	s10 =	sld [smem:$0x3FAE];
	_ =	sdelay $0x3  }
0x34: {  	[smem:$0x3FAE] =	sst s10  }
0x35: {  	s10 =	sld [smem:$0x3FAD];
	_ =	sdelay $0x3  }
0x36: {  	p1 =	seq.s32 s10, $0x1;
	s10 =	sld [smem:$0x3FAE];
	_ =	sdelay $0x3  }
0x37: {  	[smem:$0x3FAE] =	sst s10  }
0x38: {  	s10 =	sld [smem:$0x3FAF]  }
0x39: {  	_ = 	snop;
	(pc) =	sbr.ind lr, $3  }
0x3a: {  	_ = 	snop  }
0x3b: {  	_ = 	snop  }
0x3c: {  	p2 =	seq.s32 s10, $0x1;
	s10 =	sld [smem:$0x3FAE]  }
0x3d: {  	_ =	shalt  }
0x3e: {  	_ =	shalt  }
0x3f: {  	_ =	shalt  }
0x40: {  	_ =	shalt  }
0x41: {  	_ =	shalt  }
0x42: {  	_ =	shalt  }
0x43: {  	_ =	shalt  }
0x44: {  	_ =	shalt  }
0x45: {  	_ =	shalt  }
0x46: {  	_ =	shalt  }
0x47: {  	_ =	shalt  }
0x48: {  	_ =	shalt  }
0x49: {  	_ =	shalt  }
0x4a: {  	_ =	shalt  }
0x4b: {  	_ =	shalt  }
0x4c: {  	_ =	shalt  }
0x4d: {  	_ =	shalt  }
0x4e: {  	_ =	shalt  }
0x4f: {  	_ =	shalt  }
0x50: {  	_ =	shalt  }
0x51: {  	_ =	shalt  }
0x52: {  	_ =	shalt  }
0x53: {  	_ =	shalt  }
0x54: {  	_ =	shalt  }
0x55: {  	_ =	shalt  }
0x56: {  	_ =	shalt  }
0x57: {  	_ =	shalt  }
0x58: {  	_ =	shalt  }
0x59: {  	_ =	shalt  }
0x5a: {  	_ =	shalt  }
0x5b: {  	_ =	shalt  }
0x5c: {  	_ =	shalt  }
0x5d: {  	_ =	shalt  }
0x5e: {  	_ =	shalt  }
0x5f: {  	_ =	shalt  }
0x60: {  	_ =	shalt  }
0x61: {  	_ =	shalt  }
0x62: {  	_ =	shalt  }
0x63: {  	_ =	shalt  }
0x64: {  	_ =	shalt  }
0x65: {  	_ =	shalt  }
0x66: {  	_ =	shalt  }
0x67: {  	_ =	shalt  }
0x68: {  	_ =	shalt  }
0x69: {  	_ =	shalt  }
0x6a: {  	_ =	shalt  }
0x6b: {  	_ =	shalt  }
0x6c: {  	_ =	shalt  }
0x6d: {  	_ =	shalt  }
0x6e: {  	_ =	shalt  }
0x6f: {  	_ =	shalt  }
0x70: {  	_ =	shalt  }
0x71: {  	_ =	shalt  }
0x72: {  	_ =	shalt  }
0x73: {  	_ =	shalt  }
0x74: {  	_ =	shalt  }
0x75: {  	_ =	shalt  }
0x76: {  	_ =	shalt  }
0x77: {  	_ =	shalt  }
0x78: {  	_ =	shalt  }
0x79: {  	_ =	shalt  }
0x7a: {  	_ =	shalt  }
0x7b: {  	_ =	shalt  }
0x7c: {  	_ =	shalt  }
0x7d: {  	_ =	shalt  }
0x7e: {  	_ =	shalt  }
0x7f: {  	_ =	shalt  }
0x80: {  	_ =	shalt  }
0x81: {  	_ =	shalt  }
0x82: {  	_ =	shalt  }
0x83: {  	_ =	shalt  }
0x84: {  	_ =	shalt  }
0x85: {  	_ =	shalt  }
0x86: {  	_ =	shalt  }
0x87: {  	_ =	shalt  }
.Lfunc_end0:
.L_simem_size_0:
called_computation_lowered:
.L_overlay_start_0:
0x88: {  	s2 =	sld [smem:$0x3FD9]  }
0x89: {  	s3 =	sld [smem:$0x3FFE];
	_ =	sdelay $0x1  }
0x8a: {  	s1 =	srdreg.scid  }
0x8b: {  	s0 =	sand.u32 $0x1, s1  }
0x8c: {  	s17 =	sshll.u32 s0, $0xA;
	s2 =	sadd.s32 s3, s2  }
0x8d: {  	s2 =	sadd.s32 s2, s17  }
0x8e: {  	[smem:$0x3FBA] =	sst s2  }
0x8f: {  	_ = 	snop  }
0x90: {  	s2 =	sld [smem:$0x3FD0];
	(tm) =	ssettm $0x1  }
0x91: {  	s18 =	sld [smem:$0x3FFB];
	_ =	sdelay $0x3  }
0x92: {  	_ =	strace s18  }
0x93: {  	s3 =	sld [smem:$0x3FFC];
	_ =	sdelay $0x3  }
0x94: {  	_ =	strace s3  }
0x95: {  	s3 =	sld [smem:$0x3FFD];
	_ =	sdelay $0x3  }
0x96: {  	_ =	strace s3  }
0x97: {  	_ =	strace $0x8FFFFFFF  }
0x98: {  	s19 =	sld [smem:$0x3FDB];
	_ =	sdelay $0x1  }
0x99: {  	s4 =	simm.s32 $_scs_section_size  }
0x9a: {  	s5 =	simm.s32 $_size__tile_overlayer_lowered;
	s6 =	simm.s32 $_tile_overlayer_lowered  }
0x9b: {  	s22 =	simm.s32 $0x1BFF;
	s21 =	sshll.u32 s6, $0x1;
	s3 =	sadd.s32 s4, s19  }
0x9c: {  	s7 =	simm.s32 $0x0;
	s20 =	sshll.u32 s5, $0x1;
	s5 =	sadd.s32 s21, s3  }
0x9d: {  	[timem:s7], [sflag:s22] =	dma.local [hbm:s5], s20  }
0x9e: {  	_ =	swait.ge [sflag:s22], s20  }
0x9f: {  	s4 =	ssub.s32 $0x0, s20;
	[sflag:s22] =	ssyncset.done $0x0  }
0xa0: {  	[sflag:s22] =	ssyncadd.s32 s4;
	_ =	sdelay $0x1  }
0xa1: {  	s23 =	simm.s32 $0x1B8B  }
0xa2: {  	_ =	swait.ge [sflag:s23], $0x1  }
0xa3: {  	[sflag:s23] =	ssyncset.done $0x0  }
0xa4: {  	s25 =	simm.s32 $0x1B8E;
	s24 =	sld [smem:$0x3FFE];
	[sflag:s23] =	ssyncadd.s32 $0xFFFFFFFF  }
0xa5: {  	s26 =	simm.s32 $execute0_lowered;
	[smem:$0x3FD2] =	sst s25  }
0xa6: {  	s5 =	sshll.u32 s26, $0x1;
	_ =	strace $0x80000046;
	[dreg:$0x1] =	wrdreg $0xFFFFFFFF  }
0xa7: {  	s28 =	simm.s32 $_size_execute0_lowered;
	s3 =	sadd.s32 s3, s5;
	[dreg:$0x0] =	wrdreg $0x0  }
0xa8: {  	s5 =	sshll.u32 s28, $0x1;
	[dreg:$0x2] =	wrdreg s3  }
0xa9: {  	[dreg:$0x3] =	wrdreg s5  }
0xaa: {  	[dreg:$0x4] =	wrdreg $0xC0  }
0xab: {  	_ =	task [dreg:s7], $0x5FFFF  }
0xac: {  	[dreg:$0x1] =	wrdreg $0xFFFFFFFF  }
0xad: {  	[dreg:$0x0] =	wrdreg $0x60  }
0xae: {  	[dreg:$0x2] =	wrdreg s2  }
0xaf: {  	[dreg:$0x3] =	wrdreg s24  }
0xb0: {  	[dreg:$0x4] =	wrdreg $0x81000  }
0xb1: {  	[dreg:$0x5] =	wrdreg $0x9  }
0xb2: {  	_ =	task.clear_ibuf [dreg:s7], $0x6FFFF;
	_ =	strace $0x90000046  }
0xb3: {  	s29 =	simm.s32 $0x9;
	_ =	strace $0x80000048  }
0xb4: {  	_ =	swait.ge [sflag:s29], $0x1  }
0xb5: {  	[sflag:s29] =	ssyncadd.s32 $0xFFFFFFFF  }
0xb6: {  	_ =	strace $0x90000048  }
0xb7: {  	_ =	sfence  }
0xb8: {  	s30 =	sld [smem:$0x0];
	_ =	sdelay $0x2  }
0xb9: {  	s31 =	sshll.u32 s1, $0xD;
	s1 =	sshrl.u32 s1, $0x2  }
0xba: {  	s3 =	sand.u32 $0x4000, s31;
	s1 =	sadd.s32 s1, s30  }
0xbb: {  	s0 =	sor.u32 s3, s0;
	s1 =	sshll.u32 s1, $0x11  }
0xbc: {  	s0 =	sor.u32 s1, s0  }
0xbd: {  	s0 =	sadd.s32 $0x8F2B, s0  }
0xbe: {  	[sflag:s0] =	ssyncadd.remote.s32 $0x1  }
0xbf: {  	_ =	sfence.sel $0xFFFF  }
0xc0: {  	[dreg:$0x0] =	wrdreg $0xFFFFFFFF;
	(pc) =	sbr.abs _section_cstart, $3  }
0xc1: {  	[dreg:$0x1] =	wrdreg $0xFFFFFFFF  }
0xc2: {  	_ =	task.clear_ibuf [dreg:s7], $0x2FFFF;
	_ =	strace $0x9FFFFFFF  }
0xc3: {  	(tm) =	ssettm $0x7FFFFFFF  }
tec
execute0_lowered:
.L_overlay_start_1:
0x0: {  	(tag) =	ssettag $0x1  }
0x1: {  	s12 =	rddreg [dreg:$0x0]  }
0x2: {  	s4 =	rddreg [dreg:$0x1]  }
0x3: {  	s2 =	rddreg [dreg:$0x2]  }
0x4: {  	s0 =	rddreg [dreg:$0x3]  }
0x5: {  	s1 =	stileid.u32;
	s3 =	simm.s32 $0x0;
	s5 =	srdreg.scid  }
0x6: {  	s14 =	simm.s32 $0x1;
	s15 =	simm.s32 $0x80;
	s6 =	smul.u32 $0x14000, s1  }
0x7: {  	s16 =	simm.s32 $0x100;
	s17 =	simm.s32 $0x10;
	s7 =	smul.u32 $0x2800, s1  }
0x8: {  	s20 =	simm.s32 $0x0;
	[smem:$0x7FF] =	sst s3;
	s28 =	smul.u32 $0x50000, s1  }
0x9: {  	s5 =	sand.u32 $0x1, s5;
	s10 =	smul.u32 $0x2710, s1;
	s18 =	sshll.u32 s1, $0x6  }
0xa: {  	s8 =	sshll.u32 s5, $0x4;
	p0 =	seq.s32 s5, $0x1;
	_ =	strace $0x80000047  }
0xb: {  	s26 =	ssub.s32 $0x2, s5;
	s9 =	smul.u32 $0x27100, s5;
	s18 =	sor.u32 $0x1C01, s18  }
0xc: {  	s6 =	sshrl.u32 s6, $0x3;
	s8 =	sor.u32 s1, s8;
	s29 =	sshrl.u32 s26, $0x1  }
0xd: {  	s30 =	sshrl.u32 s28, $0x2;
	s6 =	sadd.s32 $0x28000, s6;
	s25 =	smul.u32 $0x2710, s8  }
0xe: {  	s31 =	ssub.s32 s26, s29;
	s10 =	sadd.s32 s10, s9;
	s7 =	smov.u32 @p0 s6  }
0xf: {  	s11 =	sadd.s32 s7, s4;
	s6 =	sshrl.u32 s25, $0x3;
	s4 =	sadd.s32 s30, s2  }
0x10: {  	s13 =	sshrl.u32 s10, $0x3;
	s6 =	sadd.s32 s12, s6;
	s7 =	sadd.s32 $0x4000, s4  }
0x11: {  	s8 =	sadd.s32 $0x8000, s4;
	s9 =	sadd.s32 $0xC000, s4;
	s10 =	sadd.s32 $0x10000, s4  }
0x12: {  	s11 =	sadd.s32 $0xC000, s11;
	s12 =	sadd.s32 s13, s12;
	s13 =	simm.s32 $0x4100  }
0x13: {  	v0 =	vimm.f32 $1.000000000e+00;
	v1 =	vimm.f32 $0.0e+00;
	s19 =	sshrl.u32 s4, $0x3;
	s5 =	sadd.s32 $0x4E0, s6;
	s6 =	smax.u32 s31, $0x1  }
.LBB2_1:
0x14: {  	s21 =	simm.s32 $0x0;
	s22 =	simm.s32 $0x200  }
.LBB2_2:
0x15: {  	p0 =	sne.s32 s22, $0xFE00;
	[tilespmem:s21+$0x4170] =	vst v1  }
0x16: {  	[tilespmem:s21+$0x100] =	vst v0  }
0x17: {  	[tilespmem:s21+$0x4100] =	vst v1  }
0x18: {  	[tilespmem:s21+$0x110] =	vst v0  }
0x19: {  	[tilespmem:s21+$0x4110] =	vst v1  }
0x1a: {  	[tilespmem:s21+$0x120] =	vst v0  }
0x1b: {  	[tilespmem:s21+$0x4120] =	vst v1  }
0x1c: {  	[tilespmem:s21+$0x130] =	vst v0  }
0x1d: {  	[tilespmem:s21+$0x4130] =	vst v1  }
0x1e: {  	[tilespmem:s21+$0x140] =	vst v0  }
0x1f: {  	[tilespmem:s21+$0x4140] =	vst v1  }
.Ltmp0:
0x20: {  	[tilespmem:s21+$0x150] =	vst v0;
	(pc) =	sbr.rel @p0 .LBB2_2-.Ltmp0, $4  }
0x21: {  	[tilespmem:s21+$0x4150] =	vst v1  }
0x22: {  	[tilespmem:s21+$0x160] =	vst v0  }
0x23: {  	[tilespmem:s21+$0x4160] =	vst v1  }
0x24: {  	[tilespmem:s21+$0x170] =	vst v0;
	s21 =	sshra.s32 s22, $0x2;
	s22 =	sadd.s32 $0x200, s22  }
0x25: {  	[tilespmem:s21+$0x4170] =	vst v1  }
0x26: {  	[tilespmem:s21+$0x100] =	vst v0  }
0x27: {  	[tilespmem:s21+$0x4100] =	vst v1  }
0x28: {  	[tilespmem:s21+$0x110] =	vst v0  }
0x29: {  	[tilespmem:s21+$0x4110] =	vst v1  }
0x2a: {  	[tilespmem:s21+$0x120] =	vst v0  }
0x2b: {  	[tilespmem:s21+$0x4120] =	vst v1  }
0x2c: {  	[tilespmem:s21+$0x130] =	vst v0  }
0x2d: {  	[tilespmem:s21+$0x4130] =	vst v1  }
0x2e: {  	[tilespmem:s21+$0x140] =	vst v0  }
0x2f: {  	[tilespmem:s21+$0x4140] =	vst v1  }
0x30: {  	[tilespmem:s21+$0x150] =	vst v0  }
0x31: {  	[tilespmem:s21+$0x4150] =	vst v1  }
0x32: {  	[tilespmem:s21+$0x160] =	vst v0  }
0x33: {  	[tilespmem:s21+$0x4160] =	vst v1  }
0x34: {  	[tilespmem:s21+$0x170] =	vst v0  }
0x35: {  	[spmem:s4] =	stream.linear.scatter [tilespmem:s13], [sflag:$0x1], $0x4000, $0x38;
	[tilespmem:$0x1C100] =	vst v63  }
0x36: {  	_ =	swait.ge [sflag:s14], $0x4000  }
0x37: {  	[sflag:s14] =	ssyncset.done $0x0  }
0x38: {  	[sflag:s14] =	ssyncadd.s32 $0xFFFFC000  }
0x39: {  	[spmem:s7] =	stream.linear.scatter [tilespmem:s13], [sflag:$0x1], $0x4000, $0x38;
	[tilespmem:$0x1C100] =	vst v63  }
0x3a: {  	_ =	swait.ge [sflag:s14], $0x4000  }
0x3b: {  	[sflag:s14] =	ssyncset.done $0x0  }
0x3c: {  	[sflag:s14] =	ssyncadd.s32 $0xFFFFC000  }
0x3d: {  	[spmem:s8] =	stream.linear.scatter [tilespmem:s13], [sflag:$0x1], $0x4000, $0x38;
	[tilespmem:$0x1C100] =	vst v63  }
0x3e: {  	_ =	swait.ge [sflag:s14], $0x4000  }
0x3f: {  	[sflag:s14] =	ssyncset.done $0x0  }
0x40: {  	[sflag:s14] =	ssyncadd.s32 $0xFFFFC000  }
0x41: {  	[spmem:s9] =	stream.linear.scatter [tilespmem:s13], [sflag:$0x1], $0x4000, $0x38;
	[tilespmem:$0x1C100] =	vst v63  }
0x42: {  	_ =	swait.ge [sflag:s14], $0x4000  }
0x43: {  	[sflag:s14] =	ssyncset.done $0x0  }
0x44: {  	[sflag:s14] =	ssyncadd.s32 $0xFFFFC000  }
0x45: {  	[spmem:s10] =	stream.linear.scatter [tilespmem:s13], [sflag:$0x1], $0x4000, $0x38;
	[tilespmem:$0x1C100] =	vst v63  }
0x46: {  	_ =	swait.ge [sflag:s14], $0x4000  }
0x47: {  	[sflag:s14] =	ssyncset.done $0x0  }
0x48: {  	[sflag:s14] =	ssyncadd.s32 $0xFFFFC000  }
0x49: {  	s31 =	sadd.s32 $0x0, s12;
	[bflag:$0x0] =	sbarrier.arrive $0xFFFF  }
0x4a: {  	[tilespmem:s3], [sflag:$0x1] =	stream.linear.gather [hbm4b:s31+s3], $0x80, $0x38;
	[tilespmem:$0x1C100] =	vst v63  }
0x4b: {  	_ =	swait.ge [sflag:s14], $0x80  }
0x4c: {  	[sflag:s14] =	ssyncset.done $0x0  }
0x4d: {  	[sflag:s14] =	ssyncadd.s32 $0xFFFFFF80  }
0x4e: {  	[spmem:s2] =	stream.indirect.scatter.add.f32 [tilespmem:s16], [sflag:$0x1], $0x80, s3, s15, $0xb8;
	[tilespmem:$0x1C100] =	vst v63  }
0x4f: {  	_ =	swait.ge [sflag:s14], $0x4000  }
0x50: {  	s21 =	simm.s32 $0x10;
	s22 =	simm.s32 $0x20;
	[sflag:s14] =	ssyncset.done $0x0  }
.LBB2_4:
0x51: {  	s23 =	sadd.s32 s21, s12  }
0x52: {  	[sflag:s14] =	ssyncadd.s32 $0xFFFFC000;
	s21 =	smov.u32 s22;
	s24 =	sadd.s32 $0x10, s22  }
0x53: {  	[tilespmem:s3], [sflag:$0x1] =	stream.linear.gather [hbm4b:s23+s3], $0x80, $0x38;
	[tilespmem:$0x1C100] =	vst v63  }
0x54: {  	p0 =	sne.s32 s22, $0x4D0;
	_ =	swait.ge [sflag:s14], $0x80  }
.Ltmp1:
0x55: {  	[sflag:s14] =	ssyncset.done $0x0;
	(pc) =	sbr.rel @p0 .LBB2_4-.Ltmp1, $4  }
0x56: {  	[sflag:s14] =	ssyncadd.s32 $0xFFFFFF80  }
0x57: {  	[spmem:s2] =	stream.indirect.scatter.add.f32 [tilespmem:s16], [sflag:$0x1], $0x80, s3, s15, $0xb8;
	[tilespmem:$0x1C100] =	vst v63  }
0x58: {  	_ =	swait.ge [sflag:s14], $0x4000  }
0x59: {  	s22 =	smov.u32 s24;
	[sflag:s14] =	ssyncset.done $0x0  }
0x5a: {  	s21 =	sadd.s32 s21, s12;
	[sflag:s14] =	ssyncadd.s32 $0xFFFFC000  }
0x5b: {  	[tilespmem:s3], [sflag:$0x1] =	stream.linear.gather [hbm4b:s21+s3], $0x80, $0x38;
	[tilespmem:$0x1C100] =	vst v63  }
0x5c: {  	_ =	swait.ge [sflag:s14], $0x80  }
0x5d: {  	[sflag:s14] =	ssyncset.done $0x0  }
0x5e: {  	[sflag:s14] =	ssyncadd.s32 $0xFFFFFF80  }
0x5f: {  	[spmem:s2] =	stream.indirect.scatter.add.f32 [tilespmem:s16], [sflag:$0x1], $0x80, s3, s15, $0xb8;
	[tilespmem:$0x1C100] =	vst v63  }
0x60: {  	_ =	swait.ge [sflag:s14], $0x4000  }
0x61: {  	[sflag:s14] =	ssyncset.done $0x0  }
0x62: {  	[sflag:s14] =	ssyncadd.s32 $0xFFFFC000  }
0x63: {  	[tilespmem:s15], [sflag:$0x1] =	stream.linear.gather [hbm4b:s5+s3], $0x10, $0x38;
	[tilespmem:$0x1C100] =	vst v63  }
0x64: {  	_ =	swait.ge [sflag:s14], $0x10  }
0x65: {  	[sflag:s14] =	ssyncset.done $0x0  }
0x66: {  	[sflag:s14] =	ssyncadd.s32 $0xFFFFFFF0  }
0x67: {  	[spmem:s2] =	stream.indirect.scatter.add.f32 [tilespmem:s16], [sflag:$0x1], $0x80, s15, s17, $0xb8;
	[tilespmem:$0x1C100] =	vst v63  }
0x68: {  	_ =	swait.ge [sflag:s14], $0x800  }
0x69: {  	s20 =	sadd.s32 $0x1, s20;
	[sflag:s14] =	ssyncset.done $0x0  }
0x6a: {  	p0 =	sne.s32 s20, s6;
	[sflag:s14] =	ssyncadd.s32 $0xFFFFF800  }
.Ltmp2:
0x6b: {  	[bflag:$0x0] =	sbarrier.arrive $0xFFFF;
	(pc) =	sbr.rel @p0 .LBB2_1-.Ltmp2, $4  }
0x6c: {  	[hbm:s11], [sflag:s18] =	dma.local [spmem:s19], $0x2800  }
0x6d: {  	_ =	swait.ge [sflag:s14], $0x2800  }
0x6e: {  	[sflag:s14] =	ssyncset.done $0x0  }
0x6f: {  	[sflag:s14] =	ssyncadd.s32 $0xFFFFD800  }
0x70: {  	_ =	sfence.sel $0x180000  }
0x71: {  	[bflag:$0x0] =	sbarrier.arrive $0xFFFF  }
0x72: {  	p0 =	sne.s32 s1, $0x0;
	_ =	strace $0x90000047  }
0x73: {  	s0 =	sadd.s32 @!p0 $0x100000, s0;
	[bflag:$0x2] =	sbarrier.arrive $0xFFFF  }
0x74: {  	[sflag:s0] =	ssyncadd.tile.s32 @!p0 $0x1;
	_ =	shalt  }
.Lfunc_end2:
_tile_overlayer_lowered:
.L_overlay_start_2:
0x75: {  	(tag) =	ssettag $0x2  }
0x76: {  	s0 =	rddreg [dreg:$0x0];
	s2 =	stileid.u32  }
0x77: {  	s1 =	rddreg [dreg:$0x1];
	p0 =	sne.s32 s2, $0x0  }
0x78: {  	s3 =	rddreg [dreg:$0x2];
	[bflag:$0x3] =	sbarrier.arrive $0xFFFF;
	s2 =	simm.s32 @!p0 $0x1C01  }
0x79: {  	[timem:s3], [sflag:s2] =	dma.local @!p0 [hbm:s0], s1  }
0x7a: {  	s0 =	simm.s32 @!p0 $0x1  }
0x7b: {  	_ =	swait.ge @!p0 [sflag:s0], s1  }
0x7c: {  	s1 =	ssub.s32 @!p0 $0x0, s1;
	[sflag:s0] =	ssyncset.done @!p0 $0x0  }
0x7d: {  	[sflag:s0] =	ssyncadd.s32 @!p0 s1  }
0x7e: {  	[bflag:$0x3] =	sbarrier.arrive $0xFFFF  }
0x7f: {  	_ =	shalt  }

// kernel: kernel.16.cloned.1.call-start
scs
__scs_entry_jumppad:
0x0: {  	(pc) =	sbr.rel $0x88, $3  }
0x1: {  	(tag) =	ssettag $0x0;
	lr =	simm.s32 $0x1  }
0x2: {  	[smem:$0x3F93] =	sst lr;
	_ =	strace $0xD0000000  }
0x3: {  	_ = 	snop  }
0x4: {  	_ = 	snop  }
0x5: {  	_ = 	snop  }
0x6: {  	_ = 	snop  }
0x7: {  	_ = 	snop  }
__scs_overlays_trampoline_lowered:
0x8: {  	[smem:$0x3FA2] =	sst s0  }
0x9: {  	[smem:$0x3FA3] =	sst s1  }
0xa: {  	[smem:$0x3FA4] =	sst s2  }
0xb: {  	[smem:$0x3FA5] =	sst s3  }
0xc: {  	[smem:$0x3FA6] =	sst s4  }
0xd: {  	[smem:$0x3FA7] =	sst s5  }
0xe: {  	[smem:$0x3FA8] =	sst s6  }
0xf: {  	[smem:$0x3FA9] =	sst s7  }
0x10: {  	[smem:$0x3FAA] =	sst s8  }
0x11: {  	[smem:$0x3FAB] =	sst s9;
	s0 =	simm.s32 @!p0 $0x0  }
0x12: {  	s1 =	sld [smem:$0x3F91];
	s0 =	simm.s32 @p0 $0x1  }
0x13: {  	[smem:$0x3FAC] =	sst s0;
	s0 =	simm.s32 @!p1 $0x0  }
0x14: {  	s2 =	sld [smem:$0x3F90];
	s0 =	simm.s32 @p1 $0x1  }
0x15: {  	[smem:$0x3FAD] =	sst s0;
	s0 =	simm.s32 @!p2 $0x0  }
0x16: {  	s3 =	sld [smem:$0x3FDB];
	s0 =	simm.s32 @p2 $0x1  }
0x17: {  	s4 =	simm.s32 $0x1BF5;
	[smem:$0x3FAF] =	sst s0  }
0x18: {  	s0 =	sld [smem:$0x3F92];
	_ =	swait.ge [sflag:s4], $0x0  }
0x19: {  	s7 =	sld [smem:$0x3F93]  }
0x1a: {  	s8 =	sadd.s32 $0xFFFFE003, lr  }
0x1b: {  	s9 =	sadd.s32 $0xFFFFFEF7, lr;
	s5 =	simm.s32 $0xFFFFFFFF;
	p2 =	slt.u32 s8, $0xFFFFF086  }
0x1c: {  	p1 =	slt.u32 s9, $0xF7A;
	s5 =	simm.s32 @!p2 $0x0  }
0x1d: {  	s5 =	simm.s32 @p1 $0x1;
	p0 =	seq.s32 s7, s2  }
0x1e: {  	s7 =	smul.u32 @!p0 $0xF7A, s2;
	p2 =	seq.s32 @!p0 s5, $0x0  }
0x1f: {  	s9 =	smul.u32 $0xF7A, s1;
	s8 =	simm.s32 @!p0 $0x1BF5;
	p2 =	por !p2, p0  }
0x20: {  	[sflag:s8] =	ssyncset.s32 @!p0 $0xFFFFF086;
	s6 =	sadd.s32 @!p0 s3, s7;
	s7 =	simm.s32 @!p0 $0x108  }
0x21: {  	s3 =	sadd.s32 s3, s9;
	s6 =	sadd.s32 @!p0 $0x88, s6;
	s7 =	simm.s32 @p2 $0x1082  }
0x22: {  	[simem:s7], [sflag:s8] =	dma.local @!p0 [hbm:s6], $0xF7A  }
0x23: {  	s9 =	sor.u32 $0xD0000000, s2;
	s6 =	simm.s32 $0x108;
	_ =	swait.ge @!p0 [sflag:s8], $0x0  }
0x24: {  	s3 =	sadd.s32 $0x88, s3;
	s6 =	simm.s32 @!p1 $0x1082;
	[sflag:s4] =	ssyncset.s32 $0xFFFFF086  }
0x25: {  	[simem:s6], [sflag:s4] =	dma.local [hbm:s3], $0xF7A  }
0x26: {  	[smem:$0x3F93] =	sst s1;
	(tag) =	ssettag s2;
	_ =	strace s9  }
0x27: {  	s1 =	sld [smem:$0x3FA3]  }
0x28: {  	s2 =	sld [smem:$0x3FA4]  }
0x29: {  	s4 =	sld [smem:$0x3FA6]  }
0x2a: {  	p0 =	seq.s32 s5, $0x0;
	s5 =	sld [smem:$0x3FA7]  }
0x2b: {  	s6 =	sld [smem:$0x3FA8]  }
0x2c: {  	s7 =	sld [smem:$0x3FA9]  }
0x2d: {  	s3 =	simm.s32 $0x108;
	s8 =	sld [smem:$0x3FAA]  }
0x2e: {  	s3 =	simm.s32 @!p0 $0x1082;
	s9 =	sld [smem:$0x3FAB]  }
0x2f: {  	lr =	sadd.s32 s0, s3;
	s0 =	sld [smem:$0x3FA2]  }
0x30: {  	s3 =	sld [smem:$0x3FA5]  }
0x31: {  	[smem:$0x3FAE] =	sst s10  }
0x32: {  	s10 =	sld [smem:$0x3FAC];
	_ =	sdelay $0x3  }
0x33: {  	p0 =	seq.s32 s10, $0x1;
	s10 =	sld [smem:$0x3FAE];
	_ =	sdelay $0x3  }
0x34: {  	[smem:$0x3FAE] =	sst s10  }
0x35: {  	s10 =	sld [smem:$0x3FAD];
	_ =	sdelay $0x3  }
0x36: {  	p1 =	seq.s32 s10, $0x1;
	s10 =	sld [smem:$0x3FAE];
	_ =	sdelay $0x3  }
0x37: {  	[smem:$0x3FAE] =	sst s10  }
0x38: {  	s10 =	sld [smem:$0x3FAF]  }
0x39: {  	_ = 	snop;
	(pc) =	sbr.ind lr, $3  }
0x3a: {  	_ = 	snop  }
0x3b: {  	_ = 	snop  }
0x3c: {  	p2 =	seq.s32 s10, $0x1;
	s10 =	sld [smem:$0x3FAE]  }
0x3d: {  	_ =	shalt  }
0x3e: {  	_ =	shalt  }
0x3f: {  	_ =	shalt  }
0x40: {  	_ =	shalt  }
0x41: {  	_ =	shalt  }
0x42: {  	_ =	shalt  }
0x43: {  	_ =	shalt  }
0x44: {  	_ =	shalt  }
0x45: {  	_ =	shalt  }
0x46: {  	_ =	shalt  }
0x47: {  	_ =	shalt  }
0x48: {  	_ =	shalt  }
0x49: {  	_ =	shalt  }
0x4a: {  	_ =	shalt  }
0x4b: {  	_ =	shalt  }
0x4c: {  	_ =	shalt  }
0x4d: {  	_ =	shalt  }
0x4e: {  	_ =	shalt  }
0x4f: {  	_ =	shalt  }
0x50: {  	_ =	shalt  }
0x51: {  	_ =	shalt  }
0x52: {  	_ =	shalt  }
0x53: {  	_ =	shalt  }
0x54: {  	_ =	shalt  }
0x55: {  	_ =	shalt  }
0x56: {  	_ =	shalt  }
0x57: {  	_ =	shalt  }
0x58: {  	_ =	shalt  }
0x59: {  	_ =	shalt  }
0x5a: {  	_ =	shalt  }
0x5b: {  	_ =	shalt  }
0x5c: {  	_ =	shalt  }
0x5d: {  	_ =	shalt  }
0x5e: {  	_ =	shalt  }
0x5f: {  	_ =	shalt  }
0x60: {  	_ =	shalt  }
0x61: {  	_ =	shalt  }
0x62: {  	_ =	shalt  }
0x63: {  	_ =	shalt  }
0x64: {  	_ =	shalt  }
0x65: {  	_ =	shalt  }
0x66: {  	_ =	shalt  }
0x67: {  	_ =	shalt  }
0x68: {  	_ =	shalt  }
0x69: {  	_ =	shalt  }
0x6a: {  	_ =	shalt  }
0x6b: {  	_ =	shalt  }
0x6c: {  	_ =	shalt  }
0x6d: {  	_ =	shalt  }
0x6e: {  	_ =	shalt  }
0x6f: {  	_ =	shalt  }
0x70: {  	_ =	shalt  }
0x71: {  	_ =	shalt  }
0x72: {  	_ =	shalt  }
0x73: {  	_ =	shalt  }
0x74: {  	_ =	shalt  }
0x75: {  	_ =	shalt  }
0x76: {  	_ =	shalt  }
0x77: {  	_ =	shalt  }
0x78: {  	_ =	shalt  }
0x79: {  	_ =	shalt  }
0x7a: {  	_ =	shalt  }
0x7b: {  	_ =	shalt  }
0x7c: {  	_ =	shalt  }
0x7d: {  	_ =	shalt  }
0x7e: {  	_ =	shalt  }
0x7f: {  	_ =	shalt  }
0x80: {  	_ =	shalt  }
0x81: {  	_ =	shalt  }
0x82: {  	_ =	shalt  }
0x83: {  	_ =	shalt  }
0x84: {  	_ =	shalt  }
0x85: {  	_ =	shalt  }
0x86: {  	_ =	shalt  }
0x87: {  	_ =	shalt  }
.Lfunc_end0:
.L_simem_size_0:
called_computation.1_lowered:
.L_overlay_start_0:
0x88: {  	s2 =	sld [smem:$0x3FD9]  }
0x89: {  	s3 =	sld [smem:$0x3FFE];
	_ =	sdelay $0x1  }
0x8a: {  	s1 =	srdreg.scid  }
0x8b: {  	s0 =	sand.u32 $0x1, s1  }
0x8c: {  	s17 =	sshll.u32 s0, $0xA;
	s2 =	sadd.s32 s3, s2  }
0x8d: {  	s2 =	sadd.s32 s2, s17  }
0x8e: {  	[smem:$0x3FBA] =	sst s2  }
0x8f: {  	_ = 	snop  }
0x90: {  	s2 =	sld [smem:$0x3FD0];
	(tm) =	ssettm $0x1  }
0x91: {  	s18 =	sld [smem:$0x3FFB];
	_ =	sdelay $0x3  }
0x92: {  	_ =	strace s18  }
0x93: {  	s3 =	sld [smem:$0x3FFC];
	_ =	sdelay $0x3  }
0x94: {  	_ =	strace s3  }
0x95: {  	s3 =	sld [smem:$0x3FFD];
	_ =	sdelay $0x3  }
0x96: {  	_ =	strace s3  }
0x97: {  	_ =	strace $0x8FFFFFFF  }
0x98: {  	s19 =	sld [smem:$0x3FDB];
	_ =	sdelay $0x1  }
0x99: {  	s4 =	simm.s32 $_scs_section_size  }
0x9a: {  	s5 =	simm.s32 $_size__tile_overlayer_lowered;
	s6 =	simm.s32 $_tile_overlayer_lowered  }
0x9b: {  	s22 =	simm.s32 $0x1BFF;
	s21 =	sshll.u32 s6, $0x1;
	s3 =	sadd.s32 s4, s19  }
0x9c: {  	s7 =	simm.s32 $0x0;
	s20 =	sshll.u32 s5, $0x1;
	s5 =	sadd.s32 s21, s3  }
0x9d: {  	[timem:s7], [sflag:s22] =	dma.local [hbm:s5], s20  }
0x9e: {  	_ =	swait.ge [sflag:s22], s20  }
0x9f: {  	s4 =	ssub.s32 $0x0, s20;
	[sflag:s22] =	ssyncset.done $0x0  }
0xa0: {  	[sflag:s22] =	ssyncadd.s32 s4;
	_ =	sdelay $0x1  }
0xa1: {  	s23 =	simm.s32 $0x1B8B  }
0xa2: {  	_ =	swait.ge [sflag:s23], $0x1  }
0xa3: {  	[sflag:s23] =	ssyncset.done $0x0  }
0xa4: {  	s25 =	simm.s32 $0x1B8E;
	s24 =	sld [smem:$0x3FFE];
	[sflag:s23] =	ssyncadd.s32 $0xFFFFFFFF  }
0xa5: {  	s26 =	simm.s32 $execute0_lowered;
	[smem:$0x3FD2] =	sst s25  }
0xa6: {  	s5 =	sshll.u32 s26, $0x1;
	_ =	strace $0x80000049;
	[dreg:$0x1] =	wrdreg $0xFFFFFFFF  }
0xa7: {  	s28 =	simm.s32 $_size_execute0_lowered;
	s3 =	sadd.s32 s3, s5;
	[dreg:$0x0] =	wrdreg $0x0  }
0xa8: {  	s5 =	sshll.u32 s28, $0x1;
	[dreg:$0x2] =	wrdreg s3  }
0xa9: {  	[dreg:$0x3] =	wrdreg s5  }
0xaa: {  	[dreg:$0x4] =	wrdreg $0xC0  }
0xab: {  	_ =	task [dreg:s7], $0x5FFFF  }
0xac: {  	[dreg:$0x1] =	wrdreg $0xFFFFFFFF  }
0xad: {  	[dreg:$0x0] =	wrdreg $0x60  }
0xae: {  	[dreg:$0x2] =	wrdreg s24  }
0xaf: {  	[dreg:$0x3] =	wrdreg s2  }
0xb0: {  	[dreg:$0x4] =	wrdreg $0x8B000  }
0xb1: {  	[dreg:$0x5] =	wrdreg $0x9  }
0xb2: {  	_ =	task.clear_ibuf [dreg:s7], $0x6FFFF;
	_ =	strace $0x90000049  }
0xb3: {  	s29 =	simm.s32 $0x9;
	_ =	strace $0x8000004B  }
0xb4: {  	_ =	swait.ge [sflag:s29], $0x1  }
0xb5: {  	[sflag:s29] =	ssyncadd.s32 $0xFFFFFFFF  }
0xb6: {  	_ =	strace $0x9000004B  }
0xb7: {  	_ =	sfence  }
0xb8: {  	s30 =	sld [smem:$0x0];
	_ =	sdelay $0x2  }
0xb9: {  	s31 =	sshll.u32 s1, $0xD;
	s1 =	sshrl.u32 s1, $0x2  }
0xba: {  	s3 =	sand.u32 $0x4000, s31;
	s1 =	sadd.s32 s1, s30  }
0xbb: {  	s0 =	sor.u32 s3, s0;
	s1 =	sshll.u32 s1, $0x11  }
0xbc: {  	s0 =	sor.u32 s1, s0  }
0xbd: {  	s0 =	sadd.s32 $0x8F2B, s0  }
0xbe: {  	[sflag:s0] =	ssyncadd.remote.s32 $0x1  }
0xbf: {  	_ =	sfence.sel $0xFFFF  }
0xc0: {  	[dreg:$0x0] =	wrdreg $0xFFFFFFFF;
	(pc) =	sbr.abs _section_cstart, $3  }
0xc1: {  	[dreg:$0x1] =	wrdreg $0xFFFFFFFF  }
0xc2: {  	_ =	task.clear_ibuf [dreg:s7], $0x2FFFF;
	_ =	strace $0x9FFFFFFF  }
0xc3: {  	(tm) =	ssettm $0x7FFFFFFF  }
tec
execute0_lowered:
.L_overlay_start_1:
0x0: {  	(tag) =	ssettag $0x1  }
0x1: {  	s0 =	rddreg [dreg:$0x0]  }
0x2: {  	s1 =	rddreg [dreg:$0x1]  }
0x3: {  	s3 =	rddreg [dreg:$0x2]  }
0x4: {  	s4 =	simm.s32 $0x0;
	s11 =	stileid.u32;
	s2 =	srdreg.scid  }
0x5: {  	s28 =	simm.s32 $0x4180;
	s29 =	simm.s32 $0x4200;
	s7 =	smul.u32 $0x14000, s11  }
0x6: {  	s30 =	simm.s32 $0x1;
	s31 =	simm.s32 $0x2;
	s8 =	smul.u32 $0x2800, s11  }
0x7: {  	[smem:$0x7FF] =	sst s4;
	s5 =	sadd.s32 $0x2200, s0;
	s10 =	smul.u32 $0x2710, s11  }
0x8: {  	s2 =	sand.u32 $0x1, s2;
	s6 =	sadd.s32 $0x84000, s0;
	s15 =	smul.u32 $0x50000, s11  }
0x9: {  	s9 =	smul.u32 $0x27100, s2;
	p0 =	seq.s32 s2, $0x1;
	s2 =	ssub.s32 $0x2, s2  }
0xa: {  	_ =	strace $0x8000004A;
	s7 =	sshrl.u32 s7, $0x3;
	s16 =	sshrl.u32 s2, $0x1  }
0xb: {  	s7 =	sadd.s32 $0x28000, s7;
	s9 =	sadd.s32 s10, s9;
	s2 =	ssub.s32 s2, s16  }
0xc: {  	s8 =	smov.u32 @p0 s7;
	s7 =	sshrl.u32 s15, $0x2;
	s17 =	sshrl.u32 s9, $0x3  }
0xd: {  	s2 =	smax.u32 s2, $0x1;
	s25 =	sadd.s32 $0x80, s9;
	s0 =	sadd.s32 s8, s0  }
0xe: {  	s7 =	sadd.s32 s7, s3;
	s18 =	sadd.s32 s5, s17;
	s19 =	sadd.s32 $0x4D0, s17  }
0xf: {  	s20 =	sadd.s32 s1, s17;
	s8 =	sadd.s32 $0x4E0, s17;
	[dreg:$0xa] =	wrdreg s2  }
0x10: {  	s26 =	sshrl.u32 s25, $0x3;
	s25 =	simm.s32 $0x80;
	[dreg:$0x4] =	wrdreg s18  }
0x11: {  	s2 =	simm.s32 $0x8280;
	[dreg:$0x5] =	wrdreg s20;
	s21 =	sadd.s32 s5, s19  }
0x12: {  	s10 =	sadd.s32 s1, s19;
	s22 =	sadd.s32 s5, s8;
	[dreg:$0x6] =	wrdreg s21  }
0x13: {  	s8 =	sadd.s32 s1, s8;
	s23 =	sadd.s32 $0x4000, s7;
	[dreg:$0x7] =	wrdreg s10  }
0x14: {  	s24 =	sadd.s32 $0x8000, s7;
	s17 =	sadd.s32 $0xC000, s7;
	[dreg:$0x8] =	wrdreg s22  }
0x15: {  	s18 =	sadd.s32 $0x10000, s7;
	s19 =	sadd.s32 $0xC000, s0;
	[dreg:$0x9] =	wrdreg s8  }
0x16: {  	s20 =	sadd.s32 $0x100, s9;
	s0 =	simm.s32 $0x8200;
	[dreg:$0xb] =	wrdreg s23  }
0x17: {  	s9 =	simm.s32 $0x8300;
	[dreg:$0xc] =	wrdreg s24;
	s21 =	sadd.s32 s26, s1  }
0x18: {  	s22 =	sadd.s32 s26, s5;
	s23 =	simm.s32 $0x100;
	s24 =	simm.s32 $0x3  }
0x19: {  	v0 =	vimm.f32 $0.0e+00;
	s26 =	simm.s32 $0x4100;
	s8 =	simm.s32 $0x10;
	s10 =	simm.s32 $0x0  }
.LBB2_1:
0x1a: {  	s11 =	simm.s32 $0x0;
	s12 =	simm.s32 $0x200  }
.LBB2_2:
0x1b: {  	p0 =	sne.s32 s12, $0xFE00;
	[tilespmem:s11+$0x170] =	vst v0  }
0x1c: {  	[tilespmem:s11+$0x100] =	vst v0  }
0x1d: {  	[tilespmem:s11+$0x110] =	vst v0  }
.Ltmp0:
0x1e: {  	[tilespmem:s11+$0x120] =	vst v0;
	(pc) =	sbr.rel @p0 .LBB2_2-.Ltmp0, $4  }
0x1f: {  	[tilespmem:s11+$0x130] =	vst v0  }
0x20: {  	[tilespmem:s11+$0x140] =	vst v0  }
0x21: {  	[tilespmem:s11+$0x150] =	vst v0  }
0x22: {  	[tilespmem:s11+$0x160] =	vst v0;
	s11 =	sshra.s32 s12, $0x2;
	s12 =	sadd.s32 $0x200, s12  }
0x23: {  	[tilespmem:s11+$0x170] =	vst v0  }
0x24: {  	[tilespmem:s11+$0x100] =	vst v0  }
0x25: {  	[tilespmem:s11+$0x110] =	vst v0  }
0x26: {  	[tilespmem:s11+$0x120] =	vst v0  }
0x27: {  	[tilespmem:s11+$0x130] =	vst v0  }
0x28: {  	[tilespmem:s11+$0x140] =	vst v0  }
0x29: {  	[tilespmem:s11+$0x150] =	vst v0  }
0x2a: {  	[tilespmem:s11+$0x160] =	vst v0  }
0x2b: {  	[spmem:s7] =	stream.linear.scatter [tilespmem:s23], [sflag:$0x3], $0x4000, $0x38;
	[tilespmem:$0x1CB00] =	vst v63  }
0x2c: {  	_ =	swait.ge [sflag:s24], $0x4000  }
0x2d: {  	[sflag:s24] =	ssyncset.done $0x0  }
0x2e: {  	s13 =	rddreg [dreg:$0xb];
	[sflag:s24] =	ssyncadd.s32 $0xFFFFC000  }
0x2f: {  	[spmem:s13] =	stream.linear.scatter [tilespmem:s23], [sflag:$0x3], $0x4000, $0x38;
	[tilespmem:$0x1CB00] =	vst v63  }
0x30: {  	_ =	swait.ge [sflag:s24], $0x4000  }
0x31: {  	[sflag:s24] =	ssyncset.done $0x0  }
0x32: {  	s14 =	rddreg [dreg:$0xc];
	[sflag:s24] =	ssyncadd.s32 $0xFFFFC000  }
0x33: {  	[spmem:s14] =	stream.linear.scatter [tilespmem:s23], [sflag:$0x3], $0x4000, $0x38;
	[tilespmem:$0x1CB00] =	vst v63  }
0x34: {  	_ =	swait.ge [sflag:s24], $0x4000  }
0x35: {  	[sflag:s24] =	ssyncset.done $0x0  }
0x36: {  	[sflag:s24] =	ssyncadd.s32 $0xFFFFC000  }
0x37: {  	[spmem:s17] =	stream.linear.scatter [tilespmem:s23], [sflag:$0x3], $0x4000, $0x38;
	[tilespmem:$0x1CB00] =	vst v63  }
0x38: {  	_ =	swait.ge [sflag:s24], $0x4000  }
0x39: {  	[sflag:s24] =	ssyncset.done $0x0  }
0x3a: {  	[sflag:s24] =	ssyncadd.s32 $0xFFFFC000  }
0x3b: {  	[spmem:s18] =	stream.linear.scatter [tilespmem:s23], [sflag:$0x3], $0x4000, $0x38;
	[tilespmem:$0x1CB00] =	vst v63  }
0x3c: {  	_ =	swait.ge [sflag:s24], $0x4000  }
0x3d: {  	[sflag:s24] =	ssyncset.done $0x0  }
0x3e: {  	[sflag:s24] =	ssyncadd.s32 $0xFFFFC000  }
0x3f: {  	[bflag:$0x0] =	sbarrier.arrive $0xFFFF  }
0x40: {  	s15 =	simm.s32 $0x0;
	s12 =	rddreg [dreg:$0x4]  }
0x41: {  	[tilespmem:s15], [sflag:$0x3] =	stream.linear.gather [hbm4b:s12+s15], $0x80, $0x38;
	[tilespmem:$0x1CB00] =	vst v63  }
0x42: {  	_ =	swait.ge [sflag:s24], $0x80  }
0x43: {  	[sflag:s24] =	ssyncset.done $0x0  }
0x44: {  	s16 =	rddreg [dreg:$0x5];
	[sflag:s24] =	ssyncadd.s32 $0xFFFFFF80  }
0x45: {  	[tilespmem:s25], [sflag:$0x3] =	stream.linear.gather [hbm4b:s16+s15], $0x80, $0x38;
	[tilespmem:$0x1CB00] =	vst v63  }
0x46: {  	_ =	swait.ge [sflag:s24], $0x80  }
0x47: {  	[sflag:s24] =	ssyncset.done $0x0  }
0x48: {  	[sflag:s24] =	ssyncadd.s32 $0xFFFFFF80  }
0x49: {  	[tilespmem:s23], [sflag:$0x1] =	stream.indirect.gather [hbm4b:s6+s25], $0x80, s15, s25, $0xb8;
	[tilespmem:$0x1CB00] =	vst v63  }
0x4a: {  	s13 =	sadd.s32 $0x0, s22  }
0x4b: {  	[tilespmem:s26], [sflag:$0x3] =	stream.linear.gather [hbm4b:s13+s4], $0x80, $0x38;
	[tilespmem:$0x1CB00] =	vst v63  }
0x4c: {  	_ =	swait.ge [sflag:s24], $0x80  }
0x4d: {  	[sflag:s24] =	ssyncset.done $0x0  }
0x4e: {  	s14 =	sadd.s32 $0x0, s21;
	[sflag:s24] =	ssyncadd.s32 $0xFFFFFF80  }
0x4f: {  	[tilespmem:s28], [sflag:$0x3] =	stream.linear.gather [hbm4b:s14+s4], $0x80, $0x38;
	[tilespmem:$0x1CB00] =	vst v63  }
0x50: {  	_ =	swait.ge [sflag:s24], $0x80  }
0x51: {  	[sflag:s24] =	ssyncset.done $0x0  }
0x52: {  	[sflag:s24] =	ssyncadd.s32 $0xFFFFFF80  }
0x53: {  	[tilespmem:s29], [sflag:$0x2] =	stream.indirect.gather [hbm4b:s6+s25], $0x80, s26, s25, $0xb8;
	[tilespmem:$0x1CB00] =	vst v63  }
0x54: {  	_ =	swait.ge [sflag:s30], $0x4000  }
0x55: {  	[sflag:s30] =	ssyncset.done $0x0  }
0x56: {  	[sflag:s30] =	ssyncadd.s32 $0xFFFFC000  }
0x57: {  	[spmem:s3] =	stream.indirect.scatter.add.f32 [tilespmem:s23], [sflag:$0x3], $0x80, s25, s25, $0xb8;
	[tilespmem:$0x1CB00] =	vst v63  }
0x58: {  	_ =	swait.ge [sflag:s24], $0x4000  }
0x59: {  	s15 =	sshrl.u32 s20, $0x3;
	[sflag:s24] =	ssyncset.done $0x0  }
0x5a: {  	s16 =	sadd.s32 s5, s15;
	[sflag:s24] =	ssyncadd.s32 $0xFFFFC000  }
0x5b: {  	[tilespmem:s4], [sflag:$0x3] =	stream.linear.gather [hbm4b:s16+s4], $0x80, $0x38;
	[tilespmem:$0x1CB00] =	vst v63  }
0x5c: {  	_ =	swait.ge [sflag:s24], $0x80  }
0x5d: {  	[sflag:s24] =	ssyncset.done $0x0  }
0x5e: {  	s11 =	sadd.s32 s1, s15;
	[sflag:s24] =	ssyncadd.s32 $0xFFFFFF80  }
0x5f: {  	[tilespmem:s25], [sflag:$0x3] =	stream.linear.gather [hbm4b:s11+s4], $0x80, $0x38;
	[tilespmem:$0x1CB00] =	vst v63  }
0x60: {  	_ =	swait.ge [sflag:s24], $0x80  }
0x61: {  	[sflag:s24] =	ssyncset.done $0x0  }
0x62: {  	[sflag:s24] =	ssyncadd.s32 $0xFFFFFF80  }
0x63: {  	[tilespmem:s23], [sflag:$0x1] =	stream.indirect.gather [hbm4b:s6+s25], $0x80, s4, s25, $0xb8;
	[tilespmem:$0x1CB00] =	vst v63  }
0x64: {  	_ =	swait.ge [sflag:s31], $0x4000  }
0x65: {  	[sflag:s31] =	ssyncset.done $0x0  }
0x66: {  	[sflag:s31] =	ssyncadd.s32 $0xFFFFC000  }
0x67: {  	[spmem:s3] =	stream.indirect.scatter.add.f32 [tilespmem:s29], [sflag:$0x3], $0x80, s28, s25, $0xb8;
	[tilespmem:$0x1CB00] =	vst v63  }
0x68: {  	s12 =	simm.s32 $0x20;
	_ =	swait.ge [sflag:s24], $0x4000  }
0x69: {  	s13 =	simm.s32 $0x40;
	s11 =	sadd.s32 $0x100, s20;
	[sflag:s24] =	ssyncset.done $0x0  }
.LBB2_4:
0x6a: {  	s15 =	sadd.s32 s12, s22  }
0x6b: {  	[sflag:s24] =	ssyncadd.s32 $0xFFFFC000;
	s16 =	smov.u32 s13;
	s14 =	sadd.s32 $0x20, s13  }
0x6c: {  	[tilespmem:s26], [sflag:$0x3] =	stream.linear.gather [hbm4b:s15+s4], $0x80, $0x38;
	[tilespmem:$0x1CB00] =	vst v63  }
0x6d: {  	p0 =	sne.s32 s13, $0x4A0;
	_ =	swait.ge [sflag:s24], $0x80  }
0x6e: {  	[sflag:s24] =	ssyncset.done $0x0  }
0x6f: {  	s13 =	sadd.s32 s12, s21;
	s12 =	smov.u32 s16;
	[sflag:s24] =	ssyncadd.s32 $0xFFFFFF80  }
0x70: {  	[tilespmem:s28], [sflag:$0x3] =	stream.linear.gather [hbm4b:s13+s4], $0x80, $0x38;
	[tilespmem:$0x1CB00] =	vst v63  }
0x71: {  	_ =	swait.ge [sflag:s24], $0x80  }
0x72: {  	[sflag:s24] =	ssyncset.done $0x0  }
0x73: {  	[sflag:s24] =	ssyncadd.s32 $0xFFFFFF80  }
0x74: {  	[tilespmem:s29], [sflag:$0x2] =	stream.indirect.gather [hbm4b:s6+s25], $0x80, s26, s25, $0xb8;
	[tilespmem:$0x1CB00] =	vst v63  }
0x75: {  	_ =	swait.ge [sflag:s30], $0x4000  }
0x76: {  	[sflag:s30] =	ssyncset.done $0x0  }
0x77: {  	[sflag:s30] =	ssyncadd.s32 $0xFFFFC000  }
0x78: {  	[spmem:s3] =	stream.indirect.scatter.add.f32 [tilespmem:s23], [sflag:$0x3], $0x80, s25, s25, $0xb8;
	[tilespmem:$0x1CB00] =	vst v63  }
0x79: {  	_ =	swait.ge [sflag:s24], $0x4000  }
0x7a: {  	s13 =	sshrl.u32 s11, $0x3;
	[sflag:s24] =	ssyncset.done $0x0  }
0x7b: {  	s15 =	sadd.s32 s5, s13;
	[sflag:s24] =	ssyncadd.s32 $0xFFFFC000  }
0x7c: {  	[tilespmem:s4], [sflag:$0x3] =	stream.linear.gather [hbm4b:s15+s4], $0x80, $0x38;
	[tilespmem:$0x1CB00] =	vst v63  }
0x7d: {  	_ =	swait.ge [sflag:s24], $0x80  }
0x7e: {  	[sflag:s24] =	ssyncset.done $0x0  }
0x7f: {  	s13 =	sadd.s32 s1, s13;
	[sflag:s24] =	ssyncadd.s32 $0xFFFFFF80  }
0x80: {  	[tilespmem:s25], [sflag:$0x3] =	stream.linear.gather [hbm4b:s13+s4], $0x80, $0x38;
	[tilespmem:$0x1CB00] =	vst v63  }
0x81: {  	_ =	swait.ge [sflag:s24], $0x80  }
0x82: {  	[sflag:s24] =	ssyncset.done $0x0  }
0x83: {  	[sflag:s24] =	ssyncadd.s32 $0xFFFFFF80  }
0x84: {  	[tilespmem:s23], [sflag:$0x1] =	stream.indirect.gather [hbm4b:s6+s25], $0x80, s4, s25, $0xb8;
	[tilespmem:$0x1CB00] =	vst v63  }
0x85: {  	_ =	swait.ge [sflag:s31], $0x4000  }
.Ltmp1:
0x86: {  	[sflag:s31] =	ssyncset.done $0x0;
	(pc) =	sbr.rel @p0 .LBB2_4-.Ltmp1, $4  }
0x87: {  	[sflag:s31] =	ssyncadd.s32 $0xFFFFC000  }
0x88: {  	[spmem:s3] =	stream.indirect.scatter.add.f32 [tilespmem:s29], [sflag:$0x3], $0x80, s28, s25, $0xb8;
	[tilespmem:$0x1CB00] =	vst v63  }
0x89: {  	_ =	swait.ge [sflag:s24], $0x4000  }
0x8a: {  	s11 =	sadd.s32 $0x100, s11;
	s13 =	smov.u32 s14;
	[sflag:s24] =	ssyncset.done $0x0  }
0x8b: {  	s13 =	sadd.s32 s12, s22;
	[sflag:s24] =	ssyncadd.s32 $0xFFFFC000  }
0x8c: {  	[tilespmem:s26], [sflag:$0x3] =	stream.linear.gather [hbm4b:s13+s4], $0x80, $0x38;
	[tilespmem:$0x1CB00] =	vst v63  }
0x8d: {  	_ =	swait.ge [sflag:s24], $0x80  }
0x8e: {  	[sflag:s24] =	ssyncset.done $0x0  }
0x8f: {  	s13 =	sadd.s32 s12, s21;
	[sflag:s24] =	ssyncadd.s32 $0xFFFFFF80  }
0x90: {  	[tilespmem:s28], [sflag:$0x3] =	stream.linear.gather [hbm4b:s13+s4], $0x80, $0x38;
	[tilespmem:$0x1CB00] =	vst v63  }
0x91: {  	_ =	swait.ge [sflag:s24], $0x80  }
0x92: {  	[sflag:s24] =	ssyncset.done $0x0  }
0x93: {  	[sflag:s24] =	ssyncadd.s32 $0xFFFFFF80  }
0x94: {  	[tilespmem:s29], [sflag:$0x2] =	stream.indirect.gather [hbm4b:s6+s25], $0x80, s26, s25, $0xb8;
	[tilespmem:$0x1CB00] =	vst v63  }
0x95: {  	_ =	swait.ge [sflag:s30], $0x4000  }
0x96: {  	[sflag:s30] =	ssyncset.done $0x0  }
0x97: {  	[sflag:s30] =	ssyncadd.s32 $0xFFFFC000  }
0x98: {  	[spmem:s3] =	stream.indirect.scatter.add.f32 [tilespmem:s23], [sflag:$0x3], $0x80, s25, s25, $0xb8;
	[tilespmem:$0x1CB00] =	vst v63  }
0x99: {  	_ =	swait.ge [sflag:s24], $0x4000  }
0x9a: {  	s11 =	sshrl.u32 s11, $0x3;
	[sflag:s24] =	ssyncset.done $0x0  }
0x9b: {  	s14 =	sadd.s32 s5, s11;
	[sflag:s24] =	ssyncadd.s32 $0xFFFFC000  }
0x9c: {  	[tilespmem:s4], [sflag:$0x3] =	stream.linear.gather [hbm4b:s14+s4], $0x80, $0x38;
	[tilespmem:$0x1CB00] =	vst v63  }
0x9d: {  	_ =	swait.ge [sflag:s24], $0x80  }
0x9e: {  	[sflag:s24] =	ssyncset.done $0x0  }
0x9f: {  	s11 =	sadd.s32 s1, s11;
	[sflag:s24] =	ssyncadd.s32 $0xFFFFFF80  }
0xa0: {  	[tilespmem:s25], [sflag:$0x3] =	stream.linear.gather [hbm4b:s11+s4], $0x80, $0x38;
	[tilespmem:$0x1CB00] =	vst v63  }
0xa1: {  	_ =	swait.ge [sflag:s24], $0x80  }
0xa2: {  	[sflag:s24] =	ssyncset.done $0x0  }
0xa3: {  	[sflag:s24] =	ssyncadd.s32 $0xFFFFFF80  }
0xa4: {  	[tilespmem:s23], [sflag:$0x1] =	stream.indirect.gather [hbm4b:s6+s25], $0x80, s4, s25, $0xb8;
	[tilespmem:$0x1CB00] =	vst v63  }
0xa5: {  	_ =	swait.ge [sflag:s31], $0x4000  }
0xa6: {  	[sflag:s31] =	ssyncset.done $0x0  }
0xa7: {  	[sflag:s31] =	ssyncadd.s32 $0xFFFFC000  }
0xa8: {  	[spmem:s3] =	stream.indirect.scatter.add.f32 [tilespmem:s29], [sflag:$0x3], $0x80, s28, s25, $0xb8;
	[tilespmem:$0x1CB00] =	vst v63  }
0xa9: {  	_ =	swait.ge [sflag:s24], $0x4000  }
0xaa: {  	[sflag:s24] =	ssyncset.done $0x0  }
0xab: {  	s15 =	rddreg [dreg:$0x6];
	[sflag:s24] =	ssyncadd.s32 $0xFFFFC000  }
0xac: {  	[tilespmem:s26], [sflag:$0x3] =	stream.linear.gather [hbm4b:s15+s4], $0x80, $0x38;
	[tilespmem:$0x1CB00] =	vst v63  }
0xad: {  	_ =	swait.ge [sflag:s24], $0x80  }
0xae: {  	[sflag:s24] =	ssyncset.done $0x0  }
0xaf: {  	s16 =	rddreg [dreg:$0x7];
	[sflag:s24] =	ssyncadd.s32 $0xFFFFFF80  }
0xb0: {  	[tilespmem:s28], [sflag:$0x3] =	stream.linear.gather [hbm4b:s16+s4], $0x80, $0x38;
	[tilespmem:$0x1CB00] =	vst v63  }
0xb1: {  	_ =	swait.ge [sflag:s24], $0x80  }
0xb2: {  	[sflag:s24] =	ssyncset.done $0x0  }
0xb3: {  	[sflag:s24] =	ssyncadd.s32 $0xFFFFFF80  }
0xb4: {  	[tilespmem:s29], [sflag:$0x2] =	stream.indirect.gather [hbm4b:s6+s25], $0x80, s26, s25, $0xb8;
	[tilespmem:$0x1CB00] =	vst v63  }
0xb5: {  	_ =	swait.ge [sflag:s30], $0x4000  }
0xb6: {  	[sflag:s30] =	ssyncset.done $0x0  }
0xb7: {  	[sflag:s30] =	ssyncadd.s32 $0xFFFFC000  }
0xb8: {  	[spmem:s3] =	stream.indirect.scatter.add.f32 [tilespmem:s23], [sflag:$0x3], $0x80, s25, s25, $0xb8;
	[tilespmem:$0x1CB00] =	vst v63  }
0xb9: {  	_ =	swait.ge [sflag:s24], $0x4000  }
0xba: {  	[sflag:s24] =	ssyncset.done $0x0  }
0xbb: {  	[sflag:s24] =	ssyncadd.s32 $0xFFFFC000  }
0xbc: {  	_ =	swait.ge [sflag:s31], $0x4000  }
0xbd: {  	[sflag:s31] =	ssyncset.done $0x0  }
0xbe: {  	[sflag:s31] =	ssyncadd.s32 $0xFFFFC000  }
0xbf: {  	[spmem:s3] =	stream.indirect.scatter.add.f32 [tilespmem:s29], [sflag:$0x3], $0x80, s28, s25, $0xb8;
	[tilespmem:$0x1CB00] =	vst v63  }
0xc0: {  	_ =	swait.ge [sflag:s24], $0x4000  }
0xc1: {  	[sflag:s24] =	ssyncset.done $0x0  }
0xc2: {  	s12 =	rddreg [dreg:$0x8];
	[sflag:s24] =	ssyncadd.s32 $0xFFFFC000  }
0xc3: {  	[tilespmem:s0], [sflag:$0x3] =	stream.linear.gather [hbm4b:s12+s4], $0x10, $0x38;
	[tilespmem:$0x1CB00] =	vst v63  }
0xc4: {  	_ =	swait.ge [sflag:s24], $0x10  }
0xc5: {  	[sflag:s24] =	ssyncset.done $0x0  }
0xc6: {  	s13 =	rddreg [dreg:$0x9];
	[sflag:s24] =	ssyncadd.s32 $0xFFFFFFF0  }
0xc7: {  	[tilespmem:s2], [sflag:$0x3] =	stream.linear.gather [hbm4b:s13+s4], $0x10, $0x38;
	[tilespmem:$0x1CB00] =	vst v63  }
0xc8: {  	_ =	swait.ge [sflag:s24], $0x10  }
0xc9: {  	[sflag:s24] =	ssyncset.done $0x0  }
0xca: {  	[sflag:s24] =	ssyncadd.s32 $0xFFFFFFF0  }
0xcb: {  	[tilespmem:s9], [sflag:$0x1] =	stream.indirect.gather [hbm4b:s6+s8], $0x80, s0, s8, $0xb8;
	[tilespmem:$0x1CB00] =	vst v63  }
0xcc: {  	_ =	swait.ge [sflag:s30], $0x800  }
0xcd: {  	[sflag:s30] =	ssyncset.done $0x0  }
0xce: {  	[sflag:s30] =	ssyncadd.s32 $0xFFFFF800  }
0xcf: {  	[spmem:s3] =	stream.indirect.scatter.add.f32 [tilespmem:s9], [sflag:$0x3], $0x80, s2, s8, $0xb8;
	[tilespmem:$0x1CB00] =	vst v63  }
0xd0: {  	_ =	swait.ge [sflag:s24], $0x800  }
0xd1: {  	s14 =	stileid.u32;
	[sflag:s24] =	ssyncset.done $0x0  }
0xd2: {  	s11 =	sshll.u32 s14, $0x6;
	[sflag:s24] =	ssyncadd.s32 $0xFFFFF800  }
0xd3: {  	s11 =	sor.u32 $0x1C03, s11;
	s15 =	sshrl.u32 s7, $0x3;
	[bflag:$0x0] =	sbarrier.arrive $0xFFFF  }
0xd4: {  	[hbm:s19], [sflag:s11] =	dma.local [spmem:s15], $0x2800  }
0xd5: {  	_ =	swait.ge [sflag:s24], $0x2800  }
0xd6: {  	s10 =	sadd.s32 $0x1, s10;
	s16 =	rddreg [dreg:$0xa]  }
0xd7: {  	p0 =	sne.s32 s10, s16  }
.Ltmp2:
0xd8: {  	_ = 	snop;
	(pc) =	sbr.rel @p0 .LBB2_1-.Ltmp2, $3  }
0xd9: {  	_ =	sdelay $0x1  }
0xda: {  	[sflag:s24] =	ssyncset.done $0x0  }
0xdb: {  	[sflag:s24] =	ssyncadd.s32 $0xFFFFD800  }
0xdc: {  	_ =	sfence.sel $0x180000  }
0xdd: {  	[bflag:$0x0] =	sbarrier.arrive $0xFFFF  }
0xde: {  	_ =	strace $0x9000004A  }
0xdf: {  	s0 =	stileid.u32;
	[bflag:$0x2] =	sbarrier.arrive $0xFFFF  }
0xe0: {  	p0 =	sne.s32 s0, $0x0;
	s0 =	rddreg [dreg:$0x3]  }
0xe1: {  	s0 =	sadd.s32 @!p0 $0x100000, s0  }
0xe2: {  	[sflag:s0] =	ssyncadd.tile.s32 @!p0 $0x1;
	_ =	shalt  }
.Lfunc_end2:
_tile_overlayer_lowered:
.L_overlay_start_2:
0xe3: {  	(tag) =	ssettag $0x2  }
0xe4: {  	s0 =	rddreg [dreg:$0x0];
	s2 =	stileid.u32  }
0xe5: {  	s1 =	rddreg [dreg:$0x1];
	p0 =	sne.s32 s2, $0x0  }
0xe6: {  	s3 =	rddreg [dreg:$0x2];
	[bflag:$0x3] =	sbarrier.arrive $0xFFFF;
	s2 =	simm.s32 @!p0 $0x1C03  }
0xe7: {  	[timem:s3], [sflag:s2] =	dma.local @!p0 [hbm:s0], s1  }
0xe8: {  	s0 =	simm.s32 @!p0 $0x3  }
0xe9: {  	_ =	swait.ge @!p0 [sflag:s0], s1  }
0xea: {  	s1 =	ssub.s32 @!p0 $0x0, s1;
	[sflag:s0] =	ssyncset.done @!p0 $0x0  }
0xeb: {  	[sflag:s0] =	ssyncadd.s32 @!p0 s1  }
0xec: {  	[bflag:$0x3] =	sbarrier.arrive $0xFFFF  }
0xed: {  	_ =	shalt  }

// kernel: kernel.19.cloned.1.call-start
scs
__scs_entry_jumppad:
0x0: {  	(pc) =	sbr.rel $0x88, $3  }
0x1: {  	(tag) =	ssettag $0x0;
	lr =	simm.s32 $0x1  }
0x2: {  	[smem:$0x3F93] =	sst lr;
	_ =	strace $0xD0000000  }
0x3: {  	_ = 	snop  }
0x4: {  	_ = 	snop  }
0x5: {  	_ = 	snop  }
0x6: {  	_ = 	snop  }
0x7: {  	_ = 	snop  }
__scs_overlays_trampoline_lowered:
0x8: {  	[smem:$0x3FA2] =	sst s0  }
0x9: {  	[smem:$0x3FA3] =	sst s1  }
0xa: {  	[smem:$0x3FA4] =	sst s2  }
0xb: {  	[smem:$0x3FA5] =	sst s3  }
0xc: {  	[smem:$0x3FA6] =	sst s4  }
0xd: {  	[smem:$0x3FA7] =	sst s5  }
0xe: {  	[smem:$0x3FA8] =	sst s6  }
0xf: {  	[smem:$0x3FA9] =	sst s7  }
0x10: {  	[smem:$0x3FAA] =	sst s8  }
0x11: {  	[smem:$0x3FAB] =	sst s9;
	s0 =	simm.s32 @!p0 $0x0  }
0x12: {  	s1 =	sld [smem:$0x3F91];
	s0 =	simm.s32 @p0 $0x1  }
0x13: {  	[smem:$0x3FAC] =	sst s0;
	s0 =	simm.s32 @!p1 $0x0  }
0x14: {  	s2 =	sld [smem:$0x3F90];
	s0 =	simm.s32 @p1 $0x1  }
0x15: {  	[smem:$0x3FAD] =	sst s0;
	s0 =	simm.s32 @!p2 $0x0  }
0x16: {  	s3 =	sld [smem:$0x3FDB];
	s0 =	simm.s32 @p2 $0x1  }
0x17: {  	s4 =	simm.s32 $0x1BF5;
	[smem:$0x3FAF] =	sst s0  }
0x18: {  	s0 =	sld [smem:$0x3F92];
	_ =	swait.ge [sflag:s4], $0x0  }
0x19: {  	s7 =	sld [smem:$0x3F93]  }
0x1a: {  	s8 =	sadd.s32 $0xFFFFE003, lr  }
0x1b: {  	s9 =	sadd.s32 $0xFFFFFEF7, lr;
	s5 =	simm.s32 $0xFFFFFFFF;
	p2 =	slt.u32 s8, $0xFFFFF086  }
0x1c: {  	p1 =	slt.u32 s9, $0xF7A;
	s5 =	simm.s32 @!p2 $0x0  }
0x1d: {  	s5 =	simm.s32 @p1 $0x1;
	p0 =	seq.s32 s7, s2  }
0x1e: {  	s7 =	smul.u32 @!p0 $0xF7A, s2;
	p2 =	seq.s32 @!p0 s5, $0x0  }
0x1f: {  	s9 =	smul.u32 $0xF7A, s1;
	s8 =	simm.s32 @!p0 $0x1BF5;
	p2 =	por !p2, p0  }
0x20: {  	[sflag:s8] =	ssyncset.s32 @!p0 $0xFFFFF086;
	s6 =	sadd.s32 @!p0 s3, s7;
	s7 =	simm.s32 @!p0 $0x108  }
0x21: {  	s3 =	sadd.s32 s3, s9;
	s6 =	sadd.s32 @!p0 $0x88, s6;
	s7 =	simm.s32 @p2 $0x1082  }
0x22: {  	[simem:s7], [sflag:s8] =	dma.local @!p0 [hbm:s6], $0xF7A  }
0x23: {  	s9 =	sor.u32 $0xD0000000, s2;
	s6 =	simm.s32 $0x108;
	_ =	swait.ge @!p0 [sflag:s8], $0x0  }
0x24: {  	s3 =	sadd.s32 $0x88, s3;
	s6 =	simm.s32 @!p1 $0x1082;
	[sflag:s4] =	ssyncset.s32 $0xFFFFF086  }
0x25: {  	[simem:s6], [sflag:s4] =	dma.local [hbm:s3], $0xF7A  }
0x26: {  	[smem:$0x3F93] =	sst s1;
	(tag) =	ssettag s2;
	_ =	strace s9  }
0x27: {  	s1 =	sld [smem:$0x3FA3]  }
0x28: {  	s2 =	sld [smem:$0x3FA4]  }
0x29: {  	s4 =	sld [smem:$0x3FA6]  }
0x2a: {  	p0 =	seq.s32 s5, $0x0;
	s5 =	sld [smem:$0x3FA7]  }
0x2b: {  	s6 =	sld [smem:$0x3FA8]  }
0x2c: {  	s7 =	sld [smem:$0x3FA9]  }
0x2d: {  	s3 =	simm.s32 $0x108;
	s8 =	sld [smem:$0x3FAA]  }
0x2e: {  	s3 =	simm.s32 @!p0 $0x1082;
	s9 =	sld [smem:$0x3FAB]  }
0x2f: {  	lr =	sadd.s32 s0, s3;
	s0 =	sld [smem:$0x3FA2]  }
0x30: {  	s3 =	sld [smem:$0x3FA5]  }
0x31: {  	[smem:$0x3FAE] =	sst s10  }
0x32: {  	s10 =	sld [smem:$0x3FAC];
	_ =	sdelay $0x3  }
0x33: {  	p0 =	seq.s32 s10, $0x1;
	s10 =	sld [smem:$0x3FAE];
	_ =	sdelay $0x3  }
0x34: {  	[smem:$0x3FAE] =	sst s10  }
0x35: {  	s10 =	sld [smem:$0x3FAD];
	_ =	sdelay $0x3  }
0x36: {  	p1 =	seq.s32 s10, $0x1;
	s10 =	sld [smem:$0x3FAE];
	_ =	sdelay $0x3  }
0x37: {  	[smem:$0x3FAE] =	sst s10  }
0x38: {  	s10 =	sld [smem:$0x3FAF]  }
0x39: {  	_ = 	snop;
	(pc) =	sbr.ind lr, $3  }
0x3a: {  	_ = 	snop  }
0x3b: {  	_ = 	snop  }
0x3c: {  	p2 =	seq.s32 s10, $0x1;
	s10 =	sld [smem:$0x3FAE]  }
0x3d: {  	_ =	shalt  }
0x3e: {  	_ =	shalt  }
0x3f: {  	_ =	shalt  }
0x40: {  	_ =	shalt  }
0x41: {  	_ =	shalt  }
0x42: {  	_ =	shalt  }
0x43: {  	_ =	shalt  }
0x44: {  	_ =	shalt  }
0x45: {  	_ =	shalt  }
0x46: {  	_ =	shalt  }
0x47: {  	_ =	shalt  }
0x48: {  	_ =	shalt  }
0x49: {  	_ =	shalt  }
0x4a: {  	_ =	shalt  }
0x4b: {  	_ =	shalt  }
0x4c: {  	_ =	shalt  }
0x4d: {  	_ =	shalt  }
0x4e: {  	_ =	shalt  }
0x4f: {  	_ =	shalt  }
0x50: {  	_ =	shalt  }
0x51: {  	_ =	shalt  }
0x52: {  	_ =	shalt  }
0x53: {  	_ =	shalt  }
0x54: {  	_ =	shalt  }
0x55: {  	_ =	shalt  }
0x56: {  	_ =	shalt  }
0x57: {  	_ =	shalt  }
0x58: {  	_ =	shalt  }
0x59: {  	_ =	shalt  }
0x5a: {  	_ =	shalt  }
0x5b: {  	_ =	shalt  }
0x5c: {  	_ =	shalt  }
0x5d: {  	_ =	shalt  }
0x5e: {  	_ =	shalt  }
0x5f: {  	_ =	shalt  }
0x60: {  	_ =	shalt  }
0x61: {  	_ =	shalt  }
0x62: {  	_ =	shalt  }
0x63: {  	_ =	shalt  }
0x64: {  	_ =	shalt  }
0x65: {  	_ =	shalt  }
0x66: {  	_ =	shalt  }
0x67: {  	_ =	shalt  }
0x68: {  	_ =	shalt  }
0x69: {  	_ =	shalt  }
0x6a: {  	_ =	shalt  }
0x6b: {  	_ =	shalt  }
0x6c: {  	_ =	shalt  }
0x6d: {  	_ =	shalt  }
0x6e: {  	_ =	shalt  }
0x6f: {  	_ =	shalt  }
0x70: {  	_ =	shalt  }
0x71: {  	_ =	shalt  }
0x72: {  	_ =	shalt  }
0x73: {  	_ =	shalt  }
0x74: {  	_ =	shalt  }
0x75: {  	_ =	shalt  }
0x76: {  	_ =	shalt  }
0x77: {  	_ =	shalt  }
0x78: {  	_ =	shalt  }
0x79: {  	_ =	shalt  }
0x7a: {  	_ =	shalt  }
0x7b: {  	_ =	shalt  }
0x7c: {  	_ =	shalt  }
0x7d: {  	_ =	shalt  }
0x7e: {  	_ =	shalt  }
0x7f: {  	_ =	shalt  }
0x80: {  	_ =	shalt  }
0x81: {  	_ =	shalt  }
0x82: {  	_ =	shalt  }
0x83: {  	_ =	shalt  }
0x84: {  	_ =	shalt  }
0x85: {  	_ =	shalt  }
0x86: {  	_ =	shalt  }
0x87: {  	_ =	shalt  }
.Lfunc_end0:
.L_simem_size_0:
called_computation.2_lowered:
.L_overlay_start_0:
0x88: {  	s2 =	sld [smem:$0x3FD9]  }
0x89: {  	s3 =	sld [smem:$0x3FFE];
	_ =	sdelay $0x1  }
0x8a: {  	s1 =	srdreg.scid  }
0x8b: {  	s0 =	sand.u32 $0x1, s1  }
0x8c: {  	s17 =	sshll.u32 s0, $0xA;
	s2 =	sadd.s32 s3, s2  }
0x8d: {  	s2 =	sadd.s32 s2, s17  }
0x8e: {  	[smem:$0x3FBA] =	sst s2  }
0x8f: {  	_ = 	snop  }
0x90: {  	s2 =	sld [smem:$0x3FD0];
	(tm) =	ssettm $0x1  }
0x91: {  	s18 =	sld [smem:$0x3FFB];
	_ =	sdelay $0x3  }
0x92: {  	_ =	strace s18  }
0x93: {  	s3 =	sld [smem:$0x3FFC];
	_ =	sdelay $0x3  }
0x94: {  	_ =	strace s3  }
0x95: {  	s3 =	sld [smem:$0x3FFD];
	_ =	sdelay $0x3  }
0x96: {  	_ =	strace s3  }
0x97: {  	_ =	strace $0x8FFFFFFF  }
0x98: {  	s19 =	sld [smem:$0x3FDB];
	_ =	sdelay $0x1  }
0x99: {  	s4 =	simm.s32 $_scs_section_size  }
0x9a: {  	s5 =	simm.s32 $_size__tile_overlayer_lowered;
	s6 =	simm.s32 $_tile_overlayer_lowered  }
0x9b: {  	s22 =	simm.s32 $0x1BFF;
	s21 =	sshll.u32 s6, $0x1;
	s3 =	sadd.s32 s4, s19  }
0x9c: {  	s7 =	simm.s32 $0x0;
	s20 =	sshll.u32 s5, $0x1;
	s5 =	sadd.s32 s21, s3  }
0x9d: {  	[timem:s7], [sflag:s22] =	dma.local [hbm:s5], s20  }
0x9e: {  	_ =	swait.ge [sflag:s22], s20  }
0x9f: {  	s4 =	ssub.s32 $0x0, s20;
	[sflag:s22] =	ssyncset.done $0x0  }
0xa0: {  	[sflag:s22] =	ssyncadd.s32 s4;
	_ =	sdelay $0x1  }
0xa1: {  	s23 =	simm.s32 $0x1B8B  }
0xa2: {  	_ =	swait.ge [sflag:s23], $0x1  }
0xa3: {  	[sflag:s23] =	ssyncset.done $0x0  }
0xa4: {  	s25 =	simm.s32 $0x1B8E;
	s24 =	sld [smem:$0x3FFE];
	[sflag:s23] =	ssyncadd.s32 $0xFFFFFFFF  }
0xa5: {  	s26 =	simm.s32 $execute0_lowered;
	[smem:$0x3FD2] =	sst s25  }
0xa6: {  	s5 =	sshll.u32 s26, $0x1;
	_ =	strace $0x8000004C;
	[dreg:$0x1] =	wrdreg $0xFFFFFFFF  }
0xa7: {  	s28 =	simm.s32 $_size_execute0_lowered;
	s3 =	sadd.s32 s3, s5;
	[dreg:$0x0] =	wrdreg $0x0  }
0xa8: {  	s5 =	sshll.u32 s28, $0x1;
	[dreg:$0x2] =	wrdreg s3  }
0xa9: {  	[dreg:$0x3] =	wrdreg s5  }
0xaa: {  	[dreg:$0x4] =	wrdreg $0xC0  }
0xab: {  	_ =	task [dreg:s7], $0x5FFFF  }
0xac: {  	[dreg:$0x1] =	wrdreg $0xFFFFFFFF  }
0xad: {  	[dreg:$0x0] =	wrdreg $0x60  }
0xae: {  	[dreg:$0x2] =	wrdreg s24  }
0xaf: {  	[dreg:$0x3] =	wrdreg s2  }
0xb0: {  	[dreg:$0x4] =	wrdreg $0x93000  }
0xb1: {  	[dreg:$0x5] =	wrdreg $0x9  }
0xb2: {  	_ =	task.clear_ibuf [dreg:s7], $0x6FFFF;
	_ =	strace $0x9000004C  }
0xb3: {  	s29 =	simm.s32 $0x9;
	_ =	strace $0x8000004E  }
0xb4: {  	_ =	swait.ge [sflag:s29], $0x1  }
0xb5: {  	[sflag:s29] =	ssyncadd.s32 $0xFFFFFFFF  }
0xb6: {  	_ =	strace $0x9000004E  }
0xb7: {  	_ =	sfence  }
0xb8: {  	s30 =	sld [smem:$0x0];
	_ =	sdelay $0x2  }
0xb9: {  	s31 =	sshll.u32 s1, $0xD;
	s1 =	sshrl.u32 s1, $0x2  }
0xba: {  	s3 =	sand.u32 $0x4000, s31;
	s1 =	sadd.s32 s1, s30  }
0xbb: {  	s0 =	sor.u32 s3, s0;
	s1 =	sshll.u32 s1, $0x11  }
0xbc: {  	s0 =	sor.u32 s1, s0  }
0xbd: {  	s0 =	sadd.s32 $0x8F2B, s0  }
0xbe: {  	[sflag:s0] =	ssyncadd.remote.s32 $0x1  }
0xbf: {  	_ =	sfence.sel $0xFFFF  }
0xc0: {  	[dreg:$0x0] =	wrdreg $0xFFFFFFFF;
	(pc) =	sbr.abs _section_cstart, $3  }
0xc1: {  	[dreg:$0x1] =	wrdreg $0xFFFFFFFF  }
0xc2: {  	_ =	task.clear_ibuf [dreg:s7], $0x2FFFF;
	_ =	strace $0x9FFFFFFF  }
0xc3: {  	(tm) =	ssettm $0x7FFFFFFF  }
tec
execute0_lowered:
.L_overlay_start_1:
0x0: {  	(tag) =	ssettag $0x1  }
0x1: {  	s0 =	rddreg [dreg:$0x0]  }
0x2: {  	s2 =	rddreg [dreg:$0x1]  }
0x3: {  	s1 =	rddreg [dreg:$0x2]  }
0x4: {  	s3 =	simm.s32 $0x0;
	s11 =	stileid.u32;
	s7 =	srdreg.scid  }
0x5: {  	s28 =	simm.s32 $0x4180;
	s29 =	simm.s32 $0x4200;
	s30 =	simm.s32 $0x1  }
0x6: {  	s31 =	simm.s32 $0x2;
	[smem:$0x7FF] =	sst s3;
	s6 =	sadd.s32 $0x2200, s0  }
0x7: {  	s4 =	sadd.s32 $0xC000, s0;
	s8 =	smul.u32 $0x50000, s11;
	s5 =	sadd.s32 $0x84000, s0  }
0x8: {  	s9 =	smul.u32 $0x4E20, s11;
	s10 =	sadd.s32 $0x5C000, s0;
	s0 =	sadd.s32 $0x34000, s0  }
0x9: {  	s24 =	smul.u32 $0x2800, s11;
	_ =	strace $0x8000004D;
	[dreg:$0x4] =	wrdreg s10  }
0xa: {  	s7 =	sand.u32 $0x1, s7;
	s26 =	smul.u32 $0x9C4, s11;
	[dreg:$0x5] =	wrdreg s0  }
0xb: {  	s19 =	ssub.s32 $0x2, s7;
	p0 =	sne.s32 s7, $0x0;
	s7 =	simm.s32 $0x20  }
0xc: {  	s20 =	sshrl.u32 s19, $0x1;
	s8 =	sshrl.u32 s8, $0x2;
	s9 =	sshrl.u32 s9, $0x3  }
0xd: {  	[dreg:$0xa] =	wrdreg s24;
	s24 =	simm.s32 $0x3;
	s0 =	ssub.s32 s19, s20  }
0xe: {  	s8 =	sadd.s32 s8, s1;
	s21 =	sadd.s32 $0x9B0, s9;
	s12 =	sadd.s32 s6, s9  }
0xf: {  	s22 =	sadd.s32 s2, s9;
	s9 =	sadd.s32 $0x9C0, s9;
	[dreg:$0x6] =	wrdreg s12  }
0x10: {  	[dreg:$0x7] =	wrdreg s22;
	s23 =	sadd.s32 s6, s21;
	s10 =	sadd.s32 s2, s21  }
0x11: {  	s25 =	sadd.s32 s6, s9;
	s9 =	sadd.s32 s2, s9;
	s16 =	smax.u32 s0, $0x1  }
0x12: {  	s17 =	sadd.s32 $0x4000, s8;
	s18 =	sadd.s32 $0x8000, s8;
	s19 =	sadd.s32 $0xC000, s8  }
.Ltmp0:
0x13: {  	s20 =	sadd.s32 $0x10000, s8;
	[dreg:$0x8] =	wrdreg s23;
	(pc) =	sbr.rel .LBB2_1-.Ltmp0, $4  }
0x14: {  	s21 =	sadd.s32 s26, s2;
	s22 =	sadd.s32 s26, s6;
	[dreg:$0x9] =	wrdreg s10  }
0x15: {  	s26 =	simm.s32 $0x4100;
	s0 =	simm.s32 $0x8200;
	[dreg:$0xb] =	wrdreg s25  }
0x16: {  	s6 =	simm.s32 $0x8280;
	s2 =	simm.s32 $0x8300;
	[dreg:$0xc] =	wrdreg s9  }
0x17: {  	v0 =	vimm.f32 $0.0e+00;
	s23 =	simm.s32 $0x100;
	s25 =	simm.s32 $0x80;
	s9 =	simm.s32 $0x0  }
.LBB2_9:
0x18: {  	s11 =	sadd.s32 $0x9B0, s12;
	[sflag:s24] =	ssyncadd.s32 $0xFFFFC000  }
0x19: {  	[tilespmem:s26], [sflag:$0x3] =	stream.linear.gather [hbm4b:s11+s3], $0x80, $0x38;
	[tilespmem:$0x1D300] =	vst v63  }
0x1a: {  	_ =	swait.ge [sflag:s24], $0x80  }
0x1b: {  	s10 =	sadd.s32 s10, s21;
	[sflag:s24] =	ssyncset.done $0x0  }
0x1c: {  	s14 =	sadd.s32 $0x9B0, s10;
	[sflag:s24] =	ssyncadd.s32 $0xFFFFFF80  }
0x1d: {  	[tilespmem:s28], [sflag:$0x3] =	stream.linear.gather [hbm4b:s14+s3], $0x80, $0x38;
	[tilespmem:$0x1D300] =	vst v63  }
0x1e: {  	_ =	swait.ge [sflag:s24], $0x80  }
0x1f: {  	[sflag:s24] =	ssyncset.done $0x0  }
0x20: {  	[sflag:s24] =	ssyncadd.s32 $0xFFFFFF80  }
0x21: {  	[tilespmem:s29], [sflag:$0x2] =	stream.indirect.gather [hbm4b:s5+s25], $0x80, s26, s25, $0xb8;
	[tilespmem:$0x1D300] =	vst v63  }
0x22: {  	_ =	swait.ge [sflag:s30], $0x4000  }
0x23: {  	[sflag:s30] =	ssyncset.done $0x0  }
0x24: {  	[sflag:s30] =	ssyncadd.s32 $0xFFFFC000  }
0x25: {  	[spmem:s1] =	stream.indirect.scatter.add.f32 [tilespmem:s23], [sflag:$0x3], $0x80, s25, s25, $0xb8;
	[tilespmem:$0x1D300] =	vst v63  }
0x26: {  	_ =	swait.ge [sflag:s24], $0x4000  }
0x27: {  	[sflag:s24] =	ssyncset.done $0x0  }
0x28: {  	s15 =	sadd.s32 $0x9C0, s12;
	[sflag:s24] =	ssyncadd.s32 $0xFFFFC000  }
0x29: {  	[tilespmem:s3], [sflag:$0x3] =	stream.linear.gather [hbm4b:s15+s3], $0x80, $0x38;
	[tilespmem:$0x1D300] =	vst v63  }
0x2a: {  	_ =	swait.ge [sflag:s24], $0x80  }
0x2b: {  	[sflag:s24] =	ssyncset.done $0x0  }
0x2c: {  	s10 =	sadd.s32 $0x9C0, s10;
	[sflag:s24] =	ssyncadd.s32 $0xFFFFFF80  }
0x2d: {  	[tilespmem:s25], [sflag:$0x3] =	stream.linear.gather [hbm4b:s10+s3], $0x80, $0x38;
	[tilespmem:$0x1D300] =	vst v63  }
0x2e: {  	_ =	swait.ge [sflag:s24], $0x80  }
0x2f: {  	[sflag:s24] =	ssyncset.done $0x0  }
0x30: {  	[sflag:s24] =	ssyncadd.s32 $0xFFFFFF80  }
0x31: {  	[tilespmem:s23], [sflag:$0x1] =	stream.indirect.gather [hbm4b:s5+s25], $0x80, s3, s25, $0xb8;
	[tilespmem:$0x1D300] =	vst v63  }
0x32: {  	_ =	swait.ge [sflag:s31], $0x4000  }
0x33: {  	[sflag:s31] =	ssyncset.done $0x0  }
0x34: {  	[sflag:s31] =	ssyncadd.s32 $0xFFFFC000  }
0x35: {  	[spmem:s1] =	stream.indirect.scatter.add.f32 [tilespmem:s29], [sflag:$0x3], $0x80, s28, s25, $0xb8;
	[tilespmem:$0x1D300] =	vst v63  }
0x36: {  	_ =	swait.ge [sflag:s24], $0x4000  }
0x37: {  	[sflag:s24] =	ssyncset.done $0x0  }
0x38: {  	s11 =	smov.u32 s5;
	s10 =	rddreg [dreg:$0x5];
	[sflag:s24] =	ssyncadd.s32 $0xFFFFC000  }
.LBB2_10:
0x39: {  	s12 =	rddreg [dreg:$0x8]  }
0x3a: {  	[tilespmem:s26], [sflag:$0x3] =	stream.linear.gather [hbm4b:s12+s3], $0x80, $0x38;
	[tilespmem:$0x1D300] =	vst v63  }
0x3b: {  	_ =	swait.ge [sflag:s24], $0x80  }
0x3c: {  	[sflag:s24] =	ssyncset.done $0x0  }
0x3d: {  	s13 =	rddreg [dreg:$0x9];
	[sflag:s24] =	ssyncadd.s32 $0xFFFFFF80  }
0x3e: {  	[tilespmem:s28], [sflag:$0x3] =	stream.linear.gather [hbm4b:s13+s3], $0x80, $0x38;
	[tilespmem:$0x1D300] =	vst v63  }
0x3f: {  	_ =	swait.ge [sflag:s24], $0x80  }
0x40: {  	[sflag:s24] =	ssyncset.done $0x0  }
0x41: {  	[sflag:s24] =	ssyncadd.s32 $0xFFFFFF80  }
0x42: {  	[tilespmem:s29], [sflag:$0x2] =	stream.indirect.gather [hbm4b:s11+s25], $0x80, s26, s25, $0xb8;
	[tilespmem:$0x1D300] =	vst v63  }
0x43: {  	_ =	swait.ge [sflag:s30], $0x4000  }
0x44: {  	[sflag:s30] =	ssyncset.done $0x0  }
0x45: {  	[sflag:s30] =	ssyncadd.s32 $0xFFFFC000  }
0x46: {  	[spmem:s1] =	stream.indirect.scatter.add.f32 [tilespmem:s23], [sflag:$0x3], $0x80, s25, s25, $0xb8;
	[tilespmem:$0x1D300] =	vst v63  }
0x47: {  	_ =	swait.ge [sflag:s24], $0x4000  }
0x48: {  	[sflag:s24] =	ssyncset.done $0x0  }
0x49: {  	[sflag:s24] =	ssyncadd.s32 $0xFFFFC000  }
0x4a: {  	_ =	swait.ge [sflag:s31], $0x4000  }
0x4b: {  	[sflag:s31] =	ssyncset.done $0x0  }
0x4c: {  	[sflag:s31] =	ssyncadd.s32 $0xFFFFC000  }
0x4d: {  	[spmem:s1] =	stream.indirect.scatter.add.f32 [tilespmem:s29], [sflag:$0x3], $0x80, s28, s25, $0xb8;
	[tilespmem:$0x1D300] =	vst v63  }
0x4e: {  	_ =	swait.ge [sflag:s24], $0x4000  }
0x4f: {  	[sflag:s24] =	ssyncset.done $0x0  }
0x50: {  	s14 =	rddreg [dreg:$0xb];
	[sflag:s24] =	ssyncadd.s32 $0xFFFFC000  }
0x51: {  	[tilespmem:s0], [sflag:$0x3] =	stream.linear.gather [hbm4b:s14+s3], $0x20, $0x38;
	[tilespmem:$0x1D300] =	vst v63  }
0x52: {  	_ =	swait.ge [sflag:s24], $0x20  }
0x53: {  	[sflag:s24] =	ssyncset.done $0x0  }
0x54: {  	s15 =	rddreg [dreg:$0xc];
	[sflag:s24] =	ssyncadd.s32 $0xFFFFFFE0  }
0x55: {  	[tilespmem:s6], [sflag:$0x3] =	stream.linear.gather [hbm4b:s15+s3], $0x20, $0x38;
	[tilespmem:$0x1D300] =	vst v63  }
0x56: {  	_ =	swait.ge [sflag:s24], $0x20  }
0x57: {  	[sflag:s24] =	ssyncset.done $0x0  }
0x58: {  	[sflag:s24] =	ssyncadd.s32 $0xFFFFFFE0  }
0x59: {  	[tilespmem:s2], [sflag:$0x1] =	stream.indirect.gather [hbm4b:s11+s7], $0x80, s0, s7, $0xb8;
	[tilespmem:$0x1D300] =	vst v63  }
0x5a: {  	_ =	swait.ge [sflag:s30], $0x1000  }
0x5b: {  	[sflag:s30] =	ssyncset.done $0x0  }
0x5c: {  	s9 =	sadd.s32 $0x1, s9;
	[sflag:s30] =	ssyncadd.s32 $0xFFFFF000  }
0x5d: {  	[spmem:s1] =	stream.indirect.scatter.add.f32 [tilespmem:s2], [sflag:$0x3], $0x80, s6, s7, $0xb8;
	[tilespmem:$0x1D300] =	vst v63  }
0x5e: {  	p1 =	sne.s32 s9, s16;
	s14 =	stileid.u32;
	_ =	swait.ge [sflag:s24], $0x1000  }
0x5f: {  	s15 =	sshrl.u32 s8, $0x3;
	s11 =	sshll.u32 s14, $0x6;
	[sflag:s24] =	ssyncset.done $0x0  }
0x60: {  	s11 =	sor.u32 $0x1C03, s11;
	s13 =	rddreg [dreg:$0xa];
	[sflag:s24] =	ssyncadd.s32 $0xFFFFF000  }
.Ltmp1:
0x61: {  	s10 =	sadd.s32 s10, s13;
	[bflag:$0x0] =	sbarrier.arrive $0xFFFF;
	(pc) =	sbr.rel @!p1 .LBB2_11-.Ltmp1, $4  }
0x62: {  	[hbm:s10], [sflag:s11] =	dma.local [spmem:s15], $0x2800  }
0x63: {  	_ =	swait.ge [sflag:s24], $0x2800  }
0x64: {  	[sflag:s24] =	ssyncset.done $0x0  }
0x65: {  	[sflag:s24] =	ssyncadd.s32 $0xFFFFD800  }
.LBB2_1:
0x66: {  	s10 =	simm.s32 $0x0;
	s11 =	simm.s32 $0x200  }
.LBB2_2:
0x67: {  	p1 =	sne.s32 s11, $0xFE00;
	[tilespmem:s10+$0x170] =	vst v0  }
0x68: {  	[tilespmem:s10+$0x100] =	vst v0  }
0x69: {  	[tilespmem:s10+$0x110] =	vst v0  }
.Ltmp2:
0x6a: {  	[tilespmem:s10+$0x120] =	vst v0;
	(pc) =	sbr.rel @p1 .LBB2_2-.Ltmp2, $4  }
0x6b: {  	[tilespmem:s10+$0x130] =	vst v0  }
0x6c: {  	[tilespmem:s10+$0x140] =	vst v0  }
0x6d: {  	[tilespmem:s10+$0x150] =	vst v0  }
0x6e: {  	[tilespmem:s10+$0x160] =	vst v0;
	s10 =	sshra.s32 s11, $0x2;
	s11 =	sadd.s32 $0x200, s11  }
0x6f: {  	[tilespmem:s10+$0x170] =	vst v0  }
0x70: {  	[tilespmem:s10+$0x100] =	vst v0  }
0x71: {  	[tilespmem:s10+$0x110] =	vst v0  }
0x72: {  	[tilespmem:s10+$0x120] =	vst v0  }
0x73: {  	[tilespmem:s10+$0x130] =	vst v0  }
0x74: {  	[tilespmem:s10+$0x140] =	vst v0  }
0x75: {  	[tilespmem:s10+$0x150] =	vst v0  }
0x76: {  	[tilespmem:s10+$0x160] =	vst v0  }
0x77: {  	[spmem:s8] =	stream.linear.scatter [tilespmem:s23], [sflag:$0x3], $0x4000, $0x38;
	[tilespmem:$0x1D300] =	vst v63  }
0x78: {  	_ =	swait.ge [sflag:s24], $0x4000  }
0x79: {  	[sflag:s24] =	ssyncset.done $0x0  }
0x7a: {  	[sflag:s24] =	ssyncadd.s32 $0xFFFFC000  }
0x7b: {  	[spmem:s17] =	stream.linear.scatter [tilespmem:s23], [sflag:$0x3], $0x4000, $0x38;
	[tilespmem:$0x1D300] =	vst v63  }
0x7c: {  	_ =	swait.ge [sflag:s24], $0x4000  }
0x7d: {  	[sflag:s24] =	ssyncset.done $0x0  }
0x7e: {  	[sflag:s24] =	ssyncadd.s32 $0xFFFFC000  }
0x7f: {  	[spmem:s18] =	stream.linear.scatter [tilespmem:s23], [sflag:$0x3], $0x4000, $0x38;
	[tilespmem:$0x1D300] =	vst v63  }
0x80: {  	_ =	swait.ge [sflag:s24], $0x4000  }
0x81: {  	[sflag:s24] =	ssyncset.done $0x0  }
0x82: {  	[sflag:s24] =	ssyncadd.s32 $0xFFFFC000  }
0x83: {  	[spmem:s19] =	stream.linear.scatter [tilespmem:s23], [sflag:$0x3], $0x4000, $0x38;
	[tilespmem:$0x1D300] =	vst v63  }
0x84: {  	_ =	swait.ge [sflag:s24], $0x4000  }
0x85: {  	[sflag:s24] =	ssyncset.done $0x0  }
0x86: {  	[sflag:s24] =	ssyncadd.s32 $0xFFFFC000  }
0x87: {  	[spmem:s20] =	stream.linear.scatter [tilespmem:s23], [sflag:$0x3], $0x4000, $0x38;
	[tilespmem:$0x1D300] =	vst v63  }
0x88: {  	_ =	swait.ge [sflag:s24], $0x4000  }
0x89: {  	[sflag:s24] =	ssyncset.done $0x0  }
0x8a: {  	[sflag:s24] =	ssyncadd.s32 $0xFFFFC000  }
0x8b: {  	[bflag:$0x0] =	sbarrier.arrive $0xFFFF  }
0x8c: {  	s14 =	rddreg [dreg:$0x6]  }
0x8d: {  	[tilespmem:s3], [sflag:$0x3] =	stream.linear.gather [hbm4b:s14+s3], $0x80, $0x38;
	[tilespmem:$0x1D300] =	vst v63  }
0x8e: {  	_ =	swait.ge [sflag:s24], $0x80  }
0x8f: {  	[sflag:s24] =	ssyncset.done $0x0  }
.Ltmp3:
0x90: {  	s15 =	rddreg [dreg:$0x7];
	[sflag:s24] =	ssyncadd.s32 $0xFFFFFF80;
	(pc) =	sbr.rel @p0 .LBB2_7-.Ltmp3, $4  }
0x91: {  	[tilespmem:s25], [sflag:$0x3] =	stream.linear.gather [hbm4b:s15+s3], $0x80, $0x38;
	[tilespmem:$0x1D300] =	vst v63  }
0x92: {  	_ =	swait.ge [sflag:s24], $0x80  }
0x93: {  	[sflag:s24] =	ssyncset.done $0x0  }
0x94: {  	[sflag:s24] =	ssyncadd.s32 $0xFFFFFF80  }
0x95: {  	[tilespmem:s23], [sflag:$0x1] =	stream.indirect.gather [hbm4b:s4+s25], $0x80, s3, s25, $0xb8;
	[tilespmem:$0x1D300] =	vst v63  }
0x96: {  	s10 =	sadd.s32 $0xFFFFF660, s22  }
0x97: {  	s11 =	sadd.s32 $0x9B0, s10  }
0x98: {  	[tilespmem:s26], [sflag:$0x3] =	stream.linear.gather [hbm4b:s11+s3], $0x80, $0x38;
	[tilespmem:$0x1D300] =	vst v63  }
0x99: {  	_ =	swait.ge [sflag:s24], $0x80  }
0x9a: {  	s14 =	sadd.s32 $0xFFFFF660, s21;
	[sflag:s24] =	ssyncset.done $0x0  }
0x9b: {  	s12 =	sadd.s32 $0x9B0, s14;
	[sflag:s24] =	ssyncadd.s32 $0xFFFFFF80  }
0x9c: {  	[tilespmem:s28], [sflag:$0x3] =	stream.linear.gather [hbm4b:s12+s3], $0x80, $0x38;
	[tilespmem:$0x1D300] =	vst v63  }
0x9d: {  	_ =	swait.ge [sflag:s24], $0x80  }
0x9e: {  	[sflag:s24] =	ssyncset.done $0x0  }
0x9f: {  	[sflag:s24] =	ssyncadd.s32 $0xFFFFFF80  }
0xa0: {  	[tilespmem:s29], [sflag:$0x2] =	stream.indirect.gather [hbm4b:s4+s25], $0x80, s26, s25, $0xb8;
	[tilespmem:$0x1D300] =	vst v63  }
0xa1: {  	_ =	swait.ge [sflag:s30], $0x4000  }
0xa2: {  	[sflag:s30] =	ssyncset.done $0x0  }
0xa3: {  	[sflag:s30] =	ssyncadd.s32 $0xFFFFC000  }
0xa4: {  	[spmem:s1] =	stream.indirect.scatter.add.f32 [tilespmem:s23], [sflag:$0x3], $0x80, s25, s25, $0xb8;
	[tilespmem:$0x1D300] =	vst v63  }
0xa5: {  	_ =	swait.ge [sflag:s24], $0x4000  }
0xa6: {  	[sflag:s24] =	ssyncset.done $0x0  }
0xa7: {  	s10 =	sadd.s32 $0x9C0, s10;
	[sflag:s24] =	ssyncadd.s32 $0xFFFFC000  }
0xa8: {  	[tilespmem:s3], [sflag:$0x3] =	stream.linear.gather [hbm4b:s10+s3], $0x80, $0x38;
	[tilespmem:$0x1D300] =	vst v63  }
0xa9: {  	_ =	swait.ge [sflag:s24], $0x80  }
0xaa: {  	[sflag:s24] =	ssyncset.done $0x0  }
0xab: {  	s15 =	sadd.s32 $0x9C0, s14;
	[sflag:s24] =	ssyncadd.s32 $0xFFFFFF80  }
0xac: {  	[tilespmem:s25], [sflag:$0x3] =	stream.linear.gather [hbm4b:s15+s3], $0x80, $0x38;
	[tilespmem:$0x1D300] =	vst v63  }
0xad: {  	_ =	swait.ge [sflag:s24], $0x80  }
0xae: {  	[sflag:s24] =	ssyncset.done $0x0  }
0xaf: {  	[sflag:s24] =	ssyncadd.s32 $0xFFFFFF80  }
0xb0: {  	[tilespmem:s23], [sflag:$0x1] =	stream.indirect.gather [hbm4b:s4+s25], $0x80, s3, s25, $0xb8;
	[tilespmem:$0x1D300] =	vst v63  }
0xb1: {  	_ =	swait.ge [sflag:s31], $0x4000  }
0xb2: {  	[sflag:s31] =	ssyncset.done $0x0  }
0xb3: {  	[sflag:s31] =	ssyncadd.s32 $0xFFFFC000  }
0xb4: {  	[spmem:s1] =	stream.indirect.scatter.add.f32 [tilespmem:s29], [sflag:$0x3], $0x80, s28, s25, $0xb8;
	[tilespmem:$0x1D300] =	vst v63  }
0xb5: {  	s11 =	simm.s32 $0xFFFFF6A0;
	_ =	swait.ge [sflag:s24], $0x4000  }
0xb6: {  	s12 =	sadd.s32 $0xFFFFF680, s22;
	s10 =	simm.s32 $0xFFFFF680;
	[sflag:s24] =	ssyncset.done $0x0  }
.LBB2_5:
0xb7: {  	s14 =	sadd.s32 $0x9B0, s12  }
0xb8: {  	[sflag:s24] =	ssyncadd.s32 $0xFFFFC000;
	s15 =	smov.u32 s11;
	s13 =	sadd.s32 $0x20, s11  }
0xb9: {  	[tilespmem:s26], [sflag:$0x3] =	stream.linear.gather [hbm4b:s14+s3], $0x80, $0x38;
	[tilespmem:$0x1D300] =	vst v63  }
0xba: {  	p1 =	seq.s32 s11, $0xFFFFFFE0;
	_ =	swait.ge [sflag:s24], $0x80  }
0xbb: {  	s11 =	sadd.s32 s10, s21;
	s10 =	smov.u32 s15;
	[sflag:s24] =	ssyncset.done $0x0  }
0xbc: {  	s14 =	sadd.s32 $0x9B0, s11;
	[sflag:s24] =	ssyncadd.s32 $0xFFFFFF80  }
0xbd: {  	[tilespmem:s28], [sflag:$0x3] =	stream.linear.gather [hbm4b:s14+s3], $0x80, $0x38;
	[tilespmem:$0x1D300] =	vst v63  }
0xbe: {  	_ =	swait.ge [sflag:s24], $0x80  }
0xbf: {  	[sflag:s24] =	ssyncset.done $0x0  }
0xc0: {  	[sflag:s24] =	ssyncadd.s32 $0xFFFFFF80  }
0xc1: {  	[tilespmem:s29], [sflag:$0x2] =	stream.indirect.gather [hbm4b:s4+s25], $0x80, s26, s25, $0xb8;
	[tilespmem:$0x1D300] =	vst v63  }
0xc2: {  	_ =	swait.ge [sflag:s30], $0x4000  }
0xc3: {  	[sflag:s30] =	ssyncset.done $0x0  }
0xc4: {  	[sflag:s30] =	ssyncadd.s32 $0xFFFFC000  }
0xc5: {  	[spmem:s1] =	stream.indirect.scatter.add.f32 [tilespmem:s23], [sflag:$0x3], $0x80, s25, s25, $0xb8;
	[tilespmem:$0x1D300] =	vst v63  }
0xc6: {  	_ =	swait.ge [sflag:s24], $0x4000  }
0xc7: {  	[sflag:s24] =	ssyncset.done $0x0  }
0xc8: {  	s12 =	sadd.s32 $0x9C0, s12;
	[sflag:s24] =	ssyncadd.s32 $0xFFFFC000  }
0xc9: {  	[tilespmem:s3], [sflag:$0x3] =	stream.linear.gather [hbm4b:s12+s3], $0x80, $0x38;
	[tilespmem:$0x1D300] =	vst v63  }
0xca: {  	_ =	swait.ge [sflag:s24], $0x80  }
0xcb: {  	[sflag:s24] =	ssyncset.done $0x0  }
0xcc: {  	s11 =	sadd.s32 $0x9C0, s11;
	[sflag:s24] =	ssyncadd.s32 $0xFFFFFF80  }
0xcd: {  	[tilespmem:s25], [sflag:$0x3] =	stream.linear.gather [hbm4b:s11+s3], $0x80, $0x38;
	[tilespmem:$0x1D300] =	vst v63  }
0xce: {  	_ =	swait.ge [sflag:s24], $0x80  }
0xcf: {  	[sflag:s24] =	ssyncset.done $0x0  }
0xd0: {  	[sflag:s24] =	ssyncadd.s32 $0xFFFFFF80  }
0xd1: {  	[tilespmem:s23], [sflag:$0x1] =	stream.indirect.gather [hbm4b:s4+s25], $0x80, s3, s25, $0xb8;
	[tilespmem:$0x1D300] =	vst v63  }
0xd2: {  	_ =	swait.ge [sflag:s31], $0x4000  }
.Ltmp4:
0xd3: {  	[sflag:s31] =	ssyncset.done $0x0;
	(pc) =	sbr.rel @!p1 .LBB2_5-.Ltmp4, $4  }
0xd4: {  	[sflag:s31] =	ssyncadd.s32 $0xFFFFC000  }
0xd5: {  	[spmem:s1] =	stream.indirect.scatter.add.f32 [tilespmem:s29], [sflag:$0x3], $0x80, s28, s25, $0xb8;
	[tilespmem:$0x1D300] =	vst v63  }
0xd6: {  	_ =	swait.ge [sflag:s24], $0x4000  }
0xd7: {  	s12 =	sadd.s32 s10, s22;
	s11 =	smov.u32 s13;
	[sflag:s24] =	ssyncset.done $0x0  }
0xd8: {  	s11 =	sadd.s32 $0x9B0, s12;
	[sflag:s24] =	ssyncadd.s32 $0xFFFFC000  }
0xd9: {  	[tilespmem:s26], [sflag:$0x3] =	stream.linear.gather [hbm4b:s11+s3], $0x80, $0x38;
	[tilespmem:$0x1D300] =	vst v63  }
0xda: {  	_ =	swait.ge [sflag:s24], $0x80  }
0xdb: {  	s10 =	sadd.s32 s10, s21;
	[sflag:s24] =	ssyncset.done $0x0  }
0xdc: {  	s14 =	sadd.s32 $0x9B0, s10;
	[sflag:s24] =	ssyncadd.s32 $0xFFFFFF80  }
0xdd: {  	[tilespmem:s28], [sflag:$0x3] =	stream.linear.gather [hbm4b:s14+s3], $0x80, $0x38;
	[tilespmem:$0x1D300] =	vst v63  }
0xde: {  	_ =	swait.ge [sflag:s24], $0x80  }
0xdf: {  	[sflag:s24] =	ssyncset.done $0x0  }
0xe0: {  	[sflag:s24] =	ssyncadd.s32 $0xFFFFFF80  }
0xe1: {  	[tilespmem:s29], [sflag:$0x2] =	stream.indirect.gather [hbm4b:s4+s25], $0x80, s26, s25, $0xb8;
	[tilespmem:$0x1D300] =	vst v63  }
0xe2: {  	_ =	swait.ge [sflag:s30], $0x4000  }
0xe3: {  	[sflag:s30] =	ssyncset.done $0x0  }
0xe4: {  	[sflag:s30] =	ssyncadd.s32 $0xFFFFC000  }
0xe5: {  	[spmem:s1] =	stream.indirect.scatter.add.f32 [tilespmem:s23], [sflag:$0x3], $0x80, s25, s25, $0xb8;
	[tilespmem:$0x1D300] =	vst v63  }
0xe6: {  	_ =	swait.ge [sflag:s24], $0x4000  }
0xe7: {  	[sflag:s24] =	ssyncset.done $0x0  }
0xe8: {  	s15 =	sadd.s32 $0x9C0, s12;
	[sflag:s24] =	ssyncadd.s32 $0xFFFFC000  }
0xe9: {  	[tilespmem:s3], [sflag:$0x3] =	stream.linear.gather [hbm4b:s15+s3], $0x80, $0x38;
	[tilespmem:$0x1D300] =	vst v63  }
0xea: {  	_ =	swait.ge [sflag:s24], $0x80  }
0xeb: {  	[sflag:s24] =	ssyncset.done $0x0  }
0xec: {  	s10 =	sadd.s32 $0x9C0, s10;
	[sflag:s24] =	ssyncadd.s32 $0xFFFFFF80  }
0xed: {  	[tilespmem:s25], [sflag:$0x3] =	stream.linear.gather [hbm4b:s10+s3], $0x80, $0x38;
	[tilespmem:$0x1D300] =	vst v63  }
0xee: {  	_ =	swait.ge [sflag:s24], $0x80  }
0xef: {  	[sflag:s24] =	ssyncset.done $0x0  }
0xf0: {  	[sflag:s24] =	ssyncadd.s32 $0xFFFFFF80  }
0xf1: {  	[tilespmem:s23], [sflag:$0x1] =	stream.indirect.gather [hbm4b:s4+s25], $0x80, s3, s25, $0xb8;
	[tilespmem:$0x1D300] =	vst v63  }
0xf2: {  	_ =	swait.ge [sflag:s31], $0x4000  }
0xf3: {  	[sflag:s31] =	ssyncset.done $0x0  }
.Ltmp5:
0xf4: {  	[sflag:s31] =	ssyncadd.s32 $0xFFFFC000;
	(pc) =	sbr.rel .LBB2_10-.Ltmp5, $4  }
0xf5: {  	[spmem:s1] =	stream.indirect.scatter.add.f32 [tilespmem:s29], [sflag:$0x3], $0x80, s28, s25, $0xb8;
	[tilespmem:$0x1D300] =	vst v63  }
0xf6: {  	_ =	swait.ge [sflag:s24], $0x4000  }
0xf7: {  	[sflag:s24] =	ssyncset.done $0x0  }
0xf8: {  	s11 =	smov.u32 s4;
	s10 =	rddreg [dreg:$0x4];
	[sflag:s24] =	ssyncadd.s32 $0xFFFFC000  }
.LBB2_7:
0xf9: {  	[tilespmem:s23], [sflag:$0x1] =	stream.indirect.gather [hbm4b:s5+s25], $0x80, s3, s25, $0xb8;
	[tilespmem:$0x1D300] =	vst v63  }
0xfa: {  	s10 =	sadd.s32 $0xFFFFF660, s22  }
0xfb: {  	s11 =	sadd.s32 $0x9B0, s10  }
0xfc: {  	[tilespmem:s26], [sflag:$0x3] =	stream.linear.gather [hbm4b:s11+s3], $0x80, $0x38;
	[tilespmem:$0x1D300] =	vst v63  }
0xfd: {  	_ =	swait.ge [sflag:s24], $0x80  }
0xfe: {  	s14 =	sadd.s32 $0xFFFFF660, s21;
	[sflag:s24] =	ssyncset.done $0x0  }
0xff: {  	s12 =	sadd.s32 $0x9B0, s14;
	[sflag:s24] =	ssyncadd.s32 $0xFFFFFF80  }
0x100: {  	[tilespmem:s28], [sflag:$0x3] =	stream.linear.gather [hbm4b:s12+s3], $0x80, $0x38;
	[tilespmem:$0x1D300] =	vst v63  }
0x101: {  	_ =	swait.ge [sflag:s24], $0x80  }
0x102: {  	[sflag:s24] =	ssyncset.done $0x0  }
0x103: {  	[sflag:s24] =	ssyncadd.s32 $0xFFFFFF80  }
0x104: {  	[tilespmem:s29], [sflag:$0x2] =	stream.indirect.gather [hbm4b:s5+s25], $0x80, s26, s25, $0xb8;
	[tilespmem:$0x1D300] =	vst v63  }
0x105: {  	_ =	swait.ge [sflag:s30], $0x4000  }
0x106: {  	[sflag:s30] =	ssyncset.done $0x0  }
0x107: {  	[sflag:s30] =	ssyncadd.s32 $0xFFFFC000  }
0x108: {  	[spmem:s1] =	stream.indirect.scatter.add.f32 [tilespmem:s23], [sflag:$0x3], $0x80, s25, s25, $0xb8;
	[tilespmem:$0x1D300] =	vst v63  }
0x109: {  	_ =	swait.ge [sflag:s24], $0x4000  }
0x10a: {  	[sflag:s24] =	ssyncset.done $0x0  }
0x10b: {  	s10 =	sadd.s32 $0x9C0, s10;
	[sflag:s24] =	ssyncadd.s32 $0xFFFFC000  }
0x10c: {  	[tilespmem:s3], [sflag:$0x3] =	stream.linear.gather [hbm4b:s10+s3], $0x80, $0x38;
	[tilespmem:$0x1D300] =	vst v63  }
0x10d: {  	_ =	swait.ge [sflag:s24], $0x80  }
0x10e: {  	[sflag:s24] =	ssyncset.done $0x0  }
0x10f: {  	s15 =	sadd.s32 $0x9C0, s14;
	[sflag:s24] =	ssyncadd.s32 $0xFFFFFF80  }
0x110: {  	[tilespmem:s25], [sflag:$0x3] =	stream.linear.gather [hbm4b:s15+s3], $0x80, $0x38;
	[tilespmem:$0x1D300] =	vst v63  }
0x111: {  	_ =	swait.ge [sflag:s24], $0x80  }
0x112: {  	[sflag:s24] =	ssyncset.done $0x0  }
0x113: {  	[sflag:s24] =	ssyncadd.s32 $0xFFFFFF80  }
0x114: {  	[tilespmem:s23], [sflag:$0x1] =	stream.indirect.gather [hbm4b:s5+s25], $0x80, s3, s25, $0xb8;
	[tilespmem:$0x1D300] =	vst v63  }
0x115: {  	_ =	swait.ge [sflag:s31], $0x4000  }
0x116: {  	[sflag:s31] =	ssyncset.done $0x0  }
0x117: {  	[sflag:s31] =	ssyncadd.s32 $0xFFFFC000  }
0x118: {  	[spmem:s1] =	stream.indirect.scatter.add.f32 [tilespmem:s29], [sflag:$0x3], $0x80, s28, s25, $0xb8;
	[tilespmem:$0x1D300] =	vst v63  }
0x119: {  	s13 =	simm.s32 $0xFFFFF6A0;
	_ =	swait.ge [sflag:s24], $0x4000  }
0x11a: {  	s12 =	sadd.s32 $0xFFFFF680, s22;
	s10 =	simm.s32 $0xFFFFF680;
	[sflag:s24] =	ssyncset.done $0x0  }
.LBB2_8:
0x11b: {  	s14 =	sadd.s32 $0x9B0, s12  }
0x11c: {  	[sflag:s24] =	ssyncadd.s32 $0xFFFFC000;
	s15 =	smov.u32 s13;
	s11 =	sadd.s32 $0x20, s13  }
0x11d: {  	[tilespmem:s26], [sflag:$0x3] =	stream.linear.gather [hbm4b:s14+s3], $0x80, $0x38;
	[tilespmem:$0x1D300] =	vst v63  }
0x11e: {  	p1 =	sne.s32 s13, $0xFFFFFFE0;
	_ =	swait.ge [sflag:s24], $0x80  }
0x11f: {  	s13 =	sadd.s32 s10, s21;
	s10 =	smov.u32 s15;
	[sflag:s24] =	ssyncset.done $0x0  }
0x120: {  	s14 =	sadd.s32 $0x9B0, s13;
	[sflag:s24] =	ssyncadd.s32 $0xFFFFFF80  }
0x121: {  	[tilespmem:s28], [sflag:$0x3] =	stream.linear.gather [hbm4b:s14+s3], $0x80, $0x38;
	[tilespmem:$0x1D300] =	vst v63  }
0x122: {  	_ =	swait.ge [sflag:s24], $0x80  }
0x123: {  	[sflag:s24] =	ssyncset.done $0x0  }
0x124: {  	[sflag:s24] =	ssyncadd.s32 $0xFFFFFF80  }
0x125: {  	[tilespmem:s29], [sflag:$0x2] =	stream.indirect.gather [hbm4b:s5+s25], $0x80, s26, s25, $0xb8;
	[tilespmem:$0x1D300] =	vst v63  }
0x126: {  	_ =	swait.ge [sflag:s30], $0x4000  }
0x127: {  	[sflag:s30] =	ssyncset.done $0x0  }
0x128: {  	[sflag:s30] =	ssyncadd.s32 $0xFFFFC000  }
0x129: {  	[spmem:s1] =	stream.indirect.scatter.add.f32 [tilespmem:s23], [sflag:$0x3], $0x80, s25, s25, $0xb8;
	[tilespmem:$0x1D300] =	vst v63  }
0x12a: {  	_ =	swait.ge [sflag:s24], $0x4000  }
0x12b: {  	[sflag:s24] =	ssyncset.done $0x0  }
0x12c: {  	s12 =	sadd.s32 $0x9C0, s12;
	[sflag:s24] =	ssyncadd.s32 $0xFFFFC000  }
0x12d: {  	[tilespmem:s3], [sflag:$0x3] =	stream.linear.gather [hbm4b:s12+s3], $0x80, $0x38;
	[tilespmem:$0x1D300] =	vst v63  }
0x12e: {  	_ =	swait.ge [sflag:s24], $0x80  }
0x12f: {  	[sflag:s24] =	ssyncset.done $0x0  }
0x130: {  	s12 =	sadd.s32 $0x9C0, s13;
	[sflag:s24] =	ssyncadd.s32 $0xFFFFFF80  }
0x131: {  	[tilespmem:s25], [sflag:$0x3] =	stream.linear.gather [hbm4b:s12+s3], $0x80, $0x38;
	[tilespmem:$0x1D300] =	vst v63  }
0x132: {  	_ =	swait.ge [sflag:s24], $0x80  }
0x133: {  	[sflag:s24] =	ssyncset.done $0x0  }
0x134: {  	[sflag:s24] =	ssyncadd.s32 $0xFFFFFF80  }
0x135: {  	[tilespmem:s23], [sflag:$0x1] =	stream.indirect.gather [hbm4b:s5+s25], $0x80, s3, s25, $0xb8;
	[tilespmem:$0x1D300] =	vst v63  }
0x136: {  	_ =	swait.ge [sflag:s31], $0x4000  }
.Ltmp6:
0x137: {  	[sflag:s31] =	ssyncset.done $0x0;
	(pc) =	sbr.rel @p1 .LBB2_8-.Ltmp6, $4  }
0x138: {  	[sflag:s31] =	ssyncadd.s32 $0xFFFFC000  }
0x139: {  	[spmem:s1] =	stream.indirect.scatter.add.f32 [tilespmem:s29], [sflag:$0x3], $0x80, s28, s25, $0xb8;
	[tilespmem:$0x1D300] =	vst v63  }
0x13a: {  	_ =	swait.ge [sflag:s24], $0x4000  }
0x13b: {  	s13 =	smov.u32 s11;
	s12 =	sadd.s32 s10, s22;
	[sflag:s24] =	ssyncset.done $0x0  }
.Ltmp7:
0x13c: {  	_ = 	snop;
	(pc) =	sbr.rel .LBB2_9-.Ltmp7, $1  }
0x13d: {  	_ =	sdelay $0x3  }
.LBB2_11:
0x13e: {  	_ =	sfence.sel $0x180000  }
0x13f: {  	[bflag:$0x0] =	sbarrier.arrive $0xFFFF  }
0x140: {  	_ =	strace $0x9000004D  }
0x141: {  	s0 =	stileid.u32;
	[bflag:$0x2] =	sbarrier.arrive $0xFFFF  }
0x142: {  	p0 =	sne.s32 s0, $0x0;
	s0 =	rddreg [dreg:$0x3]  }
0x143: {  	s0 =	sadd.s32 @!p0 $0x100000, s0  }
0x144: {  	[sflag:s0] =	ssyncadd.tile.s32 @!p0 $0x1;
	_ =	shalt  }
.Lfunc_end2:
_tile_overlayer_lowered:
.L_overlay_start_2:
0x145: {  	(tag) =	ssettag $0x2  }
0x146: {  	s0 =	rddreg [dreg:$0x0];
	s2 =	stileid.u32  }
0x147: {  	s1 =	rddreg [dreg:$0x1];
	p0 =	sne.s32 s2, $0x0  }
0x148: {  	s3 =	rddreg [dreg:$0x2];
	[bflag:$0x3] =	sbarrier.arrive $0xFFFF;
	s2 =	simm.s32 @!p0 $0x1C03  }
0x149: {  	[timem:s3], [sflag:s2] =	dma.local @!p0 [hbm:s0], s1  }
0x14a: {  	s0 =	simm.s32 @!p0 $0x3  }
0x14b: {  	_ =	swait.ge @!p0 [sflag:s0], s1  }
0x14c: {  	s1 =	ssub.s32 @!p0 $0x0, s1;
	[sflag:s0] =	ssyncset.done @!p0 $0x0  }
0x14d: {  	[sflag:s0] =	ssyncadd.s32 @!p0 s1  }
0x14e: {  	[bflag:$0x3] =	sbarrier.arrive $0xFFFF  }
0x14f: {  	_ =	shalt  }

// kernel: kernel.22.cloned.1.call-start
scs
__scs_entry_jumppad:
0x0: {  	(pc) =	sbr.rel $0x88, $3  }
0x1: {  	(tag) =	ssettag $0x0;
	lr =	simm.s32 $0x1  }
0x2: {  	[smem:$0x3F93] =	sst lr;
	_ =	strace $0xD0000000  }
0x3: {  	_ = 	snop  }
0x4: {  	_ = 	snop  }
0x5: {  	_ = 	snop  }
0x6: {  	_ = 	snop  }
0x7: {  	_ = 	snop  }
__scs_overlays_trampoline_lowered:
0x8: {  	[smem:$0x3FA2] =	sst s0  }
0x9: {  	[smem:$0x3FA3] =	sst s1  }
0xa: {  	[smem:$0x3FA4] =	sst s2  }
0xb: {  	[smem:$0x3FA5] =	sst s3  }
0xc: {  	[smem:$0x3FA6] =	sst s4  }
0xd: {  	[smem:$0x3FA7] =	sst s5  }
0xe: {  	[smem:$0x3FA8] =	sst s6  }
0xf: {  	[smem:$0x3FA9] =	sst s7  }
0x10: {  	[smem:$0x3FAA] =	sst s8  }
0x11: {  	[smem:$0x3FAB] =	sst s9;
	s0 =	simm.s32 @!p0 $0x0  }
0x12: {  	s1 =	sld [smem:$0x3F91];
	s0 =	simm.s32 @p0 $0x1  }
0x13: {  	[smem:$0x3FAC] =	sst s0;
	s0 =	simm.s32 @!p1 $0x0  }
0x14: {  	s2 =	sld [smem:$0x3F90];
	s0 =	simm.s32 @p1 $0x1  }
0x15: {  	[smem:$0x3FAD] =	sst s0;
	s0 =	simm.s32 @!p2 $0x0  }
0x16: {  	s3 =	sld [smem:$0x3FDB];
	s0 =	simm.s32 @p2 $0x1  }
0x17: {  	s4 =	simm.s32 $0x1BF5;
	[smem:$0x3FAF] =	sst s0  }
0x18: {  	s0 =	sld [smem:$0x3F92];
	_ =	swait.ge [sflag:s4], $0x0  }
0x19: {  	s7 =	sld [smem:$0x3F93]  }
0x1a: {  	s8 =	sadd.s32 $0xFFFFE003, lr  }
0x1b: {  	s9 =	sadd.s32 $0xFFFFFEF7, lr;
	s5 =	simm.s32 $0xFFFFFFFF;
	p2 =	slt.u32 s8, $0xFFFFF086  }
0x1c: {  	p1 =	slt.u32 s9, $0xF7A;
	s5 =	simm.s32 @!p2 $0x0  }
0x1d: {  	s5 =	simm.s32 @p1 $0x1;
	p0 =	seq.s32 s7, s2  }
0x1e: {  	s7 =	smul.u32 @!p0 $0xF7A, s2;
	p2 =	seq.s32 @!p0 s5, $0x0  }
0x1f: {  	s9 =	smul.u32 $0xF7A, s1;
	s8 =	simm.s32 @!p0 $0x1BF5;
	p2 =	por !p2, p0  }
0x20: {  	[sflag:s8] =	ssyncset.s32 @!p0 $0xFFFFF086;
	s6 =	sadd.s32 @!p0 s3, s7;
	s7 =	simm.s32 @!p0 $0x108  }
0x21: {  	s3 =	sadd.s32 s3, s9;
	s6 =	sadd.s32 @!p0 $0x88, s6;
	s7 =	simm.s32 @p2 $0x1082  }
0x22: {  	[simem:s7], [sflag:s8] =	dma.local @!p0 [hbm:s6], $0xF7A  }
0x23: {  	s9 =	sor.u32 $0xD0000000, s2;
	s6 =	simm.s32 $0x108;
	_ =	swait.ge @!p0 [sflag:s8], $0x0  }
0x24: {  	s3 =	sadd.s32 $0x88, s3;
	s6 =	simm.s32 @!p1 $0x1082;
	[sflag:s4] =	ssyncset.s32 $0xFFFFF086  }
0x25: {  	[simem:s6], [sflag:s4] =	dma.local [hbm:s3], $0xF7A  }
0x26: {  	[smem:$0x3F93] =	sst s1;
	(tag) =	ssettag s2;
	_ =	strace s9  }
0x27: {  	s1 =	sld [smem:$0x3FA3]  }
0x28: {  	s2 =	sld [smem:$0x3FA4]  }
0x29: {  	s4 =	sld [smem:$0x3FA6]  }
0x2a: {  	p0 =	seq.s32 s5, $0x0;
	s5 =	sld [smem:$0x3FA7]  }
0x2b: {  	s6 =	sld [smem:$0x3FA8]  }
0x2c: {  	s7 =	sld [smem:$0x3FA9]  }
0x2d: {  	s3 =	simm.s32 $0x108;
	s8 =	sld [smem:$0x3FAA]  }
0x2e: {  	s3 =	simm.s32 @!p0 $0x1082;
	s9 =	sld [smem:$0x3FAB]  }
0x2f: {  	lr =	sadd.s32 s0, s3;
	s0 =	sld [smem:$0x3FA2]  }
0x30: {  	s3 =	sld [smem:$0x3FA5]  }
0x31: {  	[smem:$0x3FAE] =	sst s10  }
0x32: {  	s10 =	sld [smem:$0x3FAC];
	_ =	sdelay $0x3  }
0x33: {  	p0 =	seq.s32 s10, $0x1;
	s10 =	sld [smem:$0x3FAE];
	_ =	sdelay $0x3  }
0x34: {  	[smem:$0x3FAE] =	sst s10  }
0x35: {  	s10 =	sld [smem:$0x3FAD];
	_ =	sdelay $0x3  }
0x36: {  	p1 =	seq.s32 s10, $0x1;
	s10 =	sld [smem:$0x3FAE];
	_ =	sdelay $0x3  }
0x37: {  	[smem:$0x3FAE] =	sst s10  }
0x38: {  	s10 =	sld [smem:$0x3FAF]  }
0x39: {  	_ = 	snop;
	(pc) =	sbr.ind lr, $3  }
0x3a: {  	_ = 	snop  }
0x3b: {  	_ = 	snop  }
0x3c: {  	p2 =	seq.s32 s10, $0x1;
	s10 =	sld [smem:$0x3FAE]  }
0x3d: {  	_ =	shalt  }
0x3e: {  	_ =	shalt  }
0x3f: {  	_ =	shalt  }
0x40: {  	_ =	shalt  }
0x41: {  	_ =	shalt  }
0x42: {  	_ =	shalt  }
0x43: {  	_ =	shalt  }
0x44: {  	_ =	shalt  }
0x45: {  	_ =	shalt  }
0x46: {  	_ =	shalt  }
0x47: {  	_ =	shalt  }
0x48: {  	_ =	shalt  }
0x49: {  	_ =	shalt  }
0x4a: {  	_ =	shalt  }
0x4b: {  	_ =	shalt  }
0x4c: {  	_ =	shalt  }
0x4d: {  	_ =	shalt  }
0x4e: {  	_ =	shalt  }
0x4f: {  	_ =	shalt  }
0x50: {  	_ =	shalt  }
0x51: {  	_ =	shalt  }
0x52: {  	_ =	shalt  }
0x53: {  	_ =	shalt  }
0x54: {  	_ =	shalt  }
0x55: {  	_ =	shalt  }
0x56: {  	_ =	shalt  }
0x57: {  	_ =	shalt  }
0x58: {  	_ =	shalt  }
0x59: {  	_ =	shalt  }
0x5a: {  	_ =	shalt  }
0x5b: {  	_ =	shalt  }
0x5c: {  	_ =	shalt  }
0x5d: {  	_ =	shalt  }
0x5e: {  	_ =	shalt  }
0x5f: {  	_ =	shalt  }
0x60: {  	_ =	shalt  }
0x61: {  	_ =	shalt  }
0x62: {  	_ =	shalt  }
0x63: {  	_ =	shalt  }
0x64: {  	_ =	shalt  }
0x65: {  	_ =	shalt  }
0x66: {  	_ =	shalt  }
0x67: {  	_ =	shalt  }
0x68: {  	_ =	shalt  }
0x69: {  	_ =	shalt  }
0x6a: {  	_ =	shalt  }
0x6b: {  	_ =	shalt  }
0x6c: {  	_ =	shalt  }
0x6d: {  	_ =	shalt  }
0x6e: {  	_ =	shalt  }
0x6f: {  	_ =	shalt  }
0x70: {  	_ =	shalt  }
0x71: {  	_ =	shalt  }
0x72: {  	_ =	shalt  }
0x73: {  	_ =	shalt  }
0x74: {  	_ =	shalt  }
0x75: {  	_ =	shalt  }
0x76: {  	_ =	shalt  }
0x77: {  	_ =	shalt  }
0x78: {  	_ =	shalt  }
0x79: {  	_ =	shalt  }
0x7a: {  	_ =	shalt  }
0x7b: {  	_ =	shalt  }
0x7c: {  	_ =	shalt  }
0x7d: {  	_ =	shalt  }
0x7e: {  	_ =	shalt  }
0x7f: {  	_ =	shalt  }
0x80: {  	_ =	shalt  }
0x81: {  	_ =	shalt  }
0x82: {  	_ =	shalt  }
0x83: {  	_ =	shalt  }
0x84: {  	_ =	shalt  }
0x85: {  	_ =	shalt  }
0x86: {  	_ =	shalt  }
0x87: {  	_ =	shalt  }
.Lfunc_end0:
.L_simem_size_0:
called_computation.3_lowered:
.L_overlay_start_0:
0x88: {  	s2 =	sld [smem:$0x3FD9]  }
0x89: {  	s3 =	sld [smem:$0x3FFE];
	_ =	sdelay $0x1  }
0x8a: {  	s1 =	srdreg.scid  }
0x8b: {  	s0 =	sand.u32 $0x1, s1  }
0x8c: {  	s17 =	sshll.u32 s0, $0xA;
	s2 =	sadd.s32 s3, s2  }
0x8d: {  	s2 =	sadd.s32 s2, s17  }
0x8e: {  	[smem:$0x3FBA] =	sst s2  }
0x8f: {  	_ = 	snop  }
0x90: {  	s2 =	sld [smem:$0x3FD0];
	(tm) =	ssettm $0x1  }
0x91: {  	s18 =	sld [smem:$0x3FFB];
	_ =	sdelay $0x3  }
0x92: {  	_ =	strace s18  }
0x93: {  	s3 =	sld [smem:$0x3FFC];
	_ =	sdelay $0x3  }
0x94: {  	_ =	strace s3  }
0x95: {  	s3 =	sld [smem:$0x3FFD];
	_ =	sdelay $0x3  }
0x96: {  	_ =	strace s3  }
0x97: {  	_ =	strace $0x8FFFFFFF  }
0x98: {  	s19 =	sld [smem:$0x3FDB];
	_ =	sdelay $0x1  }
0x99: {  	s4 =	simm.s32 $_scs_section_size  }
0x9a: {  	s5 =	simm.s32 $_size__tile_overlayer_lowered;
	s6 =	simm.s32 $_tile_overlayer_lowered  }
0x9b: {  	s22 =	simm.s32 $0x1BFF;
	s21 =	sshll.u32 s6, $0x1;
	s3 =	sadd.s32 s4, s19  }
0x9c: {  	s7 =	simm.s32 $0x0;
	s20 =	sshll.u32 s5, $0x1;
	s5 =	sadd.s32 s21, s3  }
0x9d: {  	[timem:s7], [sflag:s22] =	dma.local [hbm:s5], s20  }
0x9e: {  	_ =	swait.ge [sflag:s22], s20  }
0x9f: {  	s4 =	ssub.s32 $0x0, s20;
	[sflag:s22] =	ssyncset.done $0x0  }
0xa0: {  	[sflag:s22] =	ssyncadd.s32 s4;
	_ =	sdelay $0x1  }
0xa1: {  	s23 =	simm.s32 $0x1B8B  }
0xa2: {  	_ =	swait.ge [sflag:s23], $0x1  }
0xa3: {  	[sflag:s23] =	ssyncset.done $0x0  }
0xa4: {  	s25 =	simm.s32 $0x1B8E;
	s24 =	sld [smem:$0x3FFE];
	[sflag:s23] =	ssyncadd.s32 $0xFFFFFFFF  }
0xa5: {  	s26 =	simm.s32 $execute0_lowered;
	[smem:$0x3FD2] =	sst s25  }
0xa6: {  	s5 =	sshll.u32 s26, $0x1;
	_ =	strace $0x8000004F;
	[dreg:$0x1] =	wrdreg $0xFFFFFFFF  }
0xa7: {  	s28 =	simm.s32 $_size_execute0_lowered;
	s3 =	sadd.s32 s3, s5;
	[dreg:$0x0] =	wrdreg $0x0  }
0xa8: {  	s5 =	sshll.u32 s28, $0x1;
	[dreg:$0x2] =	wrdreg s3  }
0xa9: {  	[dreg:$0x3] =	wrdreg s5  }
0xaa: {  	[dreg:$0x4] =	wrdreg $0xC0  }
0xab: {  	_ =	task [dreg:s7], $0x5FFFF  }
0xac: {  	[dreg:$0x1] =	wrdreg $0xFFFFFFFF  }
0xad: {  	[dreg:$0x0] =	wrdreg $0x60  }
0xae: {  	[dreg:$0x2] =	wrdreg s24  }
0xaf: {  	[dreg:$0x3] =	wrdreg s2  }
0xb0: {  	[dreg:$0x4] =	wrdreg $0x8B000  }
0xb1: {  	[dreg:$0x5] =	wrdreg $0x9  }
0xb2: {  	_ =	task.clear_ibuf [dreg:s7], $0x6FFFF;
	_ =	strace $0x9000004F  }
0xb3: {  	s29 =	simm.s32 $0x9;
	_ =	strace $0x80000051  }
0xb4: {  	_ =	swait.ge [sflag:s29], $0x1  }
0xb5: {  	[sflag:s29] =	ssyncadd.s32 $0xFFFFFFFF  }
0xb6: {  	_ =	strace $0x90000051  }
0xb7: {  	_ =	sfence  }
0xb8: {  	s30 =	sld [smem:$0x0];
	_ =	sdelay $0x2  }
0xb9: {  	s31 =	sshll.u32 s1, $0xD;
	s1 =	sshrl.u32 s1, $0x2  }
0xba: {  	s3 =	sand.u32 $0x4000, s31;
	s1 =	sadd.s32 s1, s30  }
0xbb: {  	s0 =	sor.u32 s3, s0;
	s1 =	sshll.u32 s1, $0x11  }
0xbc: {  	s0 =	sor.u32 s1, s0  }
0xbd: {  	s0 =	sadd.s32 $0x8F2B, s0  }
0xbe: {  	[sflag:s0] =	ssyncadd.remote.s32 $0x1  }
0xbf: {  	_ =	sfence.sel $0xFFFF  }
0xc0: {  	[dreg:$0x0] =	wrdreg $0xFFFFFFFF;
	(pc) =	sbr.abs _section_cstart, $3  }
0xc1: {  	[dreg:$0x1] =	wrdreg $0xFFFFFFFF  }
0xc2: {  	_ =	task.clear_ibuf [dreg:s7], $0x2FFFF;
	_ =	strace $0x9FFFFFFF  }
0xc3: {  	(tm) =	ssettm $0x7FFFFFFF  }
tec
execute0_lowered:
.L_overlay_start_1:
0x0: {  	(tag) =	ssettag $0x1  }
0x1: {  	s0 =	rddreg [dreg:$0x0]  }
0x2: {  	s1 =	rddreg [dreg:$0x1]  }
0x3: {  	s3 =	rddreg [dreg:$0x2]  }
0x4: {  	s4 =	simm.s32 $0x0;
	s11 =	stileid.u32;
	s2 =	srdreg.scid  }
0x5: {  	s28 =	simm.s32 $0x4180;
	s29 =	simm.s32 $0x4200;
	s7 =	smul.u32 $0x14000, s11  }
0x6: {  	s30 =	simm.s32 $0x1;
	s31 =	simm.s32 $0x2;
	s8 =	smul.u32 $0x2800, s11  }
0x7: {  	[smem:$0x7FF] =	sst s4;
	s5 =	sadd.s32 $0x2200, s0;
	s10 =	smul.u32 $0x2710, s11  }
0x8: {  	s2 =	sand.u32 $0x1, s2;
	s6 =	sadd.s32 $0xC000, s0;
	s15 =	smul.u32 $0x50000, s11  }
0x9: {  	s9 =	smul.u32 $0x27100, s2;
	p0 =	seq.s32 s2, $0x1;
	s2 =	ssub.s32 $0x2, s2  }
0xa: {  	_ =	strace $0x80000050;
	s7 =	sshrl.u32 s7, $0x3;
	s16 =	sshrl.u32 s2, $0x1  }
0xb: {  	s7 =	sadd.s32 $0x28000, s7;
	s9 =	sadd.s32 s10, s9;
	s2 =	ssub.s32 s2, s16  }
0xc: {  	s8 =	smov.u32 @p0 s7;
	s7 =	sshrl.u32 s15, $0x2;
	s17 =	sshrl.u32 s9, $0x3  }
0xd: {  	s2 =	smax.u32 s2, $0x1;
	s25 =	sadd.s32 $0x80, s9;
	s0 =	sadd.s32 s8, s0  }
0xe: {  	s7 =	sadd.s32 s7, s3;
	s18 =	sadd.s32 s5, s17;
	s19 =	sadd.s32 $0x4D0, s17  }
0xf: {  	s20 =	sadd.s32 s1, s17;
	s8 =	sadd.s32 $0x4E0, s17;
	[dreg:$0xa] =	wrdreg s2  }
0x10: {  	s26 =	sshrl.u32 s25, $0x3;
	s25 =	simm.s32 $0x80;
	[dreg:$0x4] =	wrdreg s18  }
0x11: {  	s2 =	simm.s32 $0x8280;
	[dreg:$0x5] =	wrdreg s20;
	s21 =	sadd.s32 s5, s19  }
0x12: {  	s10 =	sadd.s32 s1, s19;
	s22 =	sadd.s32 s5, s8;
	[dreg:$0x6] =	wrdreg s21  }
0x13: {  	s8 =	sadd.s32 s1, s8;
	s23 =	sadd.s32 $0x4000, s7;
	[dreg:$0x7] =	wrdreg s10  }
0x14: {  	s24 =	sadd.s32 $0x8000, s7;
	s17 =	sadd.s32 $0xC000, s7;
	[dreg:$0x8] =	wrdreg s22  }
0x15: {  	s18 =	sadd.s32 $0x10000, s7;
	s19 =	sadd.s32 $0x34000, s0;
	[dreg:$0x9] =	wrdreg s8  }
0x16: {  	s20 =	sadd.s32 $0x100, s9;
	s0 =	simm.s32 $0x8200;
	[dreg:$0xb] =	wrdreg s23  }
0x17: {  	s9 =	simm.s32 $0x8300;
	[dreg:$0xc] =	wrdreg s24;
	s21 =	sadd.s32 s26, s1  }
0x18: {  	s22 =	sadd.s32 s26, s5;
	s23 =	simm.s32 $0x100;
	s24 =	simm.s32 $0x3  }
0x19: {  	v0 =	vimm.f32 $0.0e+00;
	s26 =	simm.s32 $0x4100;
	s8 =	simm.s32 $0x10;
	s10 =	simm.s32 $0x0  }
.LBB2_1:
0x1a: {  	s11 =	simm.s32 $0x0;
	s12 =	simm.s32 $0x200  }
.LBB2_2:
0x1b: {  	p0 =	sne.s32 s12, $0xFE00;
	[tilespmem:s11+$0x170] =	vst v0  }
0x1c: {  	[tilespmem:s11+$0x100] =	vst v0  }
0x1d: {  	[tilespmem:s11+$0x110] =	vst v0  }
.Ltmp0:
0x1e: {  	[tilespmem:s11+$0x120] =	vst v0;
	(pc) =	sbr.rel @p0 .LBB2_2-.Ltmp0, $4  }
0x1f: {  	[tilespmem:s11+$0x130] =	vst v0  }
0x20: {  	[tilespmem:s11+$0x140] =	vst v0  }
0x21: {  	[tilespmem:s11+$0x150] =	vst v0  }
0x22: {  	[tilespmem:s11+$0x160] =	vst v0;
	s11 =	sshra.s32 s12, $0x2;
	s12 =	sadd.s32 $0x200, s12  }
0x23: {  	[tilespmem:s11+$0x170] =	vst v0  }
0x24: {  	[tilespmem:s11+$0x100] =	vst v0  }
0x25: {  	[tilespmem:s11+$0x110] =	vst v0  }
0x26: {  	[tilespmem:s11+$0x120] =	vst v0  }
0x27: {  	[tilespmem:s11+$0x130] =	vst v0  }
0x28: {  	[tilespmem:s11+$0x140] =	vst v0  }
0x29: {  	[tilespmem:s11+$0x150] =	vst v0  }
0x2a: {  	[tilespmem:s11+$0x160] =	vst v0  }
0x2b: {  	[spmem:s7] =	stream.linear.scatter [tilespmem:s23], [sflag:$0x3], $0x4000, $0x38;
	[tilespmem:$0x1CB00] =	vst v63  }
0x2c: {  	_ =	swait.ge [sflag:s24], $0x4000  }
0x2d: {  	[sflag:s24] =	ssyncset.done $0x0  }
0x2e: {  	s13 =	rddreg [dreg:$0xb];
	[sflag:s24] =	ssyncadd.s32 $0xFFFFC000  }
0x2f: {  	[spmem:s13] =	stream.linear.scatter [tilespmem:s23], [sflag:$0x3], $0x4000, $0x38;
	[tilespmem:$0x1CB00] =	vst v63  }
0x30: {  	_ =	swait.ge [sflag:s24], $0x4000  }
0x31: {  	[sflag:s24] =	ssyncset.done $0x0  }
0x32: {  	s14 =	rddreg [dreg:$0xc];
	[sflag:s24] =	ssyncadd.s32 $0xFFFFC000  }
0x33: {  	[spmem:s14] =	stream.linear.scatter [tilespmem:s23], [sflag:$0x3], $0x4000, $0x38;
	[tilespmem:$0x1CB00] =	vst v63  }
0x34: {  	_ =	swait.ge [sflag:s24], $0x4000  }
0x35: {  	[sflag:s24] =	ssyncset.done $0x0  }
0x36: {  	[sflag:s24] =	ssyncadd.s32 $0xFFFFC000  }
0x37: {  	[spmem:s17] =	stream.linear.scatter [tilespmem:s23], [sflag:$0x3], $0x4000, $0x38;
	[tilespmem:$0x1CB00] =	vst v63  }
0x38: {  	_ =	swait.ge [sflag:s24], $0x4000  }
0x39: {  	[sflag:s24] =	ssyncset.done $0x0  }
0x3a: {  	[sflag:s24] =	ssyncadd.s32 $0xFFFFC000  }
0x3b: {  	[spmem:s18] =	stream.linear.scatter [tilespmem:s23], [sflag:$0x3], $0x4000, $0x38;
	[tilespmem:$0x1CB00] =	vst v63  }
0x3c: {  	_ =	swait.ge [sflag:s24], $0x4000  }
0x3d: {  	[sflag:s24] =	ssyncset.done $0x0  }
0x3e: {  	[sflag:s24] =	ssyncadd.s32 $0xFFFFC000  }
0x3f: {  	[bflag:$0x0] =	sbarrier.arrive $0xFFFF  }
0x40: {  	s15 =	simm.s32 $0x0;
	s12 =	rddreg [dreg:$0x4]  }
0x41: {  	[tilespmem:s15], [sflag:$0x3] =	stream.linear.gather [hbm4b:s12+s15], $0x80, $0x38;
	[tilespmem:$0x1CB00] =	vst v63  }
0x42: {  	_ =	swait.ge [sflag:s24], $0x80  }
0x43: {  	[sflag:s24] =	ssyncset.done $0x0  }
0x44: {  	s16 =	rddreg [dreg:$0x5];
	[sflag:s24] =	ssyncadd.s32 $0xFFFFFF80  }
0x45: {  	[tilespmem:s25], [sflag:$0x3] =	stream.linear.gather [hbm4b:s16+s15], $0x80, $0x38;
	[tilespmem:$0x1CB00] =	vst v63  }
0x46: {  	_ =	swait.ge [sflag:s24], $0x80  }
0x47: {  	[sflag:s24] =	ssyncset.done $0x0  }
0x48: {  	[sflag:s24] =	ssyncadd.s32 $0xFFFFFF80  }
0x49: {  	[tilespmem:s23], [sflag:$0x1] =	stream.indirect.gather [hbm4b:s6+s25], $0x80, s15, s25, $0xb8;
	[tilespmem:$0x1CB00] =	vst v63  }
0x4a: {  	s13 =	sadd.s32 $0x0, s22  }
0x4b: {  	[tilespmem:s26], [sflag:$0x3] =	stream.linear.gather [hbm4b:s13+s4], $0x80, $0x38;
	[tilespmem:$0x1CB00] =	vst v63  }
0x4c: {  	_ =	swait.ge [sflag:s24], $0x80  }
0x4d: {  	[sflag:s24] =	ssyncset.done $0x0  }
0x4e: {  	s14 =	sadd.s32 $0x0, s21;
	[sflag:s24] =	ssyncadd.s32 $0xFFFFFF80  }
0x4f: {  	[tilespmem:s28], [sflag:$0x3] =	stream.linear.gather [hbm4b:s14+s4], $0x80, $0x38;
	[tilespmem:$0x1CB00] =	vst v63  }
0x50: {  	_ =	swait.ge [sflag:s24], $0x80  }
0x51: {  	[sflag:s24] =	ssyncset.done $0x0  }
0x52: {  	[sflag:s24] =	ssyncadd.s32 $0xFFFFFF80  }
0x53: {  	[tilespmem:s29], [sflag:$0x2] =	stream.indirect.gather [hbm4b:s6+s25], $0x80, s26, s25, $0xb8;
	[tilespmem:$0x1CB00] =	vst v63  }
0x54: {  	_ =	swait.ge [sflag:s30], $0x4000  }
0x55: {  	[sflag:s30] =	ssyncset.done $0x0  }
0x56: {  	[sflag:s30] =	ssyncadd.s32 $0xFFFFC000  }
0x57: {  	[spmem:s3] =	stream.indirect.scatter.add.f32 [tilespmem:s23], [sflag:$0x3], $0x80, s25, s25, $0xb8;
	[tilespmem:$0x1CB00] =	vst v63  }
0x58: {  	_ =	swait.ge [sflag:s24], $0x4000  }
0x59: {  	s15 =	sshrl.u32 s20, $0x3;
	[sflag:s24] =	ssyncset.done $0x0  }
0x5a: {  	s16 =	sadd.s32 s5, s15;
	[sflag:s24] =	ssyncadd.s32 $0xFFFFC000  }
0x5b: {  	[tilespmem:s4], [sflag:$0x3] =	stream.linear.gather [hbm4b:s16+s4], $0x80, $0x38;
	[tilespmem:$0x1CB00] =	vst v63  }
0x5c: {  	_ =	swait.ge [sflag:s24], $0x80  }
0x5d: {  	[sflag:s24] =	ssyncset.done $0x0  }
0x5e: {  	s11 =	sadd.s32 s1, s15;
	[sflag:s24] =	ssyncadd.s32 $0xFFFFFF80  }
0x5f: {  	[tilespmem:s25], [sflag:$0x3] =	stream.linear.gather [hbm4b:s11+s4], $0x80, $0x38;
	[tilespmem:$0x1CB00] =	vst v63  }
0x60: {  	_ =	swait.ge [sflag:s24], $0x80  }
0x61: {  	[sflag:s24] =	ssyncset.done $0x0  }
0x62: {  	[sflag:s24] =	ssyncadd.s32 $0xFFFFFF80  }
0x63: {  	[tilespmem:s23], [sflag:$0x1] =	stream.indirect.gather [hbm4b:s6+s25], $0x80, s4, s25, $0xb8;
	[tilespmem:$0x1CB00] =	vst v63  }
0x64: {  	_ =	swait.ge [sflag:s31], $0x4000  }
0x65: {  	[sflag:s31] =	ssyncset.done $0x0  }
0x66: {  	[sflag:s31] =	ssyncadd.s32 $0xFFFFC000  }
0x67: {  	[spmem:s3] =	stream.indirect.scatter.add.f32 [tilespmem:s29], [sflag:$0x3], $0x80, s28, s25, $0xb8;
	[tilespmem:$0x1CB00] =	vst v63  }
0x68: {  	s12 =	simm.s32 $0x20;
	_ =	swait.ge [sflag:s24], $0x4000  }
0x69: {  	s13 =	simm.s32 $0x40;
	s11 =	sadd.s32 $0x100, s20;
	[sflag:s24] =	ssyncset.done $0x0  }
.LBB2_4:
0x6a: {  	s15 =	sadd.s32 s12, s22  }
0x6b: {  	[sflag:s24] =	ssyncadd.s32 $0xFFFFC000;
	s16 =	smov.u32 s13;
	s14 =	sadd.s32 $0x20, s13  }
0x6c: {  	[tilespmem:s26], [sflag:$0x3] =	stream.linear.gather [hbm4b:s15+s4], $0x80, $0x38;
	[tilespmem:$0x1CB00] =	vst v63  }
0x6d: {  	p0 =	sne.s32 s13, $0x4A0;
	_ =	swait.ge [sflag:s24], $0x80  }
0x6e: {  	[sflag:s24] =	ssyncset.done $0x0  }
0x6f: {  	s13 =	sadd.s32 s12, s21;
	s12 =	smov.u32 s16;
	[sflag:s24] =	ssyncadd.s32 $0xFFFFFF80  }
0x70: {  	[tilespmem:s28], [sflag:$0x3] =	stream.linear.gather [hbm4b:s13+s4], $0x80, $0x38;
	[tilespmem:$0x1CB00] =	vst v63  }
0x71: {  	_ =	swait.ge [sflag:s24], $0x80  }
0x72: {  	[sflag:s24] =	ssyncset.done $0x0  }
0x73: {  	[sflag:s24] =	ssyncadd.s32 $0xFFFFFF80  }
0x74: {  	[tilespmem:s29], [sflag:$0x2] =	stream.indirect.gather [hbm4b:s6+s25], $0x80, s26, s25, $0xb8;
	[tilespmem:$0x1CB00] =	vst v63  }
0x75: {  	_ =	swait.ge [sflag:s30], $0x4000  }
0x76: {  	[sflag:s30] =	ssyncset.done $0x0  }
0x77: {  	[sflag:s30] =	ssyncadd.s32 $0xFFFFC000  }
0x78: {  	[spmem:s3] =	stream.indirect.scatter.add.f32 [tilespmem:s23], [sflag:$0x3], $0x80, s25, s25, $0xb8;
	[tilespmem:$0x1CB00] =	vst v63  }
0x79: {  	_ =	swait.ge [sflag:s24], $0x4000  }
0x7a: {  	s13 =	sshrl.u32 s11, $0x3;
	[sflag:s24] =	ssyncset.done $0x0  }
0x7b: {  	s15 =	sadd.s32 s5, s13;
	[sflag:s24] =	ssyncadd.s32 $0xFFFFC000  }
0x7c: {  	[tilespmem:s4], [sflag:$0x3] =	stream.linear.gather [hbm4b:s15+s4], $0x80, $0x38;
	[tilespmem:$0x1CB00] =	vst v63  }
0x7d: {  	_ =	swait.ge [sflag:s24], $0x80  }
0x7e: {  	[sflag:s24] =	ssyncset.done $0x0  }
0x7f: {  	s13 =	sadd.s32 s1, s13;
	[sflag:s24] =	ssyncadd.s32 $0xFFFFFF80  }
0x80: {  	[tilespmem:s25], [sflag:$0x3] =	stream.linear.gather [hbm4b:s13+s4], $0x80, $0x38;
	[tilespmem:$0x1CB00] =	vst v63  }
0x81: {  	_ =	swait.ge [sflag:s24], $0x80  }
0x82: {  	[sflag:s24] =	ssyncset.done $0x0  }
0x83: {  	[sflag:s24] =	ssyncadd.s32 $0xFFFFFF80  }
0x84: {  	[tilespmem:s23], [sflag:$0x1] =	stream.indirect.gather [hbm4b:s6+s25], $0x80, s4, s25, $0xb8;
	[tilespmem:$0x1CB00] =	vst v63  }
0x85: {  	_ =	swait.ge [sflag:s31], $0x4000  }
.Ltmp1:
0x86: {  	[sflag:s31] =	ssyncset.done $0x0;
	(pc) =	sbr.rel @p0 .LBB2_4-.Ltmp1, $4  }
0x87: {  	[sflag:s31] =	ssyncadd.s32 $0xFFFFC000  }
0x88: {  	[spmem:s3] =	stream.indirect.scatter.add.f32 [tilespmem:s29], [sflag:$0x3], $0x80, s28, s25, $0xb8;
	[tilespmem:$0x1CB00] =	vst v63  }
0x89: {  	_ =	swait.ge [sflag:s24], $0x4000  }
0x8a: {  	s11 =	sadd.s32 $0x100, s11;
	s13 =	smov.u32 s14;
	[sflag:s24] =	ssyncset.done $0x0  }
0x8b: {  	s13 =	sadd.s32 s12, s22;
	[sflag:s24] =	ssyncadd.s32 $0xFFFFC000  }
0x8c: {  	[tilespmem:s26], [sflag:$0x3] =	stream.linear.gather [hbm4b:s13+s4], $0x80, $0x38;
	[tilespmem:$0x1CB00] =	vst v63  }
0x8d: {  	_ =	swait.ge [sflag:s24], $0x80  }
0x8e: {  	[sflag:s24] =	ssyncset.done $0x0  }
0x8f: {  	s13 =	sadd.s32 s12, s21;
	[sflag:s24] =	ssyncadd.s32 $0xFFFFFF80  }
0x90: {  	[tilespmem:s28], [sflag:$0x3] =	stream.linear.gather [hbm4b:s13+s4], $0x80, $0x38;
	[tilespmem:$0x1CB00] =	vst v63  }
0x91: {  	_ =	swait.ge [sflag:s24], $0x80  }
0x92: {  	[sflag:s24] =	ssyncset.done $0x0  }
0x93: {  	[sflag:s24] =	ssyncadd.s32 $0xFFFFFF80  }
0x94: {  	[tilespmem:s29], [sflag:$0x2] =	stream.indirect.gather [hbm4b:s6+s25], $0x80, s26, s25, $0xb8;
	[tilespmem:$0x1CB00] =	vst v63  }
0x95: {  	_ =	swait.ge [sflag:s30], $0x4000  }
0x96: {  	[sflag:s30] =	ssyncset.done $0x0  }
0x97: {  	[sflag:s30] =	ssyncadd.s32 $0xFFFFC000  }
0x98: {  	[spmem:s3] =	stream.indirect.scatter.add.f32 [tilespmem:s23], [sflag:$0x3], $0x80, s25, s25, $0xb8;
	[tilespmem:$0x1CB00] =	vst v63  }
0x99: {  	_ =	swait.ge [sflag:s24], $0x4000  }
0x9a: {  	s11 =	sshrl.u32 s11, $0x3;
	[sflag:s24] =	ssyncset.done $0x0  }
0x9b: {  	s14 =	sadd.s32 s5, s11;
	[sflag:s24] =	ssyncadd.s32 $0xFFFFC000  }
0x9c: {  	[tilespmem:s4], [sflag:$0x3] =	stream.linear.gather [hbm4b:s14+s4], $0x80, $0x38;
	[tilespmem:$0x1CB00] =	vst v63  }
0x9d: {  	_ =	swait.ge [sflag:s24], $0x80  }
0x9e: {  	[sflag:s24] =	ssyncset.done $0x0  }
0x9f: {  	s11 =	sadd.s32 s1, s11;
	[sflag:s24] =	ssyncadd.s32 $0xFFFFFF80  }
0xa0: {  	[tilespmem:s25], [sflag:$0x3] =	stream.linear.gather [hbm4b:s11+s4], $0x80, $0x38;
	[tilespmem:$0x1CB00] =	vst v63  }
0xa1: {  	_ =	swait.ge [sflag:s24], $0x80  }
0xa2: {  	[sflag:s24] =	ssyncset.done $0x0  }
0xa3: {  	[sflag:s24] =	ssyncadd.s32 $0xFFFFFF80  }
0xa4: {  	[tilespmem:s23], [sflag:$0x1] =	stream.indirect.gather [hbm4b:s6+s25], $0x80, s4, s25, $0xb8;
	[tilespmem:$0x1CB00] =	vst v63  }
0xa5: {  	_ =	swait.ge [sflag:s31], $0x4000  }
0xa6: {  	[sflag:s31] =	ssyncset.done $0x0  }
0xa7: {  	[sflag:s31] =	ssyncadd.s32 $0xFFFFC000  }
0xa8: {  	[spmem:s3] =	stream.indirect.scatter.add.f32 [tilespmem:s29], [sflag:$0x3], $0x80, s28, s25, $0xb8;
	[tilespmem:$0x1CB00] =	vst v63  }
0xa9: {  	_ =	swait.ge [sflag:s24], $0x4000  }
0xaa: {  	[sflag:s24] =	ssyncset.done $0x0  }
0xab: {  	s15 =	rddreg [dreg:$0x6];
	[sflag:s24] =	ssyncadd.s32 $0xFFFFC000  }
0xac: {  	[tilespmem:s26], [sflag:$0x3] =	stream.linear.gather [hbm4b:s15+s4], $0x80, $0x38;
	[tilespmem:$0x1CB00] =	vst v63  }
0xad: {  	_ =	swait.ge [sflag:s24], $0x80  }
0xae: {  	[sflag:s24] =	ssyncset.done $0x0  }
0xaf: {  	s16 =	rddreg [dreg:$0x7];
	[sflag:s24] =	ssyncadd.s32 $0xFFFFFF80  }
0xb0: {  	[tilespmem:s28], [sflag:$0x3] =	stream.linear.gather [hbm4b:s16+s4], $0x80, $0x38;
	[tilespmem:$0x1CB00] =	vst v63  }
0xb1: {  	_ =	swait.ge [sflag:s24], $0x80  }
0xb2: {  	[sflag:s24] =	ssyncset.done $0x0  }
0xb3: {  	[sflag:s24] =	ssyncadd.s32 $0xFFFFFF80  }
0xb4: {  	[tilespmem:s29], [sflag:$0x2] =	stream.indirect.gather [hbm4b:s6+s25], $0x80, s26, s25, $0xb8;
	[tilespmem:$0x1CB00] =	vst v63  }
0xb5: {  	_ =	swait.ge [sflag:s30], $0x4000  }
0xb6: {  	[sflag:s30] =	ssyncset.done $0x0  }
0xb7: {  	[sflag:s30] =	ssyncadd.s32 $0xFFFFC000  }
0xb8: {  	[spmem:s3] =	stream.indirect.scatter.add.f32 [tilespmem:s23], [sflag:$0x3], $0x80, s25, s25, $0xb8;
	[tilespmem:$0x1CB00] =	vst v63  }
0xb9: {  	_ =	swait.ge [sflag:s24], $0x4000  }
0xba: {  	[sflag:s24] =	ssyncset.done $0x0  }
0xbb: {  	[sflag:s24] =	ssyncadd.s32 $0xFFFFC000  }
0xbc: {  	_ =	swait.ge [sflag:s31], $0x4000  }
0xbd: {  	[sflag:s31] =	ssyncset.done $0x0  }
0xbe: {  	[sflag:s31] =	ssyncadd.s32 $0xFFFFC000  }
0xbf: {  	[spmem:s3] =	stream.indirect.scatter.add.f32 [tilespmem:s29], [sflag:$0x3], $0x80, s28, s25, $0xb8;
	[tilespmem:$0x1CB00] =	vst v63  }
0xc0: {  	_ =	swait.ge [sflag:s24], $0x4000  }
0xc1: {  	[sflag:s24] =	ssyncset.done $0x0  }
0xc2: {  	s12 =	rddreg [dreg:$0x8];
	[sflag:s24] =	ssyncadd.s32 $0xFFFFC000  }
0xc3: {  	[tilespmem:s0], [sflag:$0x3] =	stream.linear.gather [hbm4b:s12+s4], $0x10, $0x38;
	[tilespmem:$0x1CB00] =	vst v63  }
0xc4: {  	_ =	swait.ge [sflag:s24], $0x10  }
0xc5: {  	[sflag:s24] =	ssyncset.done $0x0  }
0xc6: {  	s13 =	rddreg [dreg:$0x9];
	[sflag:s24] =	ssyncadd.s32 $0xFFFFFFF0  }
0xc7: {  	[tilespmem:s2], [sflag:$0x3] =	stream.linear.gather [hbm4b:s13+s4], $0x10, $0x38;
	[tilespmem:$0x1CB00] =	vst v63  }
0xc8: {  	_ =	swait.ge [sflag:s24], $0x10  }
0xc9: {  	[sflag:s24] =	ssyncset.done $0x0  }
0xca: {  	[sflag:s24] =	ssyncadd.s32 $0xFFFFFFF0  }
0xcb: {  	[tilespmem:s9], [sflag:$0x1] =	stream.indirect.gather [hbm4b:s6+s8], $0x80, s0, s8, $0xb8;
	[tilespmem:$0x1CB00] =	vst v63  }
0xcc: {  	_ =	swait.ge [sflag:s30], $0x800  }
0xcd: {  	[sflag:s30] =	ssyncset.done $0x0  }
0xce: {  	[sflag:s30] =	ssyncadd.s32 $0xFFFFF800  }
0xcf: {  	[spmem:s3] =	stream.indirect.scatter.add.f32 [tilespmem:s9], [sflag:$0x3], $0x80, s2, s8, $0xb8;
	[tilespmem:$0x1CB00] =	vst v63  }
0xd0: {  	_ =	swait.ge [sflag:s24], $0x800  }
0xd1: {  	s14 =	stileid.u32;
	[sflag:s24] =	ssyncset.done $0x0  }
0xd2: {  	s11 =	sshll.u32 s14, $0x6;
	[sflag:s24] =	ssyncadd.s32 $0xFFFFF800  }
0xd3: {  	s11 =	sor.u32 $0x1C03, s11;
	s15 =	sshrl.u32 s7, $0x3;
	[bflag:$0x0] =	sbarrier.arrive $0xFFFF  }
0xd4: {  	[hbm:s19], [sflag:s11] =	dma.local [spmem:s15], $0x2800  }
0xd5: {  	_ =	swait.ge [sflag:s24], $0x2800  }
0xd6: {  	s10 =	sadd.s32 $0x1, s10;
	s16 =	rddreg [dreg:$0xa]  }
0xd7: {  	p0 =	sne.s32 s10, s16  }
.Ltmp2:
0xd8: {  	_ = 	snop;
	(pc) =	sbr.rel @p0 .LBB2_1-.Ltmp2, $3  }
0xd9: {  	_ =	sdelay $0x1  }
0xda: {  	[sflag:s24] =	ssyncset.done $0x0  }
0xdb: {  	[sflag:s24] =	ssyncadd.s32 $0xFFFFD800  }
0xdc: {  	_ =	sfence.sel $0x180000  }
0xdd: {  	[bflag:$0x0] =	sbarrier.arrive $0xFFFF  }
0xde: {  	_ =	strace $0x90000050  }
0xdf: {  	s0 =	stileid.u32;
	[bflag:$0x2] =	sbarrier.arrive $0xFFFF  }
0xe0: {  	p0 =	sne.s32 s0, $0x0;
	s0 =	rddreg [dreg:$0x3]  }
0xe1: {  	s0 =	sadd.s32 @!p0 $0x100000, s0  }
0xe2: {  	[sflag:s0] =	ssyncadd.tile.s32 @!p0 $0x1;
	_ =	shalt  }
.Lfunc_end2:
_tile_overlayer_lowered:
.L_overlay_start_2:
0xe3: {  	(tag) =	ssettag $0x2  }
0xe4: {  	s0 =	rddreg [dreg:$0x0];
	s2 =	stileid.u32  }
0xe5: {  	s1 =	rddreg [dreg:$0x1];
	p0 =	sne.s32 s2, $0x0  }
0xe6: {  	s3 =	rddreg [dreg:$0x2];
	[bflag:$0x3] =	sbarrier.arrive $0xFFFF;
	s2 =	simm.s32 @!p0 $0x1C03  }
0xe7: {  	[timem:s3], [sflag:s2] =	dma.local @!p0 [hbm:s0], s1  }
0xe8: {  	s0 =	simm.s32 @!p0 $0x3  }
0xe9: {  	_ =	swait.ge @!p0 [sflag:s0], s1  }
0xea: {  	s1 =	ssub.s32 @!p0 $0x0, s1;
	[sflag:s0] =	ssyncset.done @!p0 $0x0  }
0xeb: {  	[sflag:s0] =	ssyncadd.s32 @!p0 s1  }
0xec: {  	[bflag:$0x3] =	sbarrier.arrive $0xFFFF  }
0xed: {  	_ =	shalt  }

</sc_bundles>
